<compile_context>
chip_gen: v7x
topology: tpu7x:2x2x1
jax: 0.10.2.dev20260603
libtpu: 0.0.44.dev20260713+nightly
codegen_flags: <defaults>
</compile_context>

<pallas_src>
import functools

import jax
import jax.numpy as jnp
from jax import lax
from jax.experimental import pallas as pl
from jax.experimental.pallas import tpu as pltpu
from jax.experimental.pallas import tpu_sc as plsc

EPS_LN = 1e-12

_NC = 2
_NS = 16
_NW = _NC * _NS
_GW = 16
_RING = 2
_TB = 512
_NCH = 4


def _sc_gather(word_emb, flat_ids):
    n = flat_ids.shape[0]
    _, d = word_emb.shape
    b_per_w = n // _NW
    nsub = b_per_w // _GW
    mesh = plsc.VectorSubcoreMesh(core_axis_name="c", subcore_axis_name="s")

    ring = min(_RING, nsub)

    @functools.partial(
        pl.kernel,
        mesh=mesh,
        out_type=jax.ShapeDtypeStruct((n, d), word_emb.dtype),
        scratch_types=[
            pltpu.VMEM((b_per_w,), jnp.int32),
        ]
        + [pltpu.VMEM((_GW, d), word_emb.dtype) for _ in range(ring)]
        + [pltpu.SemaphoreType.DMA for _ in range(2 * ring)],
    )
    def gather_kernel(table_hbm, idx_hbm, out_hbm, idx_v, *scr):
        bufs = scr[:ring]
        gsems = scr[ring:2 * ring]
        osems = scr[2 * ring:]
        wid = lax.axis_index("s") * _NC + lax.axis_index("c")
        base = wid * b_per_w
        pltpu.sync_copy(idx_hbm.at[pl.ds(base, b_per_w)], idx_v)

        def gath(j):
            return pltpu.make_async_copy(
                table_hbm.at[idx_v.at[pl.ds(j * _GW, _GW)]],
                bufs[j % ring],
                gsems[j % ring],
            )

        def wr(j):
            return pltpu.make_async_copy(
                bufs[j % ring],
                out_hbm.at[pl.ds(base + j * _GW, _GW)],
                osems[j % ring],
            )

        for r in range(ring):
            gath(r).start()
        for j in range(nsub):
            gath(j).wait()
            wr(j).start()
            k = j - (ring - 1)
            if k >= 0 and k + ring < nsub:
                wr(k).wait()
                gath(k + ring).start()
        for j in range(max(0, nsub - ring), nsub):
            wr(j).wait()

    return gather_kernel(word_emb, flat_ids)


def _ln_body_first(g_ref, pos_ref, tt_ref, tok_ref, gam_ref, bet_ref, o_ref):
    e = g_ref[...] + pos_ref[...]
    w = tt_ref[...].astype(jnp.float32)
    e = e + (tok_ref[0:1, :] + w * (tok_ref[1:2, :] - tok_ref[0:1, :]))
    mu = jnp.mean(e, axis=1, keepdims=True)
    m2 = jnp.mean(e * e, axis=1, keepdims=True)
    a = lax.rsqrt(m2 - mu * mu + EPS_LN)
    o_ref[...] = (e - mu) * a * gam_ref[...] + bet_ref[...]


def _ln_body_next(prev_ref, g_ref, pos_ref, tt_ref, tok_ref, gam_ref, bet_ref,
                  o_ref):
    del prev_ref
    _ln_body_first(g_ref, pos_ref, tt_ref, tok_ref, gam_ref, bet_ref, o_ref)


def _tc_ln_chunk(out_prev, gathered, tt_w, pos_emb, tok_emb, gamma2d, beta2d,
                 s_start, n_s_total, batch, total_n):
    n_ck, h = gathered.shape
    sw = n_ck // batch
    tb = min(_TB, sw)
    n_sc = sw // tb
    blk0 = s_start // tb
    n_blk_total = (n_s_total * _TB) // tb
    grid = (n_sc, batch)
    data_specs = [
        pl.BlockSpec((tb, h), lambda i, bb: (bb * n_sc + i, 0)),
        pl.BlockSpec((tb, h), lambda i, bb: (blk0 + i, 0)),
        pl.BlockSpec((tb, 1), lambda i, bb: (bb * n_sc + i, 0)),
        pl.BlockSpec(tok_emb.shape, lambda i, bb: (0, 0)),
        pl.BlockSpec((1, h), lambda i, bb: (0, 0)),
        pl.BlockSpec((1, h), lambda i, bb: (0, 0)),
    ]
    out_spec = pl.BlockSpec(
        (tb, h), lambda i, bb: (bb * n_blk_total + blk0 + i, 0)
    )
    out_shape = jax.ShapeDtypeStruct((total_n, h), jnp.float32)
    data = (gathered, pos_emb, tt_w, tok_emb, gamma2d, beta2d)
    if out_prev is None:
        return pl.pallas_call(
            _ln_body_first,
            grid=grid,
            in_specs=data_specs,
            out_specs=out_spec,
            out_shape=out_shape,
        )(*data)
    return pl.pallas_call(
        _ln_body_next,
        grid=grid,
        in_specs=[pl.BlockSpec(memory_space=pl.ANY)] + data_specs,
        out_specs=out_spec,
        out_shape=out_shape,
        input_output_aliases={0: 0},
    )(out_prev, *data)


def kernel(input_ids, token_type_ids, word_emb, pos_emb, tok_emb, gamma, beta):
    b, s = input_ids.shape
    h = word_emb.shape[1]
    ids = input_ids.astype(jnp.int32)
    tt_i = token_type_ids.astype(jnp.int32)
    pos = pos_emb[:s]
    gamma2d = gamma.reshape(1, -1)
    beta2d = beta.reshape(1, -1)
    n_s_total = s // _TB
    out = None
    s_start = 0
    for sw in (s // _NCH,) * _NCH:
        ids_c = ids[:, s_start:s_start + sw].reshape(-1)
        tt_c = tt_i[:, s_start:s_start + sw].reshape(-1, 1)
        gathered = _sc_gather(word_emb, ids_c)
        out = _tc_ln_chunk(out, gathered, tt_c, pos, tok_emb, gamma2d, beta2d,
                           s_start, n_s_total, b, b * s)
        s_start += sw
    return out.reshape(b, s, h)

# --- scband reference (transcript-rebuilt; emitter-appended) ---
"""Pipeline reference for scband-bert-embeddings-71871982731334 (READ-ONLY COPY).

The authoritative reference and input builder live on the scoring server;
editing this copy changes nothing except your own understanding.
"""

import jax, jax.numpy as jnp
import numpy as np

VOCAB = 30522
HIDDEN = 2048
MAX_POS = 2048
TYPE_VOCAB = 2
EPS = 1e-12
B, S = 4, 2048


def setup_inputs(seed: int = 0) -> dict:
    key = jax.random.key(seed)
    k1, k2, k3, k4, k5 = jax.random.split(key, 5)
    input_ids = jax.random.randint(k1, (B, S), 0, VOCAB, dtype=jnp.int64 if jax.config.jax_enable_x64 else jnp.int32)
    token_type_ids = jax.random.randint(k2, (B, S), 0, TYPE_VOCAB, dtype=input_ids.dtype)
    word_emb = jax.random.normal(k3, (VOCAB, HIDDEN), dtype=jnp.float32) * 0.02
    word_emb = word_emb.at[0].set(0.0)  # padding_idx=0
    pos_emb = jax.random.normal(k4, (MAX_POS, HIDDEN), dtype=jnp.float32) * 0.02
    tok_emb = jax.random.normal(k5, (TYPE_VOCAB, HIDDEN), dtype=jnp.float32) * 0.02
    gamma = jnp.ones((HIDDEN,), dtype=jnp.float32)
    beta = jnp.zeros((HIDDEN,), dtype=jnp.float32)
    return {"input_ids": input_ids, "token_type_ids": token_type_ids,
            "word_emb": word_emb, "pos_emb": pos_emb, "tok_emb": tok_emb,
            "gamma": gamma, "beta": beta}


def reference(input_ids, token_type_ids, word_emb, pos_emb, tok_emb, gamma, beta):
    seq_length = input_ids.shape[1]
    position_ids = jnp.broadcast_to(jnp.arange(seq_length)[None, :], input_ids.shape)
    inputs_embeds = jnp.take(word_emb, input_ids, axis=0)
    position_embeddings = jnp.take(pos_emb, position_ids, axis=0)
    token_type_embeddings = jnp.take(tok_emb, token_type_ids, axis=0)
    embeddings = inputs_embeds + position_embeddings + token_type_embeddings
    mean = jnp.mean(embeddings, axis=-1, keepdims=True)
    var = jnp.mean(jnp.square(embeddings - mean), axis=-1, keepdims=True)
    normed = (embeddings - mean) / jnp.sqrt(var + EPS)
    out = normed * gamma + beta
    # dropout is identity in eval mode
    return out

if __name__ == "__main__":
    import jax
    _d = setup_inputs()
    print(jax.jit(kernel)(*tuple(_d.values())))

</pallas_src>

<mosaic_0001>
#map = affine_map<(d0, d1) -> (0, 0)>
#map1 = affine_map<(d0, d1) -> (0)>
module attributes {stable_mosaic.version = 14 : i64} {
  func.func @gather_kernel(%arg0: i32, %arg1: i32, %arg2: memref<30522x2048xf32, #tpu.memory_space<hbm>>, %arg3: memref<2048xi32, #tpu.memory_space<hbm>>, %arg4: memref<2048x2048xf32, #tpu.memory_space<hbm>>, %arg5: memref<64xi32, #tpu.memory_space<vmem>>, %arg6: memref<16x2048xf32, #tpu.memory_space<vmem>>, %arg7: memref<16x2048xf32, #tpu.memory_space<vmem>>, %arg8: memref<!tpu.dma_semaphore, #tpu.memory_space<semaphore_mem>>, %arg9: memref<!tpu.dma_semaphore, #tpu.memory_space<semaphore_mem>>, %arg10: memref<!tpu.dma_semaphore, #tpu.memory_space<semaphore_mem>>, %arg11: memref<!tpu.dma_semaphore, #tpu.memory_space<semaphore_mem>>) attributes {dimension_semantics = [#tpu.dimension_semantics<core_parallel>, #tpu.dimension_semantics<subcore_parallel>], iteration_bounds = array<i64: 2, 16>, scalar_prefetch = 0 : i64, scratch_operands = 7 : i64, tpu.core_type = #tpu.core_type<sc_vector_subcore>, window_params = [{transform_indices = #map}, {transform_indices = #map1}, {transform_indices = #map}]} {
    %mul3A = arith.constant 2 : i32
    %mul3A_0 = arith.muli %arg1, %mul3A : i32
    %add3A = arith.addi %mul3A_0, %arg0 : i32
    %mul3A_1 = arith.constant 64 : i32
    %mul3A_2 = arith.muli %add3A, %mul3A_1 : i32
    "tpu.region"() ({
      %run_scoped3A = tpu.sem_alloc : memref<!tpu.dma_semaphore, #tpu.memory_space<semaphore_mem>>
      %dma_start3A_89 = tpu.memref_slice %arg3[%mul3A_2] : memref<2048xi32, #tpu.memory_space<hbm>> -> memref<64xi32, #tpu.memory_space<hbm>>
      %dma_start3A_90 = tpu.memref_slice %arg3[%mul3A_2] : memref<2048xi32, #tpu.memory_space<hbm>> -> memref<64xi32, #tpu.memory_space<hbm>>
      tpu.enqueue_dma source(%dma_start3A_90 : memref<64xi32, #tpu.memory_space<hbm>>) target(%arg5 : memref<64xi32, #tpu.memory_space<vmem>>) target_semaphore(%run_scoped3A : memref<!tpu.dma_semaphore, #tpu.memory_space<semaphore_mem>>)
      %dma_wait3A_91 = tpu.memref_slice %arg3[%mul3A_2] : memref<2048xi32, #tpu.memory_space<hbm>> -> memref<64xi32, #tpu.memory_space<hbm>>
      %dma_wait3A_92 = tpu.memref_slice %arg3[%mul3A_2] : memref<2048xi32, #tpu.memory_space<hbm>> -> memref<64xi32, #tpu.memory_space<hbm>>
      tpu.wait_dma2 semaphore(%run_scoped3A : memref<!tpu.dma_semaphore, #tpu.memory_space<semaphore_mem>>) src(%dma_wait3A_92 : memref<64xi32, #tpu.memory_space<hbm>>) dst(%arg5 : memref<64xi32, #tpu.memory_space<vmem>>)
      tpu.yield
    }) : () -> ()
    %dma_start3A = arith.constant 0 : i32
    %dma_start3A_3 = tpu.memref_slice %arg5[%dma_start3A] : memref<64xi32, #tpu.memory_space<vmem>> -> memref<16xi32, #tpu.memory_space<vmem>>
    %dma_start3A_4 = arith.constant 0 : i32
    %dma_start3A_5 = arith.constant 0 : i32
    %dma_start3A_6 = tpu.memref_slice %arg2[%dma_start3A_4, %dma_start3A_5] : memref<30522x2048xf32, #tpu.memory_space<hbm>> -> memref<30522x2048xf32, #tpu.memory_space<hbm>>
    tpu.enqueue_indirect_dma source(%dma_start3A_6 : memref<30522x2048xf32, #tpu.memory_space<hbm>>) target(%arg6 : memref<16x2048xf32, #tpu.memory_space<vmem>>) offsets(%dma_start3A_3 : memref<16xi32, #tpu.memory_space<vmem>>) semaphore(%arg8 : memref<!tpu.dma_semaphore, #tpu.memory_space<semaphore_mem>>)
    %dma_start3A_7 = arith.constant 16 : i32
    %dma_start3A_8 = tpu.memref_slice %arg5[%dma_start3A_7] : memref<64xi32, #tpu.memory_space<vmem>> -> memref<16xi32, #tpu.memory_space<vmem>>
    %dma_start3A_9 = arith.constant 0 : i32
    %dma_start3A_10 = arith.constant 0 : i32
    %dma_start3A_11 = tpu.memref_slice %arg2[%dma_start3A_9, %dma_start3A_10] : memref<30522x2048xf32, #tpu.memory_space<hbm>> -> memref<30522x2048xf32, #tpu.memory_space<hbm>>
    tpu.enqueue_indirect_dma source(%dma_start3A_11 : memref<30522x2048xf32, #tpu.memory_space<hbm>>) target(%arg7 : memref<16x2048xf32, #tpu.memory_space<vmem>>) offsets(%dma_start3A_8 : memref<16xi32, #tpu.memory_space<vmem>>) semaphore(%arg9 : memref<!tpu.dma_semaphore, #tpu.memory_space<semaphore_mem>>)
    %dma_wait3A = arith.constant 0 : i32
    %dma_wait3A_12 = tpu.memref_slice %arg5[%dma_wait3A] : memref<64xi32, #tpu.memory_space<vmem>> -> memref<16xi32, #tpu.memory_space<vmem>>
    %dma_wait3A_13 = arith.constant 0 : i32
    %dma_wait3A_14 = arith.constant 0 : i32
    %dma_wait3A_15 = tpu.memref_slice %arg2[%dma_wait3A_13, %dma_wait3A_14] : memref<30522x2048xf32, #tpu.memory_space<hbm>> -> memref<30522x2048xf32, #tpu.memory_space<hbm>>
    tpu.wait_indirect_dma semaphore(%arg8 : memref<!tpu.dma_semaphore, #tpu.memory_space<semaphore_mem>>) src(%dma_wait3A_15 : memref<30522x2048xf32, #tpu.memory_space<hbm>>) dst(%arg6 : memref<16x2048xf32, #tpu.memory_space<vmem>>)
    %add3A_16 = arith.constant 0 : i32
    %add3A_17 = arith.addi %mul3A_2, %add3A_16 : i32
    %dma_start3A_18 = arith.constant 0 : i32
    %dma_start3A_19 = tpu.memref_slice %arg4[%add3A_17, %dma_start3A_18] : memref<2048x2048xf32, #tpu.memory_space<hbm>> -> memref<16x2048xf32, #tpu.memory_space<hbm>>
    %dma_start3A_20 = arith.constant 0 : i32
    %dma_start3A_21 = tpu.memref_slice %arg4[%add3A_17, %dma_start3A_20] : memref<2048x2048xf32, #tpu.memory_space<hbm>> -> memref<16x2048xf32, #tpu.memory_space<hbm>>
    tpu.enqueue_dma source(%arg6 : memref<16x2048xf32, #tpu.memory_space<vmem>>) target(%dma_start3A_21 : memref<16x2048xf32, #tpu.memory_space<hbm>>) target_semaphore(%arg10 : memref<!tpu.dma_semaphore, #tpu.memory_space<semaphore_mem>>)
    %dma_wait3A_22 = arith.constant 16 : i32
    %dma_wait3A_23 = tpu.memref_slice %arg5[%dma_wait3A_22] : memref<64xi32, #tpu.memory_space<vmem>> -> memref<16xi32, #tpu.memory_space<vmem>>
    %dma_wait3A_24 = arith.constant 0 : i32
    %dma_wait3A_25 = arith.constant 0 : i32
    %dma_wait3A_26 = tpu.memref_slice %arg2[%dma_wait3A_24, %dma_wait3A_25] : memref<30522x2048xf32, #tpu.memory_space<hbm>> -> memref<30522x2048xf32, #tpu.memory_space<hbm>>
    tpu.wait_indirect_dma semaphore(%arg9 : memref<!tpu.dma_semaphore, #tpu.memory_space<semaphore_mem>>) src(%dma_wait3A_26 : memref<30522x2048xf32, #tpu.memory_space<hbm>>) dst(%arg7 : memref<16x2048xf32, #tpu.memory_space<vmem>>)
    %add3A_27 = arith.constant 16 : i32
    %add3A_28 = arith.addi %mul3A_2, %add3A_27 : i32
    %dma_start3A_29 = arith.constant 0 : i32
    %dma_start3A_30 = tpu.memref_slice %arg4[%add3A_28, %dma_start3A_29] : memref<2048x2048xf32, #tpu.memory_space<hbm>> -> memref<16x2048xf32, #tpu.memory_space<hbm>>
    %dma_start3A_31 = arith.constant 0 : i32
    %dma_start3A_32 = tpu.memref_slice %arg4[%add3A_28, %dma_start3A_31] : memref<2048x2048xf32, #tpu.memory_space<hbm>> -> memref<16x2048xf32, #tpu.memory_space<hbm>>
    tpu.enqueue_dma source(%arg7 : memref<16x2048xf32, #tpu.memory_space<vmem>>) target(%dma_start3A_32 : memref<16x2048xf32, #tpu.memory_space<hbm>>) target_semaphore(%arg11 : memref<!tpu.dma_semaphore, #tpu.memory_space<semaphore_mem>>)
    %add3A_33 = arith.constant 0 : i32
    %add3A_34 = arith.addi %mul3A_2, %add3A_33 : i32
    %dma_wait3A_35 = arith.constant 0 : i32
    %dma_wait3A_36 = tpu.memref_slice %arg4[%add3A_34, %dma_wait3A_35] : memref<2048x2048xf32, #tpu.memory_space<hbm>> -> memref<16x2048xf32, #tpu.memory_space<hbm>>
    %dma_wait3A_37 = arith.constant 0 : i32
    %dma_wait3A_38 = tpu.memref_slice %arg4[%add3A_34, %dma_wait3A_37] : memref<2048x2048xf32, #tpu.memory_space<hbm>> -> memref<16x2048xf32, #tpu.memory_space<hbm>>
    tpu.wait_dma2 semaphore(%arg10 : memref<!tpu.dma_semaphore, #tpu.memory_space<semaphore_mem>>) src(%arg6 : memref<16x2048xf32, #tpu.memory_space<vmem>>) dst(%dma_wait3A_38 : memref<16x2048xf32, #tpu.memory_space<hbm>>)
    %dma_start3A_39 = arith.constant 32 : i32
    %dma_start3A_40 = tpu.memref_slice %arg5[%dma_start3A_39] : memref<64xi32, #tpu.memory_space<vmem>> -> memref<16xi32, #tpu.memory_space<vmem>>
    %dma_start3A_41 = arith.constant 0 : i32
    %dma_start3A_42 = arith.constant 0 : i32
    %dma_start3A_43 = tpu.memref_slice %arg2[%dma_start3A_41, %dma_start3A_42] : memref<30522x2048xf32, #tpu.memory_space<hbm>> -> memref<30522x2048xf32, #tpu.memory_space<hbm>>
    tpu.enqueue_indirect_dma source(%dma_start3A_43 : memref<30522x2048xf32, #tpu.memory_space<hbm>>) target(%arg6 : memref<16x2048xf32, #tpu.memory_space<vmem>>) offsets(%dma_start3A_40 : memref<16xi32, #tpu.memory_space<vmem>>) semaphore(%arg8 : memref<!tpu.dma_semaphore, #tpu.memory_space<semaphore_mem>>)
    %dma_wait3A_44 = arith.constant 32 : i32
    %dma_wait3A_45 = tpu.memref_slice %arg5[%dma_wait3A_44] : memref<64xi32, #tpu.memory_space<vmem>> -> memref<16xi32, #tpu.memory_space<vmem>>
    %dma_wait3A_46 = arith.constant 0 : i32
    %dma_wait3A_47 = arith.constant 0 : i32
    %dma_wait3A_48 = tpu.memref_slice %arg2[%dma_wait3A_46, %dma_wait3A_47] : memref<30522x2048xf32, #tpu.memory_space<hbm>> -> memref<30522x2048xf32, #tpu.memory_space<hbm>>
    tpu.wait_indirect_dma semaphore(%arg8 : memref<!tpu.dma_semaphore, #tpu.memory_space<semaphore_mem>>) src(%dma_wait3A_48 : memref<30522x2048xf32, #tpu.memory_space<hbm>>) dst(%arg6 : memref<16x2048xf32, #tpu.memory_space<vmem>>)
    %add3A_49 = arith.constant 32 : i32
    %add3A_50 = arith.addi %mul3A_2, %add3A_49 : i32
    %dma_start3A_51 = arith.constant 0 : i32
    %dma_start3A_52 = tpu.memref_slice %arg4[%add3A_50, %dma_start3A_51] : memref<2048x2048xf32, #tpu.memory_space<hbm>> -> memref<16x2048xf32, #tpu.memory_space<hbm>>
    %dma_start3A_53 = arith.constant 0 : i32
    %dma_start3A_54 = tpu.memref_slice %arg4[%add3A_50, %dma_start3A_53] : memref<2048x2048xf32, #tpu.memory_space<hbm>> -> memref<16x2048xf32, #tpu.memory_space<hbm>>
    tpu.enqueue_dma source(%arg6 : memref<16x2048xf32, #tpu.memory_space<vmem>>) target(%dma_start3A_54 : memref<16x2048xf32, #tpu.memory_space<hbm>>) target_semaphore(%arg10 : memref<!tpu.dma_semaphore, #tpu.memory_space<semaphore_mem>>)
    %add3A_55 = arith.constant 16 : i32
    %add3A_56 = arith.addi %mul3A_2, %add3A_55 : i32
    %dma_wait3A_57 = arith.constant 0 : i32
    %dma_wait3A_58 = tpu.memref_slice %arg4[%add3A_56, %dma_wait3A_57] : memref<2048x2048xf32, #tpu.memory_space<hbm>> -> memref<16x2048xf32, #tpu.memory_space<hbm>>
    %dma_wait3A_59 = arith.constant 0 : i32
    %dma_wait3A_60 = tpu.memref_slice %arg4[%add3A_56, %dma_wait3A_59] : memref<2048x2048xf32, #tpu.memory_space<hbm>> -> memref<16x2048xf32, #tpu.memory_space<hbm>>
    tpu.wait_dma2 semaphore(%arg11 : memref<!tpu.dma_semaphore, #tpu.memory_space<semaphore_mem>>) src(%arg7 : memref<16x2048xf32, #tpu.memory_space<vmem>>) dst(%dma_wait3A_60 : memref<16x2048xf32, #tpu.memory_space<hbm>>)
    %dma_start3A_61 = arith.constant 48 : i32
    %dma_start3A_62 = tpu.memref_slice %arg5[%dma_start3A_61] : memref<64xi32, #tpu.memory_space<vmem>> -> memref<16xi32, #tpu.memory_space<vmem>>
    %dma_start3A_63 = arith.constant 0 : i32
    %dma_start3A_64 = arith.constant 0 : i32
    %dma_start3A_65 = tpu.memref_slice %arg2[%dma_start3A_63, %dma_start3A_64] : memref<30522x2048xf32, #tpu.memory_space<hbm>> -> memref<30522x2048xf32, #tpu.memory_space<hbm>>
    tpu.enqueue_indirect_dma source(%dma_start3A_65 : memref<30522x2048xf32, #tpu.memory_space<hbm>>) target(%arg7 : memref<16x2048xf32, #tpu.memory_space<vmem>>) offsets(%dma_start3A_62 : memref<16xi32, #tpu.memory_space<vmem>>) semaphore(%arg9 : memref<!tpu.dma_semaphore, #tpu.memory_space<semaphore_mem>>)
    %dma_wait3A_66 = arith.constant 48 : i32
    %dma_wait3A_67 = tpu.memref_slice %arg5[%dma_wait3A_66] : memref<64xi32, #tpu.memory_space<vmem>> -> memref<16xi32, #tpu.memory_space<vmem>>
    %dma_wait3A_68 = arith.constant 0 : i32
    %dma_wait3A_69 = arith.constant 0 : i32
    %dma_wait3A_70 = tpu.memref_slice %arg2[%dma_wait3A_68, %dma_wait3A_69] : memref<30522x2048xf32, #tpu.memory_space<hbm>> -> memref<30522x2048xf32, #tpu.memory_space<hbm>>
    tpu.wait_indirect_dma semaphore(%arg9 : memref<!tpu.dma_semaphore, #tpu.memory_space<semaphore_mem>>) src(%dma_wait3A_70 : memref<30522x2048xf32, #tpu.memory_space<hbm>>) dst(%arg7 : memref<16x2048xf32, #tpu.memory_space<vmem>>)
    %add3A_71 = arith.constant 48 : i32
    %add3A_72 = arith.addi %mul3A_2, %add3A_71 : i32
    %dma_start3A_73 = arith.constant 0 : i32
    %dma_start3A_74 = tpu.memref_slice %arg4[%add3A_72, %dma_start3A_73] : memref<2048x2048xf32, #tpu.memory_space<hbm>> -> memref<16x2048xf32, #tpu.memory_space<hbm>>
    %dma_start3A_75 = arith.constant 0 : i32
    %dma_start3A_76 = tpu.memref_slice %arg4[%add3A_72, %dma_start3A_75] : memref<2048x2048xf32, #tpu.memory_space<hbm>> -> memref<16x2048xf32, #tpu.memory_space<hbm>>
    tpu.enqueue_dma source(%arg7 : memref<16x2048xf32, #tpu.memory_space<vmem>>) target(%dma_start3A_76 : memref<16x2048xf32, #tpu.memory_space<hbm>>) target_semaphore(%arg11 : memref<!tpu.dma_semaphore, #tpu.memory_space<semaphore_mem>>)
    %add3A_77 = arith.constant 32 : i32
    %add3A_78 = arith.addi %mul3A_2, %add3A_77 : i32
    %dma_wait3A_79 = arith.constant 0 : i32
    %dma_wait3A_80 = tpu.memref_slice %arg4[%add3A_78, %dma_wait3A_79] : memref<2048x2048xf32, #tpu.memory_space<hbm>> -> memref<16x2048xf32, #tpu.memory_space<hbm>>
    %dma_wait3A_81 = arith.constant 0 : i32
    %dma_wait3A_82 = tpu.memref_slice %arg4[%add3A_78, %dma_wait3A_81] : memref<2048x2048xf32, #tpu.memory_space<hbm>> -> memref<16x2048xf32, #tpu.memory_space<hbm>>
    tpu.wait_dma2 semaphore(%arg10 : memref<!tpu.dma_semaphore, #tpu.memory_space<semaphore_mem>>) src(%arg6 : memref<16x2048xf32, #tpu.memory_space<vmem>>) dst(%dma_wait3A_82 : memref<16x2048xf32, #tpu.memory_space<hbm>>)
    %add3A_83 = arith.constant 48 : i32
    %add3A_84 = arith.addi %mul3A_2, %add3A_83 : i32
    %dma_wait3A_85 = arith.constant 0 : i32
    %dma_wait3A_86 = tpu.memref_slice %arg4[%add3A_84, %dma_wait3A_85] : memref<2048x2048xf32, #tpu.memory_space<hbm>> -> memref<16x2048xf32, #tpu.memory_space<hbm>>
    %dma_wait3A_87 = arith.constant 0 : i32
    %dma_wait3A_88 = tpu.memref_slice %arg4[%add3A_84, %dma_wait3A_87] : memref<2048x2048xf32, #tpu.memory_space<hbm>> -> memref<16x2048xf32, #tpu.memory_space<hbm>>
    tpu.wait_dma2 semaphore(%arg11 : memref<!tpu.dma_semaphore, #tpu.memory_space<semaphore_mem>>) src(%arg7 : memref<16x2048xf32, #tpu.memory_space<vmem>>) dst(%dma_wait3A_88 : memref<16x2048xf32, #tpu.memory_space<hbm>>)
    return
  }
}

#map = affine_map<(d0, d1) -> (0, 0)>
#map1 = affine_map<(d0, d1) -> (0)>
module attributes {stable_mosaic.version = 14 : i64} {
  func.func @gather_kernel(%arg0: i32, %arg1: i32, %arg2: memref<30522x2048xf32, #tpu.memory_space<hbm>>, %arg3: memref<2048xi32, #tpu.memory_space<hbm>>, %arg4: memref<2048x2048xf32, #tpu.memory_space<hbm>>, %arg5: memref<64xi32, #tpu.memory_space<vmem>>, %arg6: memref<16x2048xf32, #tpu.memory_space<vmem>>, %arg7: memref<16x2048xf32, #tpu.memory_space<vmem>>, %arg8: memref<!tpu.dma_semaphore, #tpu.memory_space<semaphore_mem>>, %arg9: memref<!tpu.dma_semaphore, #tpu.memory_space<semaphore_mem>>, %arg10: memref<!tpu.dma_semaphore, #tpu.memory_space<semaphore_mem>>, %arg11: memref<!tpu.dma_semaphore, #tpu.memory_space<semaphore_mem>>) attributes {dimension_semantics = [#tpu.dimension_semantics<core_parallel>, #tpu.dimension_semantics<subcore_parallel>], iteration_bounds = array<i64: 2, 16>, scalar_prefetch = 0 : i64, scratch_operands = 7 : i64, tpu.core_type = #tpu.core_type<sc_vector_subcore>, window_params = [{transform_indices = #map}, {transform_indices = #map1}, {transform_indices = #map}]} {
    %mul3A = arith.constant 2 : i32
    %mul3A_0 = arith.muli %arg1, %mul3A : i32
    %add3A = arith.addi %mul3A_0, %arg0 : i32
    %mul3A_1 = arith.constant 64 : i32
    %mul3A_2 = arith.muli %add3A, %mul3A_1 : i32
    "tpu.region"() ({
      %run_scoped3A = tpu.sem_alloc : memref<!tpu.dma_semaphore, #tpu.memory_space<semaphore_mem>>
      %dma_start3A_89 = tpu.memref_slice %arg3[%mul3A_2] : memref<2048xi32, #tpu.memory_space<hbm>> -> memref<64xi32, #tpu.memory_space<hbm>>
      %dma_start3A_90 = tpu.memref_slice %arg3[%mul3A_2] : memref<2048xi32, #tpu.memory_space<hbm>> -> memref<64xi32, #tpu.memory_space<hbm>>
      tpu.enqueue_dma source(%dma_start3A_90 : memref<64xi32, #tpu.memory_space<hbm>>) target(%arg5 : memref<64xi32, #tpu.memory_space<vmem>>) target_semaphore(%run_scoped3A : memref<!tpu.dma_semaphore, #tpu.memory_space<semaphore_mem>>)
      %dma_wait3A_91 = tpu.memref_slice %arg3[%mul3A_2] : memref<2048xi32, #tpu.memory_space<hbm>> -> memref<64xi32, #tpu.memory_space<hbm>>
      %dma_wait3A_92 = tpu.memref_slice %arg3[%mul3A_2] : memref<2048xi32, #tpu.memory_space<hbm>> -> memref<64xi32, #tpu.memory_space<hbm>>
      tpu.wait_dma2 semaphore(%run_scoped3A : memref<!tpu.dma_semaphore, #tpu.memory_space<semaphore_mem>>) src(%dma_wait3A_92 : memref<64xi32, #tpu.memory_space<hbm>>) dst(%arg5 : memref<64xi32, #tpu.memory_space<vmem>>)
      tpu.yield
    }) : () -> ()
    %dma_start3A = arith.constant 0 : i32
    %dma_start3A_3 = tpu.memref_slice %arg5[%dma_start3A] : memref<64xi32, #tpu.memory_space<vmem>> -> memref<16xi32, #tpu.memory_space<vmem>>
    %dma_start3A_4 = arith.constant 0 : i32
    %dma_start3A_5 = arith.constant 0 : i32
    %dma_start3A_6 = tpu.memref_slice %arg2[%dma_start3A_4, %dma_start3A_5] : memref<30522x2048xf32, #tpu.memory_space<hbm>> -> memref<30522x2048xf32, #tpu.memory_space<hbm>>
    tpu.enqueue_indirect_dma source(%dma_start3A_6 : memref<30522x2048xf32, #tpu.memory_space<hbm>>) target(%arg6 : memref<16x2048xf32, #tpu.memory_space<vmem>>) offsets(%dma_start3A_3 : memref<16xi32, #tpu.memory_space<vmem>>) semaphore(%arg8 : memref<!tpu.dma_semaphore, #tpu.memory_space<semaphore_mem>>)
    %dma_start3A_7 = arith.constant 16 : i32
    %dma_start3A_8 = tpu.memref_slice %arg5[%dma_start3A_7] : memref<64xi32, #tpu.memory_space<vmem>> -> memref<16xi32, #tpu.memory_space<vmem>>
    %dma_start3A_9 = arith.constant 0 : i32
    %dma_start3A_10 = arith.constant 0 : i32
    %dma_start3A_11 = tpu.memref_slice %arg2[%dma_start3A_9, %dma_start3A_10] : memref<30522x2048xf32, #tpu.memory_space<hbm>> -> memref<30522x2048xf32, #tpu.memory_space<hbm>>
    tpu.enqueue_indirect_dma source(%dma_start3A_11 : memref<30522x2048xf32, #tpu.memory_space<hbm>>) target(%arg7 : memref<16x2048xf32, #tpu.memory_space<vmem>>) offsets(%dma_start3A_8 : memref<16xi32, #tpu.memory_space<vmem>>) semaphore(%arg9 : memref<!tpu.dma_semaphore, #tpu.memory_space<semaphore_mem>>)
    %dma_wait3A = arith.constant 0 : i32
    %dma_wait3A_12 = tpu.memref_slice %arg5[%dma_wait3A] : memref<64xi32, #tpu.memory_space<vmem>> -> memref<16xi32, #tpu.memory_space<vmem>>
    %dma_wait3A_13 = arith.constant 0 : i32
    %dma_wait3A_14 = arith.constant 0 : i32
    %dma_wait3A_15 = tpu.memref_slice %arg2[%dma_wait3A_13, %dma_wait3A_14] : memref<30522x2048xf32, #tpu.memory_space<hbm>> -> memref<30522x2048xf32, #tpu.memory_space<hbm>>
    tpu.wait_indirect_dma semaphore(%arg8 : memref<!tpu.dma_semaphore, #tpu.memory_space<semaphore_mem>>) src(%dma_wait3A_15 : memref<30522x2048xf32, #tpu.memory_space<hbm>>) dst(%arg6 : memref<16x2048xf32, #tpu.memory_space<vmem>>)
    %add3A_16 = arith.constant 0 : i32
    %add3A_17 = arith.addi %mul3A_2, %add3A_16 : i32
    %dma_start3A_18 = arith.constant 0 : i32
    %dma_start3A_19 = tpu.memref_slice %arg4[%add3A_17, %dma_start3A_18] : memref<2048x2048xf32, #tpu.memory_space<hbm>> -> memref<16x2048xf32, #tpu.memory_space<hbm>>
    %dma_start3A_20 = arith.constant 0 : i32
    %dma_start3A_21 = tpu.memref_slice %arg4[%add3A_17, %dma_start3A_20] : memref<2048x2048xf32, #tpu.memory_space<hbm>> -> memref<16x2048xf32, #tpu.memory_space<hbm>>
    tpu.enqueue_dma source(%arg6 : memref<16x2048xf32, #tpu.memory_space<vmem>>) target(%dma_start3A_21 : memref<16x2048xf32, #tpu.memory_space<hbm>>) target_semaphore(%arg10 : memref<!tpu.dma_semaphore, #tpu.memory_space<semaphore_mem>>)
    %dma_wait3A_22 = arith.constant 16 : i32
    %dma_wait3A_23 = tpu.memref_slice %arg5[%dma_wait3A_22] : memref<64xi32, #tpu.memory_space<vmem>> -> memref<16xi32, #tpu.memory_space<vmem>>
    %dma_wait3A_24 = arith.constant 0 : i32
    %dma_wait3A_25 = arith.constant 0 : i32
    %dma_wait3A_26 = tpu.memref_slice %arg2[%dma_wait3A_24, %dma_wait3A_25] : memref<30522x2048xf32, #tpu.memory_space<hbm>> -> memref<30522x2048xf32, #tpu.memory_space<hbm>>
    tpu.wait_indirect_dma semaphore(%arg9 : memref<!tpu.dma_semaphore, #tpu.memory_space<semaphore_mem>>) src(%dma_wait3A_26 : memref<30522x2048xf32, #tpu.memory_space<hbm>>) dst(%arg7 : memref<16x2048xf32, #tpu.memory_space<vmem>>)
    %add3A_27 = arith.constant 16 : i32
    %add3A_28 = arith.addi %mul3A_2, %add3A_27 : i32
    %dma_start3A_29 = arith.constant 0 : i32
    %dma_start3A_30 = tpu.memref_slice %arg4[%add3A_28, %dma_start3A_29] : memref<2048x2048xf32, #tpu.memory_space<hbm>> -> memref<16x2048xf32, #tpu.memory_space<hbm>>
    %dma_start3A_31 = arith.constant 0 : i32
    %dma_start3A_32 = tpu.memref_slice %arg4[%add3A_28, %dma_start3A_31] : memref<2048x2048xf32, #tpu.memory_space<hbm>> -> memref<16x2048xf32, #tpu.memory_space<hbm>>
    tpu.enqueue_dma source(%arg7 : memref<16x2048xf32, #tpu.memory_space<vmem>>) target(%dma_start3A_32 : memref<16x2048xf32, #tpu.memory_space<hbm>>) target_semaphore(%arg11 : memref<!tpu.dma_semaphore, #tpu.memory_space<semaphore_mem>>)
    %add3A_33 = arith.constant 0 : i32
    %add3A_34 = arith.addi %mul3A_2, %add3A_33 : i32
    %dma_wait3A_35 = arith.constant 0 : i32
    %dma_wait3A_36 = tpu.memref_slice %arg4[%add3A_34, %dma_wait3A_35] : memref<2048x2048xf32, #tpu.memory_space<hbm>> -> memref<16x2048xf32, #tpu.memory_space<hbm>>
    %dma_wait3A_37 = arith.constant 0 : i32
    %dma_wait3A_38 = tpu.memref_slice %arg4[%add3A_34, %dma_wait3A_37] : memref<2048x2048xf32, #tpu.memory_space<hbm>> -> memref<16x2048xf32, #tpu.memory_space<hbm>>
    tpu.wait_dma2 semaphore(%arg10 : memref<!tpu.dma_semaphore, #tpu.memory_space<semaphore_mem>>) src(%arg6 : memref<16x2048xf32, #tpu.memory_space<vmem>>) dst(%dma_wait3A_38 : memref<16x2048xf32, #tpu.memory_space<hbm>>)
    %dma_start3A_39 = arith.constant 32 : i32
    %dma_start3A_40 = tpu.memref_slice %arg5[%dma_start3A_39] : memref<64xi32, #tpu.memory_space<vmem>> -> memref<16xi32, #tpu.memory_space<vmem>>
    %dma_start3A_41 = arith.constant 0 : i32
    %dma_start3A_42 = arith.constant 0 : i32
    %dma_start3A_43 = tpu.memref_slice %arg2[%dma_start3A_41, %dma_start3A_42] : memref<30522x2048xf32, #tpu.memory_space<hbm>> -> memref<30522x2048xf32, #tpu.memory_space<hbm>>
    tpu.enqueue_indirect_dma source(%dma_start3A_43 : memref<30522x2048xf32, #tpu.memory_space<hbm>>) target(%arg6 : memref<16x2048xf32, #tpu.memory_space<vmem>>) offsets(%dma_start3A_40 : memref<16xi32, #tpu.memory_space<vmem>>) semaphore(%arg8 : memref<!tpu.dma_semaphore, #tpu.memory_space<semaphore_mem>>)
    %dma_wait3A_44 = arith.constant 32 : i32
    %dma_wait3A_45 = tpu.memref_slice %arg5[%dma_wait3A_44] : memref<64xi32, #tpu.memory_space<vmem>> -> memref<16xi32, #tpu.memory_space<vmem>>
    %dma_wait3A_46 = arith.constant 0 : i32
    %dma_wait3A_47 = arith.constant 0 : i32
    %dma_wait3A_48 = tpu.memref_slice %arg2[%dma_wait3A_46, %dma_wait3A_47] : memref<30522x2048xf32, #tpu.memory_space<hbm>> -> memref<30522x2048xf32, #tpu.memory_space<hbm>>
    tpu.wait_indirect_dma semaphore(%arg8 : memref<!tpu.dma_semaphore, #tpu.memory_space<semaphore_mem>>) src(%dma_wait3A_48 : memref<30522x2048xf32, #tpu.memory_space<hbm>>) dst(%arg6 : memref<16x2048xf32, #tpu.memory_space<vmem>>)
    %add3A_49 = arith.constant 32 : i32
    %add3A_50 = arith.addi %mul3A_2, %add3A_49 : i32
    %dma_start3A_51 = arith.constant 0 : i32
    %dma_start3A_52 = tpu.memref_slice %arg4[%add3A_50, %dma_start3A_51] : memref<2048x2048xf32, #tpu.memory_space<hbm>> -> memref<16x2048xf32, #tpu.memory_space<hbm>>
    %dma_start3A_53 = arith.constant 0 : i32
    %dma_start3A_54 = tpu.memref_slice %arg4[%add3A_50, %dma_start3A_53] : memref<2048x2048xf32, #tpu.memory_space<hbm>> -> memref<16x2048xf32, #tpu.memory_space<hbm>>
    tpu.enqueue_dma source(%arg6 : memref<16x2048xf32, #tpu.memory_space<vmem>>) target(%dma_start3A_54 : memref<16x2048xf32, #tpu.memory_space<hbm>>) target_semaphore(%arg10 : memref<!tpu.dma_semaphore, #tpu.memory_space<semaphore_mem>>)
    %add3A_55 = arith.constant 16 : i32
    %add3A_56 = arith.addi %mul3A_2, %add3A_55 : i32
    %dma_wait3A_57 = arith.constant 0 : i32
    %dma_wait3A_58 = tpu.memref_slice %arg4[%add3A_56, %dma_wait3A_57] : memref<2048x2048xf32, #tpu.memory_space<hbm>> -> memref<16x2048xf32, #tpu.memory_space<hbm>>
    %dma_wait3A_59 = arith.constant 0 : i32
    %dma_wait3A_60 = tpu.memref_slice %arg4[%add3A_56, %dma_wait3A_59] : memref<2048x2048xf32, #tpu.memory_space<hbm>> -> memref<16x2048xf32, #tpu.memory_space<hbm>>
    tpu.wait_dma2 semaphore(%arg11 : memref<!tpu.dma_semaphore, #tpu.memory_space<semaphore_mem>>) src(%arg7 : memref<16x2048xf32, #tpu.memory_space<vmem>>) dst(%dma_wait3A_60 : memref<16x2048xf32, #tpu.memory_space<hbm>>)
    %dma_start3A_61 = arith.constant 48 : i32
    %dma_start3A_62 = tpu.memref_slice %arg5[%dma_start3A_61] : memref<64xi32, #tpu.memory_space<vmem>> -> memref<16xi32, #tpu.memory_space<vmem>>
    %dma_start3A_63 = arith.constant 0 : i32
    %dma_start3A_64 = arith.constant 0 : i32
    %dma_start3A_65 = tpu.memref_slice %arg2[%dma_start3A_63, %dma_start3A_64] : memref<30522x2048xf32, #tpu.memory_space<hbm>> -> memref<30522x2048xf32, #tpu.memory_space<hbm>>
    tpu.enqueue_indirect_dma source(%dma_start3A_65 : memref<30522x2048xf32, #tpu.memory_space<hbm>>) target(%arg7 : memref<16x2048xf32, #tpu.memory_space<vmem>>) offsets(%dma_start3A_62 : memref<16xi32, #tpu.memory_space<vmem>>) semaphore(%arg9 : memref<!tpu.dma_semaphore, #tpu.memory_space<semaphore_mem>>)
    %dma_wait3A_66 = arith.constant 48 : i32
    %dma_wait3A_67 = tpu.memref_slice %arg5[%dma_wait3A_66] : memref<64xi32, #tpu.memory_space<vmem>> -> memref<16xi32, #tpu.memory_space<vmem>>
    %dma_wait3A_68 = arith.constant 0 : i32
    %dma_wait3A_69 = arith.constant 0 : i32
    %dma_wait3A_70 = tpu.memref_slice %arg2[%dma_wait3A_68, %dma_wait3A_69] : memref<30522x2048xf32, #tpu.memory_space<hbm>> -> memref<30522x2048xf32, #tpu.memory_space<hbm>>
    tpu.wait_indirect_dma semaphore(%arg9 : memref<!tpu.dma_semaphore, #tpu.memory_space<semaphore_mem>>) src(%dma_wait3A_70 : memref<30522x2048xf32, #tpu.memory_space<hbm>>) dst(%arg7 : memref<16x2048xf32, #tpu.memory_space<vmem>>)
    %add3A_71 = arith.constant 48 : i32
    %add3A_72 = arith.addi %mul3A_2, %add3A_71 : i32
    %dma_start3A_73 = arith.constant 0 : i32
    %dma_start3A_74 = tpu.memref_slice %arg4[%add3A_72, %dma_start3A_73] : memref<2048x2048xf32, #tpu.memory_space<hbm>> -> memref<16x2048xf32, #tpu.memory_space<hbm>>
    %dma_start3A_75 = arith.constant 0 : i32
    %dma_start3A_76 = tpu.memref_slice %arg4[%add3A_72, %dma_start3A_75] : memref<2048x2048xf32, #tpu.memory_space<hbm>> -> memref<16x2048xf32, #tpu.memory_space<hbm>>
    tpu.enqueue_dma source(%arg7 : memref<16x2048xf32, #tpu.memory_space<vmem>>) target(%dma_start3A_76 : memref<16x2048xf32, #tpu.memory_space<hbm>>) target_semaphore(%arg11 : memref<!tpu.dma_semaphore, #tpu.memory_space<semaphore_mem>>)
    %add3A_77 = arith.constant 32 : i32
    %add3A_78 = arith.addi %mul3A_2, %add3A_77 : i32
    %dma_wait3A_79 = arith.constant 0 : i32
    %dma_wait3A_80 = tpu.memref_slice %arg4[%add3A_78, %dma_wait3A_79] : memref<2048x2048xf32, #tpu.memory_space<hbm>> -> memref<16x2048xf32, #tpu.memory_space<hbm>>
    %dma_wait3A_81 = arith.constant 0 : i32
    %dma_wait3A_82 = tpu.memref_slice %arg4[%add3A_78, %dma_wait3A_81] : memref<2048x2048xf32, #tpu.memory_space<hbm>> -> memref<16x2048xf32, #tpu.memory_space<hbm>>
    tpu.wait_dma2 semaphore(%arg10 : memref<!tpu.dma_semaphore, #tpu.memory_space<semaphore_mem>>) src(%arg6 : memref<16x2048xf32, #tpu.memory_space<vmem>>) dst(%dma_wait3A_82 : memref<16x2048xf32, #tpu.memory_space<hbm>>)
    %add3A_83 = arith.constant 48 : i32
    %add3A_84 = arith.addi %mul3A_2, %add3A_83 : i32
    %dma_wait3A_85 = arith.constant 0 : i32
    %dma_wait3A_86 = tpu.memref_slice %arg4[%add3A_84, %dma_wait3A_85] : memref<2048x2048xf32, #tpu.memory_space<hbm>> -> memref<16x2048xf32, #tpu.memory_space<hbm>>
    %dma_wait3A_87 = arith.constant 0 : i32
    %dma_wait3A_88 = tpu.memref_slice %arg4[%add3A_84, %dma_wait3A_87] : memref<2048x2048xf32, #tpu.memory_space<hbm>> -> memref<16x2048xf32, #tpu.memory_space<hbm>>
    tpu.wait_dma2 semaphore(%arg11 : memref<!tpu.dma_semaphore, #tpu.memory_space<semaphore_mem>>) src(%arg7 : memref<16x2048xf32, #tpu.memory_space<vmem>>) dst(%dma_wait3A_88 : memref<16x2048xf32, #tpu.memory_space<hbm>>)
    return
  }
}

#map = affine_map<(d0, d1) -> (0, 0)>
#map1 = affine_map<(d0, d1) -> (0)>
module attributes {stable_mosaic.version = 14 : i64} {
  func.func @gather_kernel(%arg0: i32, %arg1: i32, %arg2: memref<30522x2048xf32, #tpu.memory_space<hbm>>, %arg3: memref<2048xi32, #tpu.memory_space<hbm>>, %arg4: memref<2048x2048xf32, #tpu.memory_space<hbm>>, %arg5: memref<64xi32, #tpu.memory_space<vmem>>, %arg6: memref<16x2048xf32, #tpu.memory_space<vmem>>, %arg7: memref<16x2048xf32, #tpu.memory_space<vmem>>, %arg8: memref<!tpu.dma_semaphore, #tpu.memory_space<semaphore_mem>>, %arg9: memref<!tpu.dma_semaphore, #tpu.memory_space<semaphore_mem>>, %arg10: memref<!tpu.dma_semaphore, #tpu.memory_space<semaphore_mem>>, %arg11: memref<!tpu.dma_semaphore, #tpu.memory_space<semaphore_mem>>) attributes {dimension_semantics = [#tpu.dimension_semantics<core_parallel>, #tpu.dimension_semantics<subcore_parallel>], iteration_bounds = array<i64: 2, 16>, scalar_prefetch = 0 : i64, scratch_operands = 7 : i64, tpu.core_type = #tpu.core_type<sc_vector_subcore>, window_params = [{transform_indices = #map}, {transform_indices = #map1}, {transform_indices = #map}]} {
    %mul3A = arith.constant 2 : i32
    %mul3A_0 = arith.muli %arg1, %mul3A : i32
    %add3A = arith.addi %mul3A_0, %arg0 : i32
    %mul3A_1 = arith.constant 64 : i32
    %mul3A_2 = arith.muli %add3A, %mul3A_1 : i32
    "tpu.region"() ({
      %run_scoped3A = tpu.sem_alloc : memref<!tpu.dma_semaphore, #tpu.memory_space<semaphore_mem>>
      %dma_start3A_89 = tpu.memref_slice %arg3[%mul3A_2] : memref<2048xi32, #tpu.memory_space<hbm>> -> memref<64xi32, #tpu.memory_space<hbm>>
      %dma_start3A_90 = tpu.memref_slice %arg3[%mul3A_2] : memref<2048xi32, #tpu.memory_space<hbm>> -> memref<64xi32, #tpu.memory_space<hbm>>
      tpu.enqueue_dma source(%dma_start3A_90 : memref<64xi32, #tpu.memory_space<hbm>>) target(%arg5 : memref<64xi32, #tpu.memory_space<vmem>>) target_semaphore(%run_scoped3A : memref<!tpu.dma_semaphore, #tpu.memory_space<semaphore_mem>>)
      %dma_wait3A_91 = tpu.memref_slice %arg3[%mul3A_2] : memref<2048xi32, #tpu.memory_space<hbm>> -> memref<64xi32, #tpu.memory_space<hbm>>
      %dma_wait3A_92 = tpu.memref_slice %arg3[%mul3A_2] : memref<2048xi32, #tpu.memory_space<hbm>> -> memref<64xi32, #tpu.memory_space<hbm>>
      tpu.wait_dma2 semaphore(%run_scoped3A : memref<!tpu.dma_semaphore, #tpu.memory_space<semaphore_mem>>) src(%dma_wait3A_92 : memref<64xi32, #tpu.memory_space<hbm>>) dst(%arg5 : memref<64xi32, #tpu.memory_space<vmem>>)
      tpu.yield
    }) : () -> ()
    %dma_start3A = arith.constant 0 : i32
    %dma_start3A_3 = tpu.memref_slice %arg5[%dma_start3A] : memref<64xi32, #tpu.memory_space<vmem>> -> memref<16xi32, #tpu.memory_space<vmem>>
    %dma_start3A_4 = arith.constant 0 : i32
    %dma_start3A_5 = arith.constant 0 : i32
    %dma_start3A_6 = tpu.memref_slice %arg2[%dma_start3A_4, %dma_start3A_5] : memref<30522x2048xf32, #tpu.memory_space<hbm>> -> memref<30522x2048xf32, #tpu.memory_space<hbm>>
    tpu.enqueue_indirect_dma source(%dma_start3A_6 : memref<30522x2048xf32, #tpu.memory_space<hbm>>) target(%arg6 : memref<16x2048xf32, #tpu.memory_space<vmem>>) offsets(%dma_start3A_3 : memref<16xi32, #tpu.memory_space<vmem>>) semaphore(%arg8 : memref<!tpu.dma_semaphore, #tpu.memory_space<semaphore_mem>>)
    %dma_start3A_7 = arith.constant 16 : i32
    %dma_start3A_8 = tpu.memref_slice %arg5[%dma_start3A_7] : memref<64xi32, #tpu.memory_space<vmem>> -> memref<16xi32, #tpu.memory_space<vmem>>
    %dma_start3A_9 = arith.constant 0 : i32
    %dma_start3A_10 = arith.constant 0 : i32
    %dma_start3A_11 = tpu.memref_slice %arg2[%dma_start3A_9, %dma_start3A_10] : memref<30522x2048xf32, #tpu.memory_space<hbm>> -> memref<30522x2048xf32, #tpu.memory_space<hbm>>
    tpu.enqueue_indirect_dma source(%dma_start3A_11 : memref<30522x2048xf32, #tpu.memory_space<hbm>>) target(%arg7 : memref<16x2048xf32, #tpu.memory_space<vmem>>) offsets(%dma_start3A_8 : memref<16xi32, #tpu.memory_space<vmem>>) semaphore(%arg9 : memref<!tpu.dma_semaphore, #tpu.memory_space<semaphore_mem>>)
    %dma_wait3A = arith.constant 0 : i32
    %dma_wait3A_12 = tpu.memref_slice %arg5[%dma_wait3A] : memref<64xi32, #tpu.memory_space<vmem>> -> memref<16xi32, #tpu.memory_space<vmem>>
    %dma_wait3A_13 = arith.constant 0 : i32
    %dma_wait3A_14 = arith.constant 0 : i32
    %dma_wait3A_15 = tpu.memref_slice %arg2[%dma_wait3A_13, %dma_wait3A_14] : memref<30522x2048xf32, #tpu.memory_space<hbm>> -> memref<30522x2048xf32, #tpu.memory_space<hbm>>
    tpu.wait_indirect_dma semaphore(%arg8 : memref<!tpu.dma_semaphore, #tpu.memory_space<semaphore_mem>>) src(%dma_wait3A_15 : memref<30522x2048xf32, #tpu.memory_space<hbm>>) dst(%arg6 : memref<16x2048xf32, #tpu.memory_space<vmem>>)
    %add3A_16 = arith.constant 0 : i32
    %add3A_17 = arith.addi %mul3A_2, %add3A_16 : i32
    %dma_start3A_18 = arith.constant 0 : i32
    %dma_start3A_19 = tpu.memref_slice %arg4[%add3A_17, %dma_start3A_18] : memref<2048x2048xf32, #tpu.memory_space<hbm>> -> memref<16x2048xf32, #tpu.memory_space<hbm>>
    %dma_start3A_20 = arith.constant 0 : i32
    %dma_start3A_21 = tpu.memref_slice %arg4[%add3A_17, %dma_start3A_20] : memref<2048x2048xf32, #tpu.memory_space<hbm>> -> memref<16x2048xf32, #tpu.memory_space<hbm>>
    tpu.enqueue_dma source(%arg6 : memref<16x2048xf32, #tpu.memory_space<vmem>>) target(%dma_start3A_21 : memref<16x2048xf32, #tpu.memory_space<hbm>>) target_semaphore(%arg10 : memref<!tpu.dma_semaphore, #tpu.memory_space<semaphore_mem>>)
    %dma_wait3A_22 = arith.constant 16 : i32
    %dma_wait3A_23 = tpu.memref_slice %arg5[%dma_wait3A_22] : memref<64xi32, #tpu.memory_space<vmem>> -> memref<16xi32, #tpu.memory_space<vmem>>
    %dma_wait3A_24 = arith.constant 0 : i32
    %dma_wait3A_25 = arith.constant 0 : i32
    %dma_wait3A_26 = tpu.memref_slice %arg2[%dma_wait3A_24, %dma_wait3A_25] : memref<30522x2048xf32, #tpu.memory_space<hbm>> -> memref<30522x2048xf32, #tpu.memory_space<hbm>>
    tpu.wait_indirect_dma semaphore(%arg9 : memref<!tpu.dma_semaphore, #tpu.memory_space<semaphore_mem>>) src(%dma_wait3A_26 : memref<30522x2048xf32, #tpu.memory_space<hbm>>) dst(%arg7 : memref<16x2048xf32, #tpu.memory_space<vmem>>)
    %add3A_27 = arith.constant 16 : i32
    %add3A_28 = arith.addi %mul3A_2, %add3A_27 : i32
    %dma_start3A_29 = arith.constant 0 : i32
    %dma_start3A_30 = tpu.memref_slice %arg4[%add3A_28, %dma_start3A_29] : memref<2048x2048xf32, #tpu.memory_space<hbm>> -> memref<16x2048xf32, #tpu.memory_space<hbm>>
    %dma_start3A_31 = arith.constant 0 : i32
    %dma_start3A_32 = tpu.memref_slice %arg4[%add3A_28, %dma_start3A_31] : memref<2048x2048xf32, #tpu.memory_space<hbm>> -> memref<16x2048xf32, #tpu.memory_space<hbm>>
    tpu.enqueue_dma source(%arg7 : memref<16x2048xf32, #tpu.memory_space<vmem>>) target(%dma_start3A_32 : memref<16x2048xf32, #tpu.memory_space<hbm>>) target_semaphore(%arg11 : memref<!tpu.dma_semaphore, #tpu.memory_space<semaphore_mem>>)
    %add3A_33 = arith.constant 0 : i32
    %add3A_34 = arith.addi %mul3A_2, %add3A_33 : i32
    %dma_wait3A_35 = arith.constant 0 : i32
    %dma_wait3A_36 = tpu.memref_slice %arg4[%add3A_34, %dma_wait3A_35] : memref<2048x2048xf32, #tpu.memory_space<hbm>> -> memref<16x2048xf32, #tpu.memory_space<hbm>>
    %dma_wait3A_37 = arith.constant 0 : i32
    %dma_wait3A_38 = tpu.memref_slice %arg4[%add3A_34, %dma_wait3A_37] : memref<2048x2048xf32, #tpu.memory_space<hbm>> -> memref<16x2048xf32, #tpu.memory_space<hbm>>
    tpu.wait_dma2 semaphore(%arg10 : memref<!tpu.dma_semaphore, #tpu.memory_space<semaphore_mem>>) src(%arg6 : memref<16x2048xf32, #tpu.memory_space<vmem>>) dst(%dma_wait3A_38 : memref<16x2048xf32, #tpu.memory_space<hbm>>)
    %dma_start3A_39 = arith.constant 32 : i32
    %dma_start3A_40 = tpu.memref_slice %arg5[%dma_start3A_39] : memref<64xi32, #tpu.memory_space<vmem>> -> memref<16xi32, #tpu.memory_space<vmem>>
    %dma_start3A_41 = arith.constant 0 : i32
    %dma_start3A_42 = arith.constant 0 : i32
    %dma_start3A_43 = tpu.memref_slice %arg2[%dma_start3A_41, %dma_start3A_42] : memref<30522x2048xf32, #tpu.memory_space<hbm>> -> memref<30522x2048xf32, #tpu.memory_space<hbm>>
    tpu.enqueue_indirect_dma source(%dma_start3A_43 : memref<30522x2048xf32, #tpu.memory_space<hbm>>) target(%arg6 : memref<16x2048xf32, #tpu.memory_space<vmem>>) offsets(%dma_start3A_40 : memref<16xi32, #tpu.memory_space<vmem>>) semaphore(%arg8 : memref<!tpu.dma_semaphore, #tpu.memory_space<semaphore_mem>>)
    %dma_wait3A_44 = arith.constant 32 : i32
    %dma_wait3A_45 = tpu.memref_slice %arg5[%dma_wait3A_44] : memref<64xi32, #tpu.memory_space<vmem>> -> memref<16xi32, #tpu.memory_space<vmem>>
    %dma_wait3A_46 = arith.constant 0 : i32
    %dma_wait3A_47 = arith.constant 0 : i32
    %dma_wait3A_48 = tpu.memref_slice %arg2[%dma_wait3A_46, %dma_wait3A_47] : memref<30522x2048xf32, #tpu.memory_space<hbm>> -> memref<30522x2048xf32, #tpu.memory_space<hbm>>
    tpu.wait_indirect_dma semaphore(%arg8 : memref<!tpu.dma_semaphore, #tpu.memory_space<semaphore_mem>>) src(%dma_wait3A_48 : memref<30522x2048xf32, #tpu.memory_space<hbm>>) dst(%arg6 : memref<16x2048xf32, #tpu.memory_space<vmem>>)
    %add3A_49 = arith.constant 32 : i32
    %add3A_50 = arith.addi %mul3A_2, %add3A_49 : i32
    %dma_start3A_51 = arith.constant 0 : i32
    %dma_start3A_52 = tpu.memref_slice %arg4[%add3A_50, %dma_start3A_51] : memref<2048x2048xf32, #tpu.memory_space<hbm>> -> memref<16x2048xf32, #tpu.memory_space<hbm>>
    %dma_start3A_53 = arith.constant 0 : i32
    %dma_start3A_54 = tpu.memref_slice %arg4[%add3A_50, %dma_start3A_53] : memref<2048x2048xf32, #tpu.memory_space<hbm>> -> memref<16x2048xf32, #tpu.memory_space<hbm>>
    tpu.enqueue_dma source(%arg6 : memref<16x2048xf32, #tpu.memory_space<vmem>>) target(%dma_start3A_54 : memref<16x2048xf32, #tpu.memory_space<hbm>>) target_semaphore(%arg10 : memref<!tpu.dma_semaphore, #tpu.memory_space<semaphore_mem>>)
    %add3A_55 = arith.constant 16 : i32
    %add3A_56 = arith.addi %mul3A_2, %add3A_55 : i32
    %dma_wait3A_57 = arith.constant 0 : i32
    %dma_wait3A_58 = tpu.memref_slice %arg4[%add3A_56, %dma_wait3A_57] : memref<2048x2048xf32, #tpu.memory_space<hbm>> -> memref<16x2048xf32, #tpu.memory_space<hbm>>
    %dma_wait3A_59 = arith.constant 0 : i32
    %dma_wait3A_60 = tpu.memref_slice %arg4[%add3A_56, %dma_wait3A_59] : memref<2048x2048xf32, #tpu.memory_space<hbm>> -> memref<16x2048xf32, #tpu.memory_space<hbm>>
    tpu.wait_dma2 semaphore(%arg11 : memref<!tpu.dma_semaphore, #tpu.memory_space<semaphore_mem>>) src(%arg7 : memref<16x2048xf32, #tpu.memory_space<vmem>>) dst(%dma_wait3A_60 : memref<16x2048xf32, #tpu.memory_space<hbm>>)
    %dma_start3A_61 = arith.constant 48 : i32
    %dma_start3A_62 = tpu.memref_slice %arg5[%dma_start3A_61] : memref<64xi32, #tpu.memory_space<vmem>> -> memref<16xi32, #tpu.memory_space<vmem>>
    %dma_start3A_63 = arith.constant 0 : i32
    %dma_start3A_64 = arith.constant 0 : i32
    %dma_start3A_65 = tpu.memref_slice %arg2[%dma_start3A_63, %dma_start3A_64] : memref<30522x2048xf32, #tpu.memory_space<hbm>> -> memref<30522x2048xf32, #tpu.memory_space<hbm>>
    tpu.enqueue_indirect_dma source(%dma_start3A_65 : memref<30522x2048xf32, #tpu.memory_space<hbm>>) target(%arg7 : memref<16x2048xf32, #tpu.memory_space<vmem>>) offsets(%dma_start3A_62 : memref<16xi32, #tpu.memory_space<vmem>>) semaphore(%arg9 : memref<!tpu.dma_semaphore, #tpu.memory_space<semaphore_mem>>)
    %dma_wait3A_66 = arith.constant 48 : i32
    %dma_wait3A_67 = tpu.memref_slice %arg5[%dma_wait3A_66] : memref<64xi32, #tpu.memory_space<vmem>> -> memref<16xi32, #tpu.memory_space<vmem>>
    %dma_wait3A_68 = arith.constant 0 : i32
    %dma_wait3A_69 = arith.constant 0 : i32
    %dma_wait3A_70 = tpu.memref_slice %arg2[%dma_wait3A_68, %dma_wait3A_69] : memref<30522x2048xf32, #tpu.memory_space<hbm>> -> memref<30522x2048xf32, #tpu.memory_space<hbm>>
    tpu.wait_indirect_dma semaphore(%arg9 : memref<!tpu.dma_semaphore, #tpu.memory_space<semaphore_mem>>) src(%dma_wait3A_70 : memref<30522x2048xf32, #tpu.memory_space<hbm>>) dst(%arg7 : memref<16x2048xf32, #tpu.memory_space<vmem>>)
    %add3A_71 = arith.constant 48 : i32
    %add3A_72 = arith.addi %mul3A_2, %add3A_71 : i32
    %dma_start3A_73 = arith.constant 0 : i32
    %dma_start3A_74 = tpu.memref_slice %arg4[%add3A_72, %dma_start3A_73] : memref<2048x2048xf32, #tpu.memory_space<hbm>> -> memref<16x2048xf32, #tpu.memory_space<hbm>>
    %dma_start3A_75 = arith.constant 0 : i32
    %dma_start3A_76 = tpu.memref_slice %arg4[%add3A_72, %dma_start3A_75] : memref<2048x2048xf32, #tpu.memory_space<hbm>> -> memref<16x2048xf32, #tpu.memory_space<hbm>>
    tpu.enqueue_dma source(%arg7 : memref<16x2048xf32, #tpu.memory_space<vmem>>) target(%dma_start3A_76 : memref<16x2048xf32, #tpu.memory_space<hbm>>) target_semaphore(%arg11 : memref<!tpu.dma_semaphore, #tpu.memory_space<semaphore_mem>>)
    %add3A_77 = arith.constant 32 : i32
    %add3A_78 = arith.addi %mul3A_2, %add3A_77 : i32
    %dma_wait3A_79 = arith.constant 0 : i32
    %dma_wait3A_80 = tpu.memref_slice %arg4[%add3A_78, %dma_wait3A_79] : memref<2048x2048xf32, #tpu.memory_space<hbm>> -> memref<16x2048xf32, #tpu.memory_space<hbm>>
    %dma_wait3A_81 = arith.constant 0 : i32
    %dma_wait3A_82 = tpu.memref_slice %arg4[%add3A_78, %dma_wait3A_81] : memref<2048x2048xf32, #tpu.memory_space<hbm>> -> memref<16x2048xf32, #tpu.memory_space<hbm>>
    tpu.wait_dma2 semaphore(%arg10 : memref<!tpu.dma_semaphore, #tpu.memory_space<semaphore_mem>>) src(%arg6 : memref<16x2048xf32, #tpu.memory_space<vmem>>) dst(%dma_wait3A_82 : memref<16x2048xf32, #tpu.memory_space<hbm>>)
    %add3A_83 = arith.constant 48 : i32
    %add3A_84 = arith.addi %mul3A_2, %add3A_83 : i32
    %dma_wait3A_85 = arith.constant 0 : i32
    %dma_wait3A_86 = tpu.memref_slice %arg4[%add3A_84, %dma_wait3A_85] : memref<2048x2048xf32, #tpu.memory_space<hbm>> -> memref<16x2048xf32, #tpu.memory_space<hbm>>
    %dma_wait3A_87 = arith.constant 0 : i32
    %dma_wait3A_88 = tpu.memref_slice %arg4[%add3A_84, %dma_wait3A_87] : memref<2048x2048xf32, #tpu.memory_space<hbm>> -> memref<16x2048xf32, #tpu.memory_space<hbm>>
    tpu.wait_dma2 semaphore(%arg11 : memref<!tpu.dma_semaphore, #tpu.memory_space<semaphore_mem>>) src(%arg7 : memref<16x2048xf32, #tpu.memory_space<vmem>>) dst(%dma_wait3A_88 : memref<16x2048xf32, #tpu.memory_space<hbm>>)
    return
  }
}

#map = affine_map<(d0, d1) -> (0, 0)>
#map1 = affine_map<(d0, d1) -> (0)>
module attributes {stable_mosaic.version = 14 : i64} {
  func.func @gather_kernel(%arg0: i32, %arg1: i32, %arg2: memref<30522x2048xf32, #tpu.memory_space<hbm>>, %arg3: memref<2048xi32, #tpu.memory_space<hbm>>, %arg4: memref<2048x2048xf32, #tpu.memory_space<hbm>>, %arg5: memref<64xi32, #tpu.memory_space<vmem>>, %arg6: memref<16x2048xf32, #tpu.memory_space<vmem>>, %arg7: memref<16x2048xf32, #tpu.memory_space<vmem>>, %arg8: memref<!tpu.dma_semaphore, #tpu.memory_space<semaphore_mem>>, %arg9: memref<!tpu.dma_semaphore, #tpu.memory_space<semaphore_mem>>, %arg10: memref<!tpu.dma_semaphore, #tpu.memory_space<semaphore_mem>>, %arg11: memref<!tpu.dma_semaphore, #tpu.memory_space<semaphore_mem>>) attributes {dimension_semantics = [#tpu.dimension_semantics<core_parallel>, #tpu.dimension_semantics<subcore_parallel>], iteration_bounds = array<i64: 2, 16>, scalar_prefetch = 0 : i64, scratch_operands = 7 : i64, tpu.core_type = #tpu.core_type<sc_vector_subcore>, window_params = [{transform_indices = #map}, {transform_indices = #map1}, {transform_indices = #map}]} {
    %mul3A = arith.constant 2 : i32
    %mul3A_0 = arith.muli %arg1, %mul3A : i32
    %add3A = arith.addi %mul3A_0, %arg0 : i32
    %mul3A_1 = arith.constant 64 : i32
    %mul3A_2 = arith.muli %add3A, %mul3A_1 : i32
    "tpu.region"() ({
      %run_scoped3A = tpu.sem_alloc : memref<!tpu.dma_semaphore, #tpu.memory_space<semaphore_mem>>
      %dma_start3A_89 = tpu.memref_slice %arg3[%mul3A_2] : memref<2048xi32, #tpu.memory_space<hbm>> -> memref<64xi32, #tpu.memory_space<hbm>>
      %dma_start3A_90 = tpu.memref_slice %arg3[%mul3A_2] : memref<2048xi32, #tpu.memory_space<hbm>> -> memref<64xi32, #tpu.memory_space<hbm>>
      tpu.enqueue_dma source(%dma_start3A_90 : memref<64xi32, #tpu.memory_space<hbm>>) target(%arg5 : memref<64xi32, #tpu.memory_space<vmem>>) target_semaphore(%run_scoped3A : memref<!tpu.dma_semaphore, #tpu.memory_space<semaphore_mem>>)
      %dma_wait3A_91 = tpu.memref_slice %arg3[%mul3A_2] : memref<2048xi32, #tpu.memory_space<hbm>> -> memref<64xi32, #tpu.memory_space<hbm>>
      %dma_wait3A_92 = tpu.memref_slice %arg3[%mul3A_2] : memref<2048xi32, #tpu.memory_space<hbm>> -> memref<64xi32, #tpu.memory_space<hbm>>
      tpu.wait_dma2 semaphore(%run_scoped3A : memref<!tpu.dma_semaphore, #tpu.memory_space<semaphore_mem>>) src(%dma_wait3A_92 : memref<64xi32, #tpu.memory_space<hbm>>) dst(%arg5 : memref<64xi32, #tpu.memory_space<vmem>>)
      tpu.yield
    }) : () -> ()
    %dma_start3A = arith.constant 0 : i32
    %dma_start3A_3 = tpu.memref_slice %arg5[%dma_start3A] : memref<64xi32, #tpu.memory_space<vmem>> -> memref<16xi32, #tpu.memory_space<vmem>>
    %dma_start3A_4 = arith.constant 0 : i32
    %dma_start3A_5 = arith.constant 0 : i32
    %dma_start3A_6 = tpu.memref_slice %arg2[%dma_start3A_4, %dma_start3A_5] : memref<30522x2048xf32, #tpu.memory_space<hbm>> -> memref<30522x2048xf32, #tpu.memory_space<hbm>>
    tpu.enqueue_indirect_dma source(%dma_start3A_6 : memref<30522x2048xf32, #tpu.memory_space<hbm>>) target(%arg6 : memref<16x2048xf32, #tpu.memory_space<vmem>>) offsets(%dma_start3A_3 : memref<16xi32, #tpu.memory_space<vmem>>) semaphore(%arg8 : memref<!tpu.dma_semaphore, #tpu.memory_space<semaphore_mem>>)
    %dma_start3A_7 = arith.constant 16 : i32
    %dma_start3A_8 = tpu.memref_slice %arg5[%dma_start3A_7] : memref<64xi32, #tpu.memory_space<vmem>> -> memref<16xi32, #tpu.memory_space<vmem>>
    %dma_start3A_9 = arith.constant 0 : i32
    %dma_start3A_10 = arith.constant 0 : i32
    %dma_start3A_11 = tpu.memref_slice %arg2[%dma_start3A_9, %dma_start3A_10] : memref<30522x2048xf32, #tpu.memory_space<hbm>> -> memref<30522x2048xf32, #tpu.memory_space<hbm>>
    tpu.enqueue_indirect_dma source(%dma_start3A_11 : memref<30522x2048xf32, #tpu.memory_space<hbm>>) target(%arg7 : memref<16x2048xf32, #tpu.memory_space<vmem>>) offsets(%dma_start3A_8 : memref<16xi32, #tpu.memory_space<vmem>>) semaphore(%arg9 : memref<!tpu.dma_semaphore, #tpu.memory_space<semaphore_mem>>)
    %dma_wait3A = arith.constant 0 : i32
    %dma_wait3A_12 = tpu.memref_slice %arg5[%dma_wait3A] : memref<64xi32, #tpu.memory_space<vmem>> -> memref<16xi32, #tpu.memory_space<vmem>>
    %dma_wait3A_13 = arith.constant 0 : i32
    %dma_wait3A_14 = arith.constant 0 : i32
    %dma_wait3A_15 = tpu.memref_slice %arg2[%dma_wait3A_13, %dma_wait3A_14] : memref<30522x2048xf32, #tpu.memory_space<hbm>> -> memref<30522x2048xf32, #tpu.memory_space<hbm>>
    tpu.wait_indirect_dma semaphore(%arg8 : memref<!tpu.dma_semaphore, #tpu.memory_space<semaphore_mem>>) src(%dma_wait3A_15 : memref<30522x2048xf32, #tpu.memory_space<hbm>>) dst(%arg6 : memref<16x2048xf32, #tpu.memory_space<vmem>>)
    %add3A_16 = arith.constant 0 : i32
    %add3A_17 = arith.addi %mul3A_2, %add3A_16 : i32
    %dma_start3A_18 = arith.constant 0 : i32
    %dma_start3A_19 = tpu.memref_slice %arg4[%add3A_17, %dma_start3A_18] : memref<2048x2048xf32, #tpu.memory_space<hbm>> -> memref<16x2048xf32, #tpu.memory_space<hbm>>
    %dma_start3A_20 = arith.constant 0 : i32
    %dma_start3A_21 = tpu.memref_slice %arg4[%add3A_17, %dma_start3A_20] : memref<2048x2048xf32, #tpu.memory_space<hbm>> -> memref<16x2048xf32, #tpu.memory_space<hbm>>
    tpu.enqueue_dma source(%arg6 : memref<16x2048xf32, #tpu.memory_space<vmem>>) target(%dma_start3A_21 : memref<16x2048xf32, #tpu.memory_space<hbm>>) target_semaphore(%arg10 : memref<!tpu.dma_semaphore, #tpu.memory_space<semaphore_mem>>)
    %dma_wait3A_22 = arith.constant 16 : i32
    %dma_wait3A_23 = tpu.memref_slice %arg5[%dma_wait3A_22] : memref<64xi32, #tpu.memory_space<vmem>> -> memref<16xi32, #tpu.memory_space<vmem>>
    %dma_wait3A_24 = arith.constant 0 : i32
    %dma_wait3A_25 = arith.constant 0 : i32
    %dma_wait3A_26 = tpu.memref_slice %arg2[%dma_wait3A_24, %dma_wait3A_25] : memref<30522x2048xf32, #tpu.memory_space<hbm>> -> memref<30522x2048xf32, #tpu.memory_space<hbm>>
    tpu.wait_indirect_dma semaphore(%arg9 : memref<!tpu.dma_semaphore, #tpu.memory_space<semaphore_mem>>) src(%dma_wait3A_26 : memref<30522x2048xf32, #tpu.memory_space<hbm>>) dst(%arg7 : memref<16x2048xf32, #tpu.memory_space<vmem>>)
    %add3A_27 = arith.constant 16 : i32
    %add3A_28 = arith.addi %mul3A_2, %add3A_27 : i32
    %dma_start3A_29 = arith.constant 0 : i32
    %dma_start3A_30 = tpu.memref_slice %arg4[%add3A_28, %dma_start3A_29] : memref<2048x2048xf32, #tpu.memory_space<hbm>> -> memref<16x2048xf32, #tpu.memory_space<hbm>>
    %dma_start3A_31 = arith.constant 0 : i32
    %dma_start3A_32 = tpu.memref_slice %arg4[%add3A_28, %dma_start3A_31] : memref<2048x2048xf32, #tpu.memory_space<hbm>> -> memref<16x2048xf32, #tpu.memory_space<hbm>>
    tpu.enqueue_dma source(%arg7 : memref<16x2048xf32, #tpu.memory_space<vmem>>) target(%dma_start3A_32 : memref<16x2048xf32, #tpu.memory_space<hbm>>) target_semaphore(%arg11 : memref<!tpu.dma_semaphore, #tpu.memory_space<semaphore_mem>>)
    %add3A_33 = arith.constant 0 : i32
    %add3A_34 = arith.addi %mul3A_2, %add3A_33 : i32
    %dma_wait3A_35 = arith.constant 0 : i32
    %dma_wait3A_36 = tpu.memref_slice %arg4[%add3A_34, %dma_wait3A_35] : memref<2048x2048xf32, #tpu.memory_space<hbm>> -> memref<16x2048xf32, #tpu.memory_space<hbm>>
    %dma_wait3A_37 = arith.constant 0 : i32
    %dma_wait3A_38 = tpu.memref_slice %arg4[%add3A_34, %dma_wait3A_37] : memref<2048x2048xf32, #tpu.memory_space<hbm>> -> memref<16x2048xf32, #tpu.memory_space<hbm>>
    tpu.wait_dma2 semaphore(%arg10 : memref<!tpu.dma_semaphore, #tpu.memory_space<semaphore_mem>>) src(%arg6 : memref<16x2048xf32, #tpu.memory_space<vmem>>) dst(%dma_wait3A_38 : memref<16x2048xf32, #tpu.memory_space<hbm>>)
    %dma_start3A_39 = arith.constant 32 : i32
    %dma_start3A_40 = tpu.memref_slice %arg5[%dma_start3A_39] : memref<64xi32, #tpu.memory_space<vmem>> -> memref<16xi32, #tpu.memory_space<vmem>>
    %dma_start3A_41 = arith.constant 0 : i32
    %dma_start3A_42 = arith.constant 0 : i32
    %dma_start3A_43 = tpu.memref_slice %arg2[%dma_start3A_41, %dma_start3A_42] : memref<30522x2048xf32, #tpu.memory_space<hbm>> -> memref<30522x2048xf32, #tpu.memory_space<hbm>>
    tpu.enqueue_indirect_dma source(%dma_start3A_43 : memref<30522x2048xf32, #tpu.memory_space<hbm>>) target(%arg6 : memref<16x2048xf32, #tpu.memory_space<vmem>>) offsets(%dma_start3A_40 : memref<16xi32, #tpu.memory_space<vmem>>) semaphore(%arg8 : memref<!tpu.dma_semaphore, #tpu.memory_space<semaphore_mem>>)
    %dma_wait3A_44 = arith.constant 32 : i32
    %dma_wait3A_45 = tpu.memref_slice %arg5[%dma_wait3A_44] : memref<64xi32, #tpu.memory_space<vmem>> -> memref<16xi32, #tpu.memory_space<vmem>>
    %dma_wait3A_46 = arith.constant 0 : i32
    %dma_wait3A_47 = arith.constant 0 : i32
    %dma_wait3A_48 = tpu.memref_slice %arg2[%dma_wait3A_46, %dma_wait3A_47] : memref<30522x2048xf32, #tpu.memory_space<hbm>> -> memref<30522x2048xf32, #tpu.memory_space<hbm>>
    tpu.wait_indirect_dma semaphore(%arg8 : memref<!tpu.dma_semaphore, #tpu.memory_space<semaphore_mem>>) src(%dma_wait3A_48 : memref<30522x2048xf32, #tpu.memory_space<hbm>>) dst(%arg6 : memref<16x2048xf32, #tpu.memory_space<vmem>>)
    %add3A_49 = arith.constant 32 : i32
    %add3A_50 = arith.addi %mul3A_2, %add3A_49 : i32
    %dma_start3A_51 = arith.constant 0 : i32
    %dma_start3A_52 = tpu.memref_slice %arg4[%add3A_50, %dma_start3A_51] : memref<2048x2048xf32, #tpu.memory_space<hbm>> -> memref<16x2048xf32, #tpu.memory_space<hbm>>
    %dma_start3A_53 = arith.constant 0 : i32
    %dma_start3A_54 = tpu.memref_slice %arg4[%add3A_50, %dma_start3A_53] : memref<2048x2048xf32, #tpu.memory_space<hbm>> -> memref<16x2048xf32, #tpu.memory_space<hbm>>
    tpu.enqueue_dma source(%arg6 : memref<16x2048xf32, #tpu.memory_space<vmem>>) target(%dma_start3A_54 : memref<16x2048xf32, #tpu.memory_space<hbm>>) target_semaphore(%arg10 : memref<!tpu.dma_semaphore, #tpu.memory_space<semaphore_mem>>)
    %add3A_55 = arith.constant 16 : i32
    %add3A_56 = arith.addi %mul3A_2, %add3A_55 : i32
    %dma_wait3A_57 = arith.constant 0 : i32
    %dma_wait3A_58 = tpu.memref_slice %arg4[%add3A_56, %dma_wait3A_57] : memref<2048x2048xf32, #tpu.memory_space<hbm>> -> memref<16x2048xf32, #tpu.memory_space<hbm>>
    %dma_wait3A_59 = arith.constant 0 : i32
    %dma_wait3A_60 = tpu.memref_slice %arg4[%add3A_56, %dma_wait3A_59] : memref<2048x2048xf32, #tpu.memory_space<hbm>> -> memref<16x2048xf32, #tpu.memory_space<hbm>>
    tpu.wait_dma2 semaphore(%arg11 : memref<!tpu.dma_semaphore, #tpu.memory_space<semaphore_mem>>) src(%arg7 : memref<16x2048xf32, #tpu.memory_space<vmem>>) dst(%dma_wait3A_60 : memref<16x2048xf32, #tpu.memory_space<hbm>>)
    %dma_start3A_61 = arith.constant 48 : i32
    %dma_start3A_62 = tpu.memref_slice %arg5[%dma_start3A_61] : memref<64xi32, #tpu.memory_space<vmem>> -> memref<16xi32, #tpu.memory_space<vmem>>
    %dma_start3A_63 = arith.constant 0 : i32
    %dma_start3A_64 = arith.constant 0 : i32
    %dma_start3A_65 = tpu.memref_slice %arg2[%dma_start3A_63, %dma_start3A_64] : memref<30522x2048xf32, #tpu.memory_space<hbm>> -> memref<30522x2048xf32, #tpu.memory_space<hbm>>
    tpu.enqueue_indirect_dma source(%dma_start3A_65 : memref<30522x2048xf32, #tpu.memory_space<hbm>>) target(%arg7 : memref<16x2048xf32, #tpu.memory_space<vmem>>) offsets(%dma_start3A_62 : memref<16xi32, #tpu.memory_space<vmem>>) semaphore(%arg9 : memref<!tpu.dma_semaphore, #tpu.memory_space<semaphore_mem>>)
    %dma_wait3A_66 = arith.constant 48 : i32
    %dma_wait3A_67 = tpu.memref_slice %arg5[%dma_wait3A_66] : memref<64xi32, #tpu.memory_space<vmem>> -> memref<16xi32, #tpu.memory_space<vmem>>
    %dma_wait3A_68 = arith.constant 0 : i32
    %dma_wait3A_69 = arith.constant 0 : i32
    %dma_wait3A_70 = tpu.memref_slice %arg2[%dma_wait3A_68, %dma_wait3A_69] : memref<30522x2048xf32, #tpu.memory_space<hbm>> -> memref<30522x2048xf32, #tpu.memory_space<hbm>>
    tpu.wait_indirect_dma semaphore(%arg9 : memref<!tpu.dma_semaphore, #tpu.memory_space<semaphore_mem>>) src(%dma_wait3A_70 : memref<30522x2048xf32, #tpu.memory_space<hbm>>) dst(%arg7 : memref<16x2048xf32, #tpu.memory_space<vmem>>)
    %add3A_71 = arith.constant 48 : i32
    %add3A_72 = arith.addi %mul3A_2, %add3A_71 : i32
    %dma_start3A_73 = arith.constant 0 : i32
    %dma_start3A_74 = tpu.memref_slice %arg4[%add3A_72, %dma_start3A_73] : memref<2048x2048xf32, #tpu.memory_space<hbm>> -> memref<16x2048xf32, #tpu.memory_space<hbm>>
    %dma_start3A_75 = arith.constant 0 : i32
    %dma_start3A_76 = tpu.memref_slice %arg4[%add3A_72, %dma_start3A_75] : memref<2048x2048xf32, #tpu.memory_space<hbm>> -> memref<16x2048xf32, #tpu.memory_space<hbm>>
    tpu.enqueue_dma source(%arg7 : memref<16x2048xf32, #tpu.memory_space<vmem>>) target(%dma_start3A_76 : memref<16x2048xf32, #tpu.memory_space<hbm>>) target_semaphore(%arg11 : memref<!tpu.dma_semaphore, #tpu.memory_space<semaphore_mem>>)
    %add3A_77 = arith.constant 32 : i32
    %add3A_78 = arith.addi %mul3A_2, %add3A_77 : i32
    %dma_wait3A_79 = arith.constant 0 : i32
    %dma_wait3A_80 = tpu.memref_slice %arg4[%add3A_78, %dma_wait3A_79] : memref<2048x2048xf32, #tpu.memory_space<hbm>> -> memref<16x2048xf32, #tpu.memory_space<hbm>>
    %dma_wait3A_81 = arith.constant 0 : i32
    %dma_wait3A_82 = tpu.memref_slice %arg4[%add3A_78, %dma_wait3A_81] : memref<2048x2048xf32, #tpu.memory_space<hbm>> -> memref<16x2048xf32, #tpu.memory_space<hbm>>
    tpu.wait_dma2 semaphore(%arg10 : memref<!tpu.dma_semaphore, #tpu.memory_space<semaphore_mem>>) src(%arg6 : memref<16x2048xf32, #tpu.memory_space<vmem>>) dst(%dma_wait3A_82 : memref<16x2048xf32, #tpu.memory_space<hbm>>)
    %add3A_83 = arith.constant 48 : i32
    %add3A_84 = arith.addi %mul3A_2, %add3A_83 : i32
    %dma_wait3A_85 = arith.constant 0 : i32
    %dma_wait3A_86 = tpu.memref_slice %arg4[%add3A_84, %dma_wait3A_85] : memref<2048x2048xf32, #tpu.memory_space<hbm>> -> memref<16x2048xf32, #tpu.memory_space<hbm>>
    %dma_wait3A_87 = arith.constant 0 : i32
    %dma_wait3A_88 = tpu.memref_slice %arg4[%add3A_84, %dma_wait3A_87] : memref<2048x2048xf32, #tpu.memory_space<hbm>> -> memref<16x2048xf32, #tpu.memory_space<hbm>>
    tpu.wait_dma2 semaphore(%arg11 : memref<!tpu.dma_semaphore, #tpu.memory_space<semaphore_mem>>) src(%arg7 : memref<16x2048xf32, #tpu.memory_space<vmem>>) dst(%dma_wait3A_88 : memref<16x2048xf32, #tpu.memory_space<hbm>>)
    return
  }
}

module attributes {stable_mosaic.version = 14 : i64} {
  func.func @_ln_body_next(%arg0: i32, %arg1: i32, %arg2: memref<8192x2048xf32, #tpu.memory_space<any>>, %arg3: memref<512x2048xf32, #tpu.memory_space<vmem>>, %arg4: memref<512x2048xf32, #tpu.memory_space<vmem>>, %arg5: memref<512x1xi32, #tpu.memory_space<vmem>>, %arg6: memref<2x2048xf32, #tpu.memory_space<vmem>>, %arg7: memref<1x2048xf32, #tpu.memory_space<vmem>>, %arg8: memref<1x2048xf32, #tpu.memory_space<vmem>>, %arg9: memref<512x2048xf32, #tpu.memory_space<vmem>>) attributes {dimension_semantics = [#tpu.dimension_semantics<arbitrary>, #tpu.dimension_semantics<arbitrary>], iteration_bounds = array<i64: 1, 4>, scalar_prefetch = 0 : i64, scratch_operands = 0 : i64, tpu.core_type = #tpu.core_type<tc>, window_params = [{}, {transform_indices = @transform_1, window_bounds = array<i64: 512, 2048>}, {transform_indices = @transform_2, window_bounds = array<i64: 512, 2048>}, {transform_indices = @transform_3, window_bounds = array<i64: 512, 1>}, {pipeline_mode = #tpu.pipeline_mode<synchronous>, transform_indices = @transform_4, window_bounds = array<i64: 2, 2048>}, {pipeline_mode = #tpu.pipeline_mode<synchronous>, transform_indices = @transform_5, window_bounds = array<i64: 1, 2048>}, {pipeline_mode = #tpu.pipeline_mode<synchronous>, transform_indices = @transform_6, window_bounds = array<i64: 1, 2048>}, {transform_indices = @transform_7, window_bounds = array<i64: 512, 2048>}]} {
    %get3A = arith.constant 0 : index
    %get3A_0 = arith.constant 0 : index
    %get3A_1 = vector.load %arg3[%get3A, %get3A_0] : memref<512x2048xf32, #tpu.memory_space<vmem>>, vector<512x2048xf32>
    %get3A_2 = arith.constant 0 : index
    %get3A_3 = arith.constant 0 : index
    %get3A_4 = vector.load %arg4[%get3A_2, %get3A_3] : memref<512x2048xf32, #tpu.memory_space<vmem>>, vector<512x2048xf32>
    %add3A = arith.addf %get3A_1, %get3A_4 : vector<512x2048xf32>
    %get3A_5 = arith.constant 0 : index
    %get3A_6 = arith.constant 0 : index
    %get3A_7 = vector.load %arg5[%get3A_5, %get3A_6] : memref<512x1xi32, #tpu.memory_space<vmem>>, vector<512x1xi32>
    %convert_element_type3A = arith.sitofp %get3A_7 : vector<512x1xi32> to vector<512x1xf32>
    %get3A_8 = arith.constant 0 : index
    %get3A_9 = arith.constant 0 : index
    %get3A_10 = vector.load %arg6[%get3A_8, %get3A_9] : memref<2x2048xf32, #tpu.memory_space<vmem>>, vector<1x2048xf32>
    %get3A_11 = arith.constant 1 : index
    %get3A_12 = arith.constant 0 : index
    %get3A_13 = vector.load %arg6[%get3A_11, %get3A_12] : memref<2x2048xf32, #tpu.memory_space<vmem>>, vector<1x2048xf32>
    %get3A_14 = arith.constant 0 : index
    %get3A_15 = arith.constant 0 : index
    %get3A_16 = vector.load %arg6[%get3A_14, %get3A_15] : memref<2x2048xf32, #tpu.memory_space<vmem>>, vector<1x2048xf32>
    %sub3A = arith.subf %get3A_13, %get3A_16 : vector<1x2048xf32>
    %mul3A = vector.broadcast %convert_element_type3A : vector<512x1xf32> to vector<512x2048xf32>
    %mul3A_17 = vector.broadcast %sub3A : vector<1x2048xf32> to vector<512x2048xf32>
    %mul3A_18 = arith.mulf %mul3A, %mul3A_17 : vector<512x2048xf32>
    %add3A_19 = vector.broadcast %get3A_10 : vector<1x2048xf32> to vector<512x2048xf32>
    %add3A_20 = arith.addf %add3A_19, %mul3A_18 : vector<512x2048xf32>
    %add3A_21 = arith.addf %add3A, %add3A_20 : vector<512x2048xf32>
    %reduce_sum3A = arith.constant dense<0.000000e+00> : vector<512xf32>
    %reduce_sum3A_22 = vector.multi_reduction <add>, %add3A_21, %reduce_sum3A [1] : vector<512x2048xf32> to vector<512xf32>
    %broadcast_in_dim3A = vector.shape_cast %reduce_sum3A_22 : vector<512xf32> to vector<512x1xf32>
    %div3A = arith.constant 2.048000e+03 : f32
    %div3A_23 = vector.broadcast %div3A : f32 to vector<512x1xf32>
    %div3A_24 = arith.divf %broadcast_in_dim3A, %div3A_23 : vector<512x1xf32>
    %mul3A_25 = arith.mulf %add3A_21, %add3A_21 : vector<512x2048xf32>
    %reduce_sum3A_26 = arith.constant dense<0.000000e+00> : vector<512xf32>
    %reduce_sum3A_27 = vector.multi_reduction <add>, %mul3A_25, %reduce_sum3A_26 [1] : vector<512x2048xf32> to vector<512xf32>
    %broadcast_in_dim3A_28 = vector.shape_cast %reduce_sum3A_27 : vector<512xf32> to vector<512x1xf32>
    %div3A_29 = arith.constant 2.048000e+03 : f32
    %div3A_30 = vector.broadcast %div3A_29 : f32 to vector<512x1xf32>
    %div3A_31 = arith.divf %broadcast_in_dim3A_28, %div3A_30 : vector<512x1xf32>
    %mul3A_32 = arith.mulf %div3A_24, %div3A_24 : vector<512x1xf32>
    %sub3A_33 = arith.subf %div3A_31, %mul3A_32 : vector<512x1xf32>
    %add3A_34 = arith.constant 9.99999996E-13 : f32
    %add3A_35 = vector.broadcast %add3A_34 : f32 to vector<512x1xf32>
    %add3A_36 = arith.addf %sub3A_33, %add3A_35 : vector<512x1xf32>
    %rsqrt3A = math.rsqrt %add3A_36 : vector<512x1xf32>
    %sub3A_37 = vector.broadcast %div3A_24 : vector<512x1xf32> to vector<512x2048xf32>
    %sub3A_38 = arith.subf %add3A_21, %sub3A_37 : vector<512x2048xf32>
    %mul3A_39 = vector.broadcast %rsqrt3A : vector<512x1xf32> to vector<512x2048xf32>
    %mul3A_40 = arith.mulf %sub3A_38, %mul3A_39 : vector<512x2048xf32>
    %get3A_41 = arith.constant 0 : index
    %get3A_42 = arith.constant 0 : index
    %get3A_43 = vector.load %arg7[%get3A_41, %get3A_42] : memref<1x2048xf32, #tpu.memory_space<vmem>>, vector<1x2048xf32>
    %mul3A_44 = vector.broadcast %get3A_43 : vector<1x2048xf32> to vector<512x2048xf32>
    %mul3A_45 = arith.mulf %mul3A_40, %mul3A_44 : vector<512x2048xf32>
    %get3A_46 = arith.constant 0 : index
    %get3A_47 = arith.constant 0 : index
    %get3A_48 = vector.load %arg8[%get3A_46, %get3A_47] : memref<1x2048xf32, #tpu.memory_space<vmem>>, vector<1x2048xf32>
    %add3A_49 = vector.broadcast %get3A_48 : vector<1x2048xf32> to vector<512x2048xf32>
    %add3A_50 = arith.addf %mul3A_45, %add3A_49 : vector<512x2048xf32>
    %swap3A = arith.constant 0 : index
    %swap3A_51 = arith.constant 0 : index
    %swap3A_52 = vector.load %arg9[%swap3A, %swap3A_51] : memref<512x2048xf32, #tpu.memory_space<vmem>>, vector<512x2048xf32>
    tpu.vector_store %arg9[%swap3A, %swap3A_51], %add3A_50 {strides = array<i32>} : memref<512x2048xf32, #tpu.memory_space<vmem>>, vector<512x2048xf32>,
    return
  }
  func.func @transform_1(%arg0: i32, %arg1: i32) -> (i32, i32) {
    %mul3A = arith.constant 1 : i32
    %mul3A_0 = arith.muli %arg1, %mul3A : i32
    %add3A = arith.addi %mul3A_0, %arg0 : i32
    %c0_i32 = arith.constant 0 : i32
    %c0_i32_1 = arith.constant 0 : i32
    return %add3A, %c0_i32 : i32, i32
  }
  func.func @transform_2(%arg0: i32, %arg1: i32) -> (i32, i32) {
    %add3A = arith.constant 1 : i32
    %add3A_0 = arith.addi %add3A, %arg0 : i32
    %c0_i32 = arith.constant 0 : i32
    %c0_i32_1 = arith.constant 0 : i32
    return %add3A_0, %c0_i32 : i32, i32
  }
  func.func @transform_3(%arg0: i32, %arg1: i32) -> (i32, i32) {
    %mul3A = arith.constant 1 : i32
    %mul3A_0 = arith.muli %arg1, %mul3A : i32
    %add3A = arith.addi %mul3A_0, %arg0 : i32
    %c0_i32 = arith.constant 0 : i32
    %c0_i32_1 = arith.constant 0 : i32
    return %add3A, %c0_i32 : i32, i32
  }
  func.func @transform_4(%arg0: i32, %arg1: i32) -> (i32, i32) {
    %c0_i32 = arith.constant 0 : i32
    %c0_i32_0 = arith.constant 0 : i32
    %c0_i32_1 = arith.constant 0 : i32
    return %c0_i32, %c0_i32_0 : i32, i32
  }
  func.func @transform_5(%arg0: i32, %arg1: i32) -> (i32, i32) {
    %c0_i32 = arith.constant 0 : i32
    %c0_i32_0 = arith.constant 0 : i32
    %c0_i32_1 = arith.constant 0 : i32
    return %c0_i32, %c0_i32_0 : i32, i32
  }
  func.func @transform_6(%arg0: i32, %arg1: i32) -> (i32, i32) {
    %c0_i32 = arith.constant 0 : i32
    %c0_i32_0 = arith.constant 0 : i32
    %c0_i32_1 = arith.constant 0 : i32
    return %c0_i32, %c0_i32_0 : i32, i32
  }
  func.func @transform_7(%arg0: i32, %arg1: i32) -> (i32, i32) {
    %mul3A = arith.constant 4 : i32
    %mul3A_0 = arith.muli %arg1, %mul3A : i32
    %add3A = arith.constant 1 : i32
    %add3A_1 = arith.addi %mul3A_0, %add3A : i32
    %add3A_2 = arith.addi %add3A_1, %arg0 : i32
    %c0_i32 = arith.constant 0 : i32
    %c0_i32_3 = arith.constant 0 : i32
    return %add3A_2, %c0_i32 : i32, i32
  }
}

module attributes {stable_mosaic.version = 14 : i64} {
  func.func @_ln_body_first(%arg0: i32, %arg1: i32, %arg2: memref<512x2048xf32, #tpu.memory_space<vmem>>, %arg3: memref<512x2048xf32, #tpu.memory_space<vmem>>, %arg4: memref<512x1xi32, #tpu.memory_space<vmem>>, %arg5: memref<2x2048xf32, #tpu.memory_space<vmem>>, %arg6: memref<1x2048xf32, #tpu.memory_space<vmem>>, %arg7: memref<1x2048xf32, #tpu.memory_space<vmem>>, %arg8: memref<512x2048xf32, #tpu.memory_space<vmem>>) attributes {dimension_semantics = [#tpu.dimension_semantics<arbitrary>, #tpu.dimension_semantics<arbitrary>], iteration_bounds = array<i64: 1, 4>, scalar_prefetch = 0 : i64, scratch_operands = 0 : i64, tpu.core_type = #tpu.core_type<tc>, window_params = [{transform_indices = @transform_0, window_bounds = array<i64: 512, 2048>}, {transform_indices = @transform_1, window_bounds = array<i64: 512, 2048>}, {transform_indices = @transform_2, window_bounds = array<i64: 512, 1>}, {pipeline_mode = #tpu.pipeline_mode<synchronous>, transform_indices = @transform_3, window_bounds = array<i64: 2, 2048>}, {pipeline_mode = #tpu.pipeline_mode<synchronous>, transform_indices = @transform_4, window_bounds = array<i64: 1, 2048>}, {pipeline_mode = #tpu.pipeline_mode<synchronous>, transform_indices = @transform_5, window_bounds = array<i64: 1, 2048>}, {transform_indices = @transform_6, window_bounds = array<i64: 512, 2048>}]} {
    %get3A = arith.constant 0 : index
    %get3A_0 = arith.constant 0 : index
    %get3A_1 = vector.load %arg2[%get3A, %get3A_0] : memref<512x2048xf32, #tpu.memory_space<vmem>>, vector<512x2048xf32>
    %get3A_2 = arith.constant 0 : index
    %get3A_3 = arith.constant 0 : index
    %get3A_4 = vector.load %arg3[%get3A_2, %get3A_3] : memref<512x2048xf32, #tpu.memory_space<vmem>>, vector<512x2048xf32>
    %add3A = arith.addf %get3A_1, %get3A_4 : vector<512x2048xf32>
    %get3A_5 = arith.constant 0 : index
    %get3A_6 = arith.constant 0 : index
    %get3A_7 = vector.load %arg4[%get3A_5, %get3A_6] : memref<512x1xi32, #tpu.memory_space<vmem>>, vector<512x1xi32>
    %convert_element_type3A = arith.sitofp %get3A_7 : vector<512x1xi32> to vector<512x1xf32>
    %get3A_8 = arith.constant 0 : index
    %get3A_9 = arith.constant 0 : index
    %get3A_10 = vector.load %arg5[%get3A_8, %get3A_9] : memref<2x2048xf32, #tpu.memory_space<vmem>>, vector<1x2048xf32>
    %get3A_11 = arith.constant 1 : index
    %get3A_12 = arith.constant 0 : index
    %get3A_13 = vector.load %arg5[%get3A_11, %get3A_12] : memref<2x2048xf32, #tpu.memory_space<vmem>>, vector<1x2048xf32>
    %get3A_14 = arith.constant 0 : index
    %get3A_15 = arith.constant 0 : index
    %get3A_16 = vector.load %arg5[%get3A_14, %get3A_15] : memref<2x2048xf32, #tpu.memory_space<vmem>>, vector<1x2048xf32>
    %sub3A = arith.subf %get3A_13, %get3A_16 : vector<1x2048xf32>
    %mul3A = vector.broadcast %convert_element_type3A : vector<512x1xf32> to vector<512x2048xf32>
    %mul3A_17 = vector.broadcast %sub3A : vector<1x2048xf32> to vector<512x2048xf32>
    %mul3A_18 = arith.mulf %mul3A, %mul3A_17 : vector<512x2048xf32>
    %add3A_19 = vector.broadcast %get3A_10 : vector<1x2048xf32> to vector<512x2048xf32>
    %add3A_20 = arith.addf %add3A_19, %mul3A_18 : vector<512x2048xf32>
    %add3A_21 = arith.addf %add3A, %add3A_20 : vector<512x2048xf32>
    %reduce_sum3A = arith.constant dense<0.000000e+00> : vector<512xf32>
    %reduce_sum3A_22 = vector.multi_reduction <add>, %add3A_21, %reduce_sum3A [1] : vector<512x2048xf32> to vector<512xf32>
    %broadcast_in_dim3A = vector.shape_cast %reduce_sum3A_22 : vector<512xf32> to vector<512x1xf32>
    %div3A = arith.constant 2.048000e+03 : f32
    %div3A_23 = vector.broadcast %div3A : f32 to vector<512x1xf32>
    %div3A_24 = arith.divf %broadcast_in_dim3A, %div3A_23 : vector<512x1xf32>
    %mul3A_25 = arith.mulf %add3A_21, %add3A_21 : vector<512x2048xf32>
    %reduce_sum3A_26 = arith.constant dense<0.000000e+00> : vector<512xf32>
    %reduce_sum3A_27 = vector.multi_reduction <add>, %mul3A_25, %reduce_sum3A_26 [1] : vector<512x2048xf32> to vector<512xf32>
    %broadcast_in_dim3A_28 = vector.shape_cast %reduce_sum3A_27 : vector<512xf32> to vector<512x1xf32>
    %div3A_29 = arith.constant 2.048000e+03 : f32
    %div3A_30 = vector.broadcast %div3A_29 : f32 to vector<512x1xf32>
    %div3A_31 = arith.divf %broadcast_in_dim3A_28, %div3A_30 : vector<512x1xf32>
    %mul3A_32 = arith.mulf %div3A_24, %div3A_24 : vector<512x1xf32>
    %sub3A_33 = arith.subf %div3A_31, %mul3A_32 : vector<512x1xf32>
    %add3A_34 = arith.constant 9.99999996E-13 : f32
    %add3A_35 = vector.broadcast %add3A_34 : f32 to vector<512x1xf32>
    %add3A_36 = arith.addf %sub3A_33, %add3A_35 : vector<512x1xf32>
    %rsqrt3A = math.rsqrt %add3A_36 : vector<512x1xf32>
    %sub3A_37 = vector.broadcast %div3A_24 : vector<512x1xf32> to vector<512x2048xf32>
    %sub3A_38 = arith.subf %add3A_21, %sub3A_37 : vector<512x2048xf32>
    %mul3A_39 = vector.broadcast %rsqrt3A : vector<512x1xf32> to vector<512x2048xf32>
    %mul3A_40 = arith.mulf %sub3A_38, %mul3A_39 : vector<512x2048xf32>
    %get3A_41 = arith.constant 0 : index
    %get3A_42 = arith.constant 0 : index
    %get3A_43 = vector.load %arg6[%get3A_41, %get3A_42] : memref<1x2048xf32, #tpu.memory_space<vmem>>, vector<1x2048xf32>
    %mul3A_44 = vector.broadcast %get3A_43 : vector<1x2048xf32> to vector<512x2048xf32>
    %mul3A_45 = arith.mulf %mul3A_40, %mul3A_44 : vector<512x2048xf32>
    %get3A_46 = arith.constant 0 : index
    %get3A_47 = arith.constant 0 : index
    %get3A_48 = vector.load %arg7[%get3A_46, %get3A_47] : memref<1x2048xf32, #tpu.memory_space<vmem>>, vector<1x2048xf32>
    %add3A_49 = vector.broadcast %get3A_48 : vector<1x2048xf32> to vector<512x2048xf32>
    %add3A_50 = arith.addf %mul3A_45, %add3A_49 : vector<512x2048xf32>
    %swap3A = arith.constant 0 : index
    %swap3A_51 = arith.constant 0 : index
    %swap3A_52 = vector.load %arg8[%swap3A, %swap3A_51] : memref<512x2048xf32, #tpu.memory_space<vmem>>, vector<512x2048xf32>
    tpu.vector_store %arg8[%swap3A, %swap3A_51], %add3A_50 {strides = array<i32>} : memref<512x2048xf32, #tpu.memory_space<vmem>>, vector<512x2048xf32>,
    return
  }
  func.func @transform_0(%arg0: i32, %arg1: i32) -> (i32, i32) {
    %mul3A = arith.constant 1 : i32
    %mul3A_0 = arith.muli %arg1, %mul3A : i32
    %add3A = arith.addi %mul3A_0, %arg0 : i32
    %c0_i32 = arith.constant 0 : i32
    %c0_i32_1 = arith.constant 0 : i32
    return %add3A, %c0_i32 : i32, i32
  }
  func.func @transform_1(%arg0: i32, %arg1: i32) -> (i32, i32) {
    %add3A = arith.constant 0 : i32
    %add3A_0 = arith.addi %add3A, %arg0 : i32
    %c0_i32 = arith.constant 0 : i32
    %c0_i32_1 = arith.constant 0 : i32
    return %add3A_0, %c0_i32 : i32, i32
  }
  func.func @transform_2(%arg0: i32, %arg1: i32) -> (i32, i32) {
    %mul3A = arith.constant 1 : i32
    %mul3A_0 = arith.muli %arg1, %mul3A : i32
    %add3A = arith.addi %mul3A_0, %arg0 : i32
    %c0_i32 = arith.constant 0 : i32
    %c0_i32_1 = arith.constant 0 : i32
    return %add3A, %c0_i32 : i32, i32
  }
  func.func @transform_3(%arg0: i32, %arg1: i32) -> (i32, i32) {
    %c0_i32 = arith.constant 0 : i32
    %c0_i32_0 = arith.constant 0 : i32
    %c0_i32_1 = arith.constant 0 : i32
    return %c0_i32, %c0_i32_0 : i32, i32
  }
  func.func @transform_4(%arg0: i32, %arg1: i32) -> (i32, i32) {
    %c0_i32 = arith.constant 0 : i32
    %c0_i32_0 = arith.constant 0 : i32
    %c0_i32_1 = arith.constant 0 : i32
    return %c0_i32, %c0_i32_0 : i32, i32
  }
  func.func @transform_5(%arg0: i32, %arg1: i32) -> (i32, i32) {
    %c0_i32 = arith.constant 0 : i32
    %c0_i32_0 = arith.constant 0 : i32
    %c0_i32_1 = arith.constant 0 : i32
    return %c0_i32, %c0_i32_0 : i32, i32
  }
  func.func @transform_6(%arg0: i32, %arg1: i32) -> (i32, i32) {
    %mul3A = arith.constant 4 : i32
    %mul3A_0 = arith.muli %arg1, %mul3A : i32
    %add3A = arith.constant 0 : i32
    %add3A_1 = arith.addi %mul3A_0, %add3A : i32
    %add3A_2 = arith.addi %add3A_1, %arg0 : i32
    %c0_i32 = arith.constant 0 : i32
    %c0_i32_3 = arith.constant 0 : i32
    return %add3A_2, %c0_i32 : i32, i32
  }
}

module attributes {stable_mosaic.version = 14 : i64} {
  func.func @_ln_body_next(%arg0: i32, %arg1: i32, %arg2: memref<8192x2048xf32, #tpu.memory_space<any>>, %arg3: memref<512x2048xf32, #tpu.memory_space<vmem>>, %arg4: memref<512x2048xf32, #tpu.memory_space<vmem>>, %arg5: memref<512x1xi32, #tpu.memory_space<vmem>>, %arg6: memref<2x2048xf32, #tpu.memory_space<vmem>>, %arg7: memref<1x2048xf32, #tpu.memory_space<vmem>>, %arg8: memref<1x2048xf32, #tpu.memory_space<vmem>>, %arg9: memref<512x2048xf32, #tpu.memory_space<vmem>>) attributes {dimension_semantics = [#tpu.dimension_semantics<arbitrary>, #tpu.dimension_semantics<arbitrary>], iteration_bounds = array<i64: 1, 4>, scalar_prefetch = 0 : i64, scratch_operands = 0 : i64, tpu.core_type = #tpu.core_type<tc>, window_params = [{}, {transform_indices = @transform_1, window_bounds = array<i64: 512, 2048>}, {transform_indices = @transform_2, window_bounds = array<i64: 512, 2048>}, {transform_indices = @transform_3, window_bounds = array<i64: 512, 1>}, {pipeline_mode = #tpu.pipeline_mode<synchronous>, transform_indices = @transform_4, window_bounds = array<i64: 2, 2048>}, {pipeline_mode = #tpu.pipeline_mode<synchronous>, transform_indices = @transform_5, window_bounds = array<i64: 1, 2048>}, {pipeline_mode = #tpu.pipeline_mode<synchronous>, transform_indices = @transform_6, window_bounds = array<i64: 1, 2048>}, {transform_indices = @transform_7, window_bounds = array<i64: 512, 2048>}]} {
    %get3A = arith.constant 0 : index
    %get3A_0 = arith.constant 0 : index
    %get3A_1 = vector.load %arg3[%get3A, %get3A_0] : memref<512x2048xf32, #tpu.memory_space<vmem>>, vector<512x2048xf32>
    %get3A_2 = arith.constant 0 : index
    %get3A_3 = arith.constant 0 : index
    %get3A_4 = vector.load %arg4[%get3A_2, %get3A_3] : memref<512x2048xf32, #tpu.memory_space<vmem>>, vector<512x2048xf32>
    %add3A = arith.addf %get3A_1, %get3A_4 : vector<512x2048xf32>
    %get3A_5 = arith.constant 0 : index
    %get3A_6 = arith.constant 0 : index
    %get3A_7 = vector.load %arg5[%get3A_5, %get3A_6] : memref<512x1xi32, #tpu.memory_space<vmem>>, vector<512x1xi32>
    %convert_element_type3A = arith.sitofp %get3A_7 : vector<512x1xi32> to vector<512x1xf32>
    %get3A_8 = arith.constant 0 : index
    %get3A_9 = arith.constant 0 : index
    %get3A_10 = vector.load %arg6[%get3A_8, %get3A_9] : memref<2x2048xf32, #tpu.memory_space<vmem>>, vector<1x2048xf32>
    %get3A_11 = arith.constant 1 : index
    %get3A_12 = arith.constant 0 : index
    %get3A_13 = vector.load %arg6[%get3A_11, %get3A_12] : memref<2x2048xf32, #tpu.memory_space<vmem>>, vector<1x2048xf32>
    %get3A_14 = arith.constant 0 : index
    %get3A_15 = arith.constant 0 : index
    %get3A_16 = vector.load %arg6[%get3A_14, %get3A_15] : memref<2x2048xf32, #tpu.memory_space<vmem>>, vector<1x2048xf32>
    %sub3A = arith.subf %get3A_13, %get3A_16 : vector<1x2048xf32>
    %mul3A = vector.broadcast %convert_element_type3A : vector<512x1xf32> to vector<512x2048xf32>
    %mul3A_17 = vector.broadcast %sub3A : vector<1x2048xf32> to vector<512x2048xf32>
    %mul3A_18 = arith.mulf %mul3A, %mul3A_17 : vector<512x2048xf32>
    %add3A_19 = vector.broadcast %get3A_10 : vector<1x2048xf32> to vector<512x2048xf32>
    %add3A_20 = arith.addf %add3A_19, %mul3A_18 : vector<512x2048xf32>
    %add3A_21 = arith.addf %add3A, %add3A_20 : vector<512x2048xf32>
    %reduce_sum3A = arith.constant dense<0.000000e+00> : vector<512xf32>
    %reduce_sum3A_22 = vector.multi_reduction <add>, %add3A_21, %reduce_sum3A [1] : vector<512x2048xf32> to vector<512xf32>
    %broadcast_in_dim3A = vector.shape_cast %reduce_sum3A_22 : vector<512xf32> to vector<512x1xf32>
    %div3A = arith.constant 2.048000e+03 : f32
    %div3A_23 = vector.broadcast %div3A : f32 to vector<512x1xf32>
    %div3A_24 = arith.divf %broadcast_in_dim3A, %div3A_23 : vector<512x1xf32>
    %mul3A_25 = arith.mulf %add3A_21, %add3A_21 : vector<512x2048xf32>
    %reduce_sum3A_26 = arith.constant dense<0.000000e+00> : vector<512xf32>
    %reduce_sum3A_27 = vector.multi_reduction <add>, %mul3A_25, %reduce_sum3A_26 [1] : vector<512x2048xf32> to vector<512xf32>
    %broadcast_in_dim3A_28 = vector.shape_cast %reduce_sum3A_27 : vector<512xf32> to vector<512x1xf32>
    %div3A_29 = arith.constant 2.048000e+03 : f32
    %div3A_30 = vector.broadcast %div3A_29 : f32 to vector<512x1xf32>
    %div3A_31 = arith.divf %broadcast_in_dim3A_28, %div3A_30 : vector<512x1xf32>
    %mul3A_32 = arith.mulf %div3A_24, %div3A_24 : vector<512x1xf32>
    %sub3A_33 = arith.subf %div3A_31, %mul3A_32 : vector<512x1xf32>
    %add3A_34 = arith.constant 9.99999996E-13 : f32
    %add3A_35 = vector.broadcast %add3A_34 : f32 to vector<512x1xf32>
    %add3A_36 = arith.addf %sub3A_33, %add3A_35 : vector<512x1xf32>
    %rsqrt3A = math.rsqrt %add3A_36 : vector<512x1xf32>
    %sub3A_37 = vector.broadcast %div3A_24 : vector<512x1xf32> to vector<512x2048xf32>
    %sub3A_38 = arith.subf %add3A_21, %sub3A_37 : vector<512x2048xf32>
    %mul3A_39 = vector.broadcast %rsqrt3A : vector<512x1xf32> to vector<512x2048xf32>
    %mul3A_40 = arith.mulf %sub3A_38, %mul3A_39 : vector<512x2048xf32>
    %get3A_41 = arith.constant 0 : index
    %get3A_42 = arith.constant 0 : index
    %get3A_43 = vector.load %arg7[%get3A_41, %get3A_42] : memref<1x2048xf32, #tpu.memory_space<vmem>>, vector<1x2048xf32>
    %mul3A_44 = vector.broadcast %get3A_43 : vector<1x2048xf32> to vector<512x2048xf32>
    %mul3A_45 = arith.mulf %mul3A_40, %mul3A_44 : vector<512x2048xf32>
    %get3A_46 = arith.constant 0 : index
    %get3A_47 = arith.constant 0 : index
    %get3A_48 = vector.load %arg8[%get3A_46, %get3A_47] : memref<1x2048xf32, #tpu.memory_space<vmem>>, vector<1x2048xf32>
    %add3A_49 = vector.broadcast %get3A_48 : vector<1x2048xf32> to vector<512x2048xf32>
    %add3A_50 = arith.addf %mul3A_45, %add3A_49 : vector<512x2048xf32>
    %swap3A = arith.constant 0 : index
    %swap3A_51 = arith.constant 0 : index
    %swap3A_52 = vector.load %arg9[%swap3A, %swap3A_51] : memref<512x2048xf32, #tpu.memory_space<vmem>>, vector<512x2048xf32>
    tpu.vector_store %arg9[%swap3A, %swap3A_51], %add3A_50 {strides = array<i32>} : memref<512x2048xf32, #tpu.memory_space<vmem>>, vector<512x2048xf32>,
    return
  }
  func.func @transform_1(%arg0: i32, %arg1: i32) -> (i32, i32) {
    %mul3A = arith.constant 1 : i32
    %mul3A_0 = arith.muli %arg1, %mul3A : i32
    %add3A = arith.addi %mul3A_0, %arg0 : i32
    %c0_i32 = arith.constant 0 : i32
    %c0_i32_1 = arith.constant 0 : i32
    return %add3A, %c0_i32 : i32, i32
  }
  func.func @transform_2(%arg0: i32, %arg1: i32) -> (i32, i32) {
    %add3A = arith.constant 2 : i32
    %add3A_0 = arith.addi %add3A, %arg0 : i32
    %c0_i32 = arith.constant 0 : i32
    %c0_i32_1 = arith.constant 0 : i32
    return %add3A_0, %c0_i32 : i32, i32
  }
  func.func @transform_3(%arg0: i32, %arg1: i32) -> (i32, i32) {
    %mul3A = arith.constant 1 : i32
    %mul3A_0 = arith.muli %arg1, %mul3A : i32
    %add3A = arith.addi %mul3A_0, %arg0 : i32
    %c0_i32 = arith.constant 0 : i32
    %c0_i32_1 = arith.constant 0 : i32
    return %add3A, %c0_i32 : i32, i32
  }
  func.func @transform_4(%arg0: i32, %arg1: i32) -> (i32, i32) {
    %c0_i32 = arith.constant 0 : i32
    %c0_i32_0 = arith.constant 0 : i32
    %c0_i32_1 = arith.constant 0 : i32
    return %c0_i32, %c0_i32_0 : i32, i32
  }
  func.func @transform_5(%arg0: i32, %arg1: i32) -> (i32, i32) {
    %c0_i32 = arith.constant 0 : i32
    %c0_i32_0 = arith.constant 0 : i32
    %c0_i32_1 = arith.constant 0 : i32
    return %c0_i32, %c0_i32_0 : i32, i32
  }
  func.func @transform_6(%arg0: i32, %arg1: i32) -> (i32, i32) {
    %c0_i32 = arith.constant 0 : i32
    %c0_i32_0 = arith.constant 0 : i32
    %c0_i32_1 = arith.constant 0 : i32
    return %c0_i32, %c0_i32_0 : i32, i32
  }
  func.func @transform_7(%arg0: i32, %arg1: i32) -> (i32, i32) {
    %mul3A = arith.constant 4 : i32
    %mul3A_0 = arith.muli %arg1, %mul3A : i32
    %add3A = arith.constant 2 : i32
    %add3A_1 = arith.addi %mul3A_0, %add3A : i32
    %add3A_2 = arith.addi %add3A_1, %arg0 : i32
    %c0_i32 = arith.constant 0 : i32
    %c0_i32_3 = arith.constant 0 : i32
    return %add3A_2, %c0_i32 : i32, i32
  }
}

module attributes {stable_mosaic.version = 14 : i64} {
  func.func @_ln_body_next(%arg0: i32, %arg1: i32, %arg2: memref<8192x2048xf32, #tpu.memory_space<any>>, %arg3: memref<512x2048xf32, #tpu.memory_space<vmem>>, %arg4: memref<512x2048xf32, #tpu.memory_space<vmem>>, %arg5: memref<512x1xi32, #tpu.memory_space<vmem>>, %arg6: memref<2x2048xf32, #tpu.memory_space<vmem>>, %arg7: memref<1x2048xf32, #tpu.memory_space<vmem>>, %arg8: memref<1x2048xf32, #tpu.memory_space<vmem>>, %arg9: memref<512x2048xf32, #tpu.memory_space<vmem>>) attributes {dimension_semantics = [#tpu.dimension_semantics<arbitrary>, #tpu.dimension_semantics<arbitrary>], iteration_bounds = array<i64: 1, 4>, scalar_prefetch = 0 : i64, scratch_operands = 0 : i64, tpu.core_type = #tpu.core_type<tc>, window_params = [{}, {transform_indices = @transform_1, window_bounds = array<i64: 512, 2048>}, {transform_indices = @transform_2, window_bounds = array<i64: 512, 2048>}, {transform_indices = @transform_3, window_bounds = array<i64: 512, 1>}, {pipeline_mode = #tpu.pipeline_mode<synchronous>, transform_indices = @transform_4, window_bounds = array<i64: 2, 2048>}, {pipeline_mode = #tpu.pipeline_mode<synchronous>, transform_indices = @transform_5, window_bounds = array<i64: 1, 2048>}, {pipeline_mode = #tpu.pipeline_mode<synchronous>, transform_indices = @transform_6, window_bounds = array<i64: 1, 2048>}, {transform_indices = @transform_7, window_bounds = array<i64: 512, 2048>}]} {
    %get3A = arith.constant 0 : index
    %get3A_0 = arith.constant 0 : index
    %get3A_1 = vector.load %arg3[%get3A, %get3A_0] : memref<512x2048xf32, #tpu.memory_space<vmem>>, vector<512x2048xf32>
    %get3A_2 = arith.constant 0 : index
    %get3A_3 = arith.constant 0 : index
    %get3A_4 = vector.load %arg4[%get3A_2, %get3A_3] : memref<512x2048xf32, #tpu.memory_space<vmem>>, vector<512x2048xf32>
    %add3A = arith.addf %get3A_1, %get3A_4 : vector<512x2048xf32>
    %get3A_5 = arith.constant 0 : index
    %get3A_6 = arith.constant 0 : index
    %get3A_7 = vector.load %arg5[%get3A_5, %get3A_6] : memref<512x1xi32, #tpu.memory_space<vmem>>, vector<512x1xi32>
    %convert_element_type3A = arith.sitofp %get3A_7 : vector<512x1xi32> to vector<512x1xf32>
    %get3A_8 = arith.constant 0 : index
    %get3A_9 = arith.constant 0 : index
    %get3A_10 = vector.load %arg6[%get3A_8, %get3A_9] : memref<2x2048xf32, #tpu.memory_space<vmem>>, vector<1x2048xf32>
    %get3A_11 = arith.constant 1 : index
    %get3A_12 = arith.constant 0 : index
    %get3A_13 = vector.load %arg6[%get3A_11, %get3A_12] : memref<2x2048xf32, #tpu.memory_space<vmem>>, vector<1x2048xf32>
    %get3A_14 = arith.constant 0 : index
    %get3A_15 = arith.constant 0 : index
    %get3A_16 = vector.load %arg6[%get3A_14, %get3A_15] : memref<2x2048xf32, #tpu.memory_space<vmem>>, vector<1x2048xf32>
    %sub3A = arith.subf %get3A_13, %get3A_16 : vector<1x2048xf32>
    %mul3A = vector.broadcast %convert_element_type3A : vector<512x1xf32> to vector<512x2048xf32>
    %mul3A_17 = vector.broadcast %sub3A : vector<1x2048xf32> to vector<512x2048xf32>
    %mul3A_18 = arith.mulf %mul3A, %mul3A_17 : vector<512x2048xf32>
    %add3A_19 = vector.broadcast %get3A_10 : vector<1x2048xf32> to vector<512x2048xf32>
    %add3A_20 = arith.addf %add3A_19, %mul3A_18 : vector<512x2048xf32>
    %add3A_21 = arith.addf %add3A, %add3A_20 : vector<512x2048xf32>
    %reduce_sum3A = arith.constant dense<0.000000e+00> : vector<512xf32>
    %reduce_sum3A_22 = vector.multi_reduction <add>, %add3A_21, %reduce_sum3A [1] : vector<512x2048xf32> to vector<512xf32>
    %broadcast_in_dim3A = vector.shape_cast %reduce_sum3A_22 : vector<512xf32> to vector<512x1xf32>
    %div3A = arith.constant 2.048000e+03 : f32
    %div3A_23 = vector.broadcast %div3A : f32 to vector<512x1xf32>
    %div3A_24 = arith.divf %broadcast_in_dim3A, %div3A_23 : vector<512x1xf32>
    %mul3A_25 = arith.mulf %add3A_21, %add3A_21 : vector<512x2048xf32>
    %reduce_sum3A_26 = arith.constant dense<0.000000e+00> : vector<512xf32>
    %reduce_sum3A_27 = vector.multi_reduction <add>, %mul3A_25, %reduce_sum3A_26 [1] : vector<512x2048xf32> to vector<512xf32>
    %broadcast_in_dim3A_28 = vector.shape_cast %reduce_sum3A_27 : vector<512xf32> to vector<512x1xf32>
    %div3A_29 = arith.constant 2.048000e+03 : f32
    %div3A_30 = vector.broadcast %div3A_29 : f32 to vector<512x1xf32>
    %div3A_31 = arith.divf %broadcast_in_dim3A_28, %div3A_30 : vector<512x1xf32>
    %mul3A_32 = arith.mulf %div3A_24, %div3A_24 : vector<512x1xf32>
    %sub3A_33 = arith.subf %div3A_31, %mul3A_32 : vector<512x1xf32>
    %add3A_34 = arith.constant 9.99999996E-13 : f32
    %add3A_35 = vector.broadcast %add3A_34 : f32 to vector<512x1xf32>
    %add3A_36 = arith.addf %sub3A_33, %add3A_35 : vector<512x1xf32>
    %rsqrt3A = math.rsqrt %add3A_36 : vector<512x1xf32>
    %sub3A_37 = vector.broadcast %div3A_24 : vector<512x1xf32> to vector<512x2048xf32>
    %sub3A_38 = arith.subf %add3A_21, %sub3A_37 : vector<512x2048xf32>
    %mul3A_39 = vector.broadcast %rsqrt3A : vector<512x1xf32> to vector<512x2048xf32>
    %mul3A_40 = arith.mulf %sub3A_38, %mul3A_39 : vector<512x2048xf32>
    %get3A_41 = arith.constant 0 : index
    %get3A_42 = arith.constant 0 : index
    %get3A_43 = vector.load %arg7[%get3A_41, %get3A_42] : memref<1x2048xf32, #tpu.memory_space<vmem>>, vector<1x2048xf32>
    %mul3A_44 = vector.broadcast %get3A_43 : vector<1x2048xf32> to vector<512x2048xf32>
    %mul3A_45 = arith.mulf %mul3A_40, %mul3A_44 : vector<512x2048xf32>
    %get3A_46 = arith.constant 0 : index
    %get3A_47 = arith.constant 0 : index
    %get3A_48 = vector.load %arg8[%get3A_46, %get3A_47] : memref<1x2048xf32, #tpu.memory_space<vmem>>, vector<1x2048xf32>
    %add3A_49 = vector.broadcast %get3A_48 : vector<1x2048xf32> to vector<512x2048xf32>
    %add3A_50 = arith.addf %mul3A_45, %add3A_49 : vector<512x2048xf32>
    %swap3A = arith.constant 0 : index
    %swap3A_51 = arith.constant 0 : index
    %swap3A_52 = vector.load %arg9[%swap3A, %swap3A_51] : memref<512x2048xf32, #tpu.memory_space<vmem>>, vector<512x2048xf32>
    tpu.vector_store %arg9[%swap3A, %swap3A_51], %add3A_50 {strides = array<i32>} : memref<512x2048xf32, #tpu.memory_space<vmem>>, vector<512x2048xf32>,
    return
  }
  func.func @transform_1(%arg0: i32, %arg1: i32) -> (i32, i32) {
    %mul3A = arith.constant 1 : i32
    %mul3A_0 = arith.muli %arg1, %mul3A : i32
    %add3A = arith.addi %mul3A_0, %arg0 : i32
    %c0_i32 = arith.constant 0 : i32
    %c0_i32_1 = arith.constant 0 : i32
    return %add3A, %c0_i32 : i32, i32
  }
  func.func @transform_2(%arg0: i32, %arg1: i32) -> (i32, i32) {
    %add3A = arith.constant 3 : i32
    %add3A_0 = arith.addi %add3A, %arg0 : i32
    %c0_i32 = arith.constant 0 : i32
    %c0_i32_1 = arith.constant 0 : i32
    return %add3A_0, %c0_i32 : i32, i32
  }
  func.func @transform_3(%arg0: i32, %arg1: i32) -> (i32, i32) {
    %mul3A = arith.constant 1 : i32
    %mul3A_0 = arith.muli %arg1, %mul3A : i32
    %add3A = arith.addi %mul3A_0, %arg0 : i32
    %c0_i32 = arith.constant 0 : i32
    %c0_i32_1 = arith.constant 0 : i32
    return %add3A, %c0_i32 : i32, i32
  }
  func.func @transform_4(%arg0: i32, %arg1: i32) -> (i32, i32) {
    %c0_i32 = arith.constant 0 : i32
    %c0_i32_0 = arith.constant 0 : i32
    %c0_i32_1 = arith.constant 0 : i32
    return %c0_i32, %c0_i32_0 : i32, i32
  }
  func.func @transform_5(%arg0: i32, %arg1: i32) -> (i32, i32) {
    %c0_i32 = arith.constant 0 : i32
    %c0_i32_0 = arith.constant 0 : i32
    %c0_i32_1 = arith.constant 0 : i32
    return %c0_i32, %c0_i32_0 : i32, i32
  }
  func.func @transform_6(%arg0: i32, %arg1: i32) -> (i32, i32) {
    %c0_i32 = arith.constant 0 : i32
    %c0_i32_0 = arith.constant 0 : i32
    %c0_i32_1 = arith.constant 0 : i32
    return %c0_i32, %c0_i32_0 : i32, i32
  }
  func.func @transform_7(%arg0: i32, %arg1: i32) -> (i32, i32) {
    %mul3A = arith.constant 4 : i32
    %mul3A_0 = arith.muli %arg1, %mul3A : i32
    %add3A = arith.constant 3 : i32
    %add3A_1 = arith.addi %mul3A_0, %add3A : i32
    %add3A_2 = arith.addi %add3A_1, %arg0 : i32
    %c0_i32 = arith.constant 0 : i32
    %c0_i32_3 = arith.constant 0 : i32
    return %add3A_2, %c0_i32 : i32, i32
  }
}

</mosaic_0001>

<sc_bundles>
// kernel: kernel.10.cloned.1.call-start
scs
__scs_entry_jumppad:
0x0: {  	(pc) =	sbr.rel $0x88, $3  }
0x1: {  	(tag) =	ssettag $0x0;
	lr =	simm.s32 $0x1  }
0x2: {  	[smem:$0x3F9A] =	sst lr;
	_ =	strace $0xD0000000  }
0x3: {  	_ = 	snop  }
0x4: {  	_ = 	snop  }
0x5: {  	_ = 	snop  }
0x6: {  	_ = 	snop  }
0x7: {  	_ = 	snop  }
__scs_overlays_trampoline_lowered:
0x8: {  	[smem:$0x3FA9] =	sst s0  }
0x9: {  	[smem:$0x3FAA] =	sst s1  }
0xa: {  	[smem:$0x3FAB] =	sst s2  }
0xb: {  	[smem:$0x3FAC] =	sst s3  }
0xc: {  	[smem:$0x3FAD] =	sst s4  }
0xd: {  	[smem:$0x3FAE] =	sst s5  }
0xe: {  	[smem:$0x3FAF] =	sst s6  }
0xf: {  	[smem:$0x3FB0] =	sst s7  }
0x10: {  	[smem:$0x3FB1] =	sst s8  }
0x11: {  	[smem:$0x3FB2] =	sst s9;
	s0 =	simm.s32 @!p0 $0x0  }
0x12: {  	s1 =	sld [smem:$0x3F98];
	s0 =	simm.s32 @p0 $0x1  }
0x13: {  	[smem:$0x3FB3] =	sst s0;
	s0 =	simm.s32 @!p1 $0x0  }
0x14: {  	s2 =	sld [smem:$0x3F97];
	s0 =	simm.s32 @p1 $0x1  }
0x15: {  	[smem:$0x3FB4] =	sst s0;
	s0 =	simm.s32 @!p2 $0x0  }
0x16: {  	s3 =	sld [smem:$0x3FDB];
	s0 =	simm.s32 @p2 $0x1  }
0x17: {  	s4 =	simm.s32 $0x1BF5;
	[smem:$0x3FB6] =	sst s0  }
0x18: {  	s0 =	sld [smem:$0x3F99];
	_ =	swait.ge [sflag:s4], $0x0  }
0x19: {  	s7 =	sld [smem:$0x3F9A]  }
0x1a: {  	s8 =	sadd.s32 $0xFFFFE003, lr  }
0x1b: {  	s9 =	sadd.s32 $0xFFFFFEF7, lr;
	s5 =	simm.s32 $0xFFFFFFFF;
	p2 =	slt.u32 s8, $0xFFFFF086  }
0x1c: {  	p1 =	slt.u32 s9, $0xF7A;
	s5 =	simm.s32 @!p2 $0x0  }
0x1d: {  	s5 =	simm.s32 @p1 $0x1;
	p0 =	seq.s32 s7, s2  }
0x1e: {  	s7 =	smul.u32 @!p0 $0xF7A, s2;
	p2 =	seq.s32 @!p0 s5, $0x0  }
0x1f: {  	s9 =	smul.u32 $0xF7A, s1;
	s8 =	simm.s32 @!p0 $0x1BF5;
	p2 =	por !p2, p0  }
0x20: {  	[sflag:s8] =	ssyncset.s32 @!p0 $0xFFFFF086;
	s6 =	sadd.s32 @!p0 s3, s7;
	s7 =	simm.s32 @!p0 $0x108  }
0x21: {  	s3 =	sadd.s32 s3, s9;
	s6 =	sadd.s32 @!p0 $0x88, s6;
	s7 =	simm.s32 @p2 $0x1082  }
0x22: {  	[simem:s7], [sflag:s8] =	dma.local @!p0 [hbm:s6], $0xF7A  }
0x23: {  	s9 =	sor.u32 $0xD0000000, s2;
	s6 =	simm.s32 $0x108;
	_ =	swait.ge @!p0 [sflag:s8], $0x0  }
0x24: {  	s3 =	sadd.s32 $0x88, s3;
	s6 =	simm.s32 @!p1 $0x1082;
	[sflag:s4] =	ssyncset.s32 $0xFFFFF086  }
0x25: {  	[simem:s6], [sflag:s4] =	dma.local [hbm:s3], $0xF7A  }
0x26: {  	[smem:$0x3F9A] =	sst s1;
	(tag) =	ssettag s2;
	_ =	strace s9  }
0x27: {  	s1 =	sld [smem:$0x3FAA]  }
0x28: {  	s2 =	sld [smem:$0x3FAB]  }
0x29: {  	s4 =	sld [smem:$0x3FAD]  }
0x2a: {  	p0 =	seq.s32 s5, $0x0;
	s5 =	sld [smem:$0x3FAE]  }
0x2b: {  	s6 =	sld [smem:$0x3FAF]  }
0x2c: {  	s7 =	sld [smem:$0x3FB0]  }
0x2d: {  	s3 =	simm.s32 $0x108;
	s8 =	sld [smem:$0x3FB1]  }
0x2e: {  	s3 =	simm.s32 @!p0 $0x1082;
	s9 =	sld [smem:$0x3FB2]  }
0x2f: {  	lr =	sadd.s32 s0, s3;
	s0 =	sld [smem:$0x3FA9]  }
0x30: {  	s3 =	sld [smem:$0x3FAC]  }
0x31: {  	[smem:$0x3FB5] =	sst s10  }
0x32: {  	s10 =	sld [smem:$0x3FB3];
	_ =	sdelay $0x3  }
0x33: {  	p0 =	seq.s32 s10, $0x1;
	s10 =	sld [smem:$0x3FB5];
	_ =	sdelay $0x3  }
0x34: {  	[smem:$0x3FB5] =	sst s10  }
0x35: {  	s10 =	sld [smem:$0x3FB4];
	_ =	sdelay $0x3  }
0x36: {  	p1 =	seq.s32 s10, $0x1;
	s10 =	sld [smem:$0x3FB5];
	_ =	sdelay $0x3  }
0x37: {  	[smem:$0x3FB5] =	sst s10  }
0x38: {  	s10 =	sld [smem:$0x3FB6]  }
0x39: {  	_ = 	snop;
	(pc) =	sbr.ind lr, $3  }
0x3a: {  	_ = 	snop  }
0x3b: {  	_ = 	snop  }
0x3c: {  	p2 =	seq.s32 s10, $0x1;
	s10 =	sld [smem:$0x3FB5]  }
0x3d: {  	_ =	shalt  }
0x3e: {  	_ =	shalt  }
0x3f: {  	_ =	shalt  }
0x40: {  	_ =	shalt  }
0x41: {  	_ =	shalt  }
0x42: {  	_ =	shalt  }
0x43: {  	_ =	shalt  }
0x44: {  	_ =	shalt  }
0x45: {  	_ =	shalt  }
0x46: {  	_ =	shalt  }
0x47: {  	_ =	shalt  }
0x48: {  	_ =	shalt  }
0x49: {  	_ =	shalt  }
0x4a: {  	_ =	shalt  }
0x4b: {  	_ =	shalt  }
0x4c: {  	_ =	shalt  }
0x4d: {  	_ =	shalt  }
0x4e: {  	_ =	shalt  }
0x4f: {  	_ =	shalt  }
0x50: {  	_ =	shalt  }
0x51: {  	_ =	shalt  }
0x52: {  	_ =	shalt  }
0x53: {  	_ =	shalt  }
0x54: {  	_ =	shalt  }
0x55: {  	_ =	shalt  }
0x56: {  	_ =	shalt  }
0x57: {  	_ =	shalt  }
0x58: {  	_ =	shalt  }
0x59: {  	_ =	shalt  }
0x5a: {  	_ =	shalt  }
0x5b: {  	_ =	shalt  }
0x5c: {  	_ =	shalt  }
0x5d: {  	_ =	shalt  }
0x5e: {  	_ =	shalt  }
0x5f: {  	_ =	shalt  }
0x60: {  	_ =	shalt  }
0x61: {  	_ =	shalt  }
0x62: {  	_ =	shalt  }
0x63: {  	_ =	shalt  }
0x64: {  	_ =	shalt  }
0x65: {  	_ =	shalt  }
0x66: {  	_ =	shalt  }
0x67: {  	_ =	shalt  }
0x68: {  	_ =	shalt  }
0x69: {  	_ =	shalt  }
0x6a: {  	_ =	shalt  }
0x6b: {  	_ =	shalt  }
0x6c: {  	_ =	shalt  }
0x6d: {  	_ =	shalt  }
0x6e: {  	_ =	shalt  }
0x6f: {  	_ =	shalt  }
0x70: {  	_ =	shalt  }
0x71: {  	_ =	shalt  }
0x72: {  	_ =	shalt  }
0x73: {  	_ =	shalt  }
0x74: {  	_ =	shalt  }
0x75: {  	_ =	shalt  }
0x76: {  	_ =	shalt  }
0x77: {  	_ =	shalt  }
0x78: {  	_ =	shalt  }
0x79: {  	_ =	shalt  }
0x7a: {  	_ =	shalt  }
0x7b: {  	_ =	shalt  }
0x7c: {  	_ =	shalt  }
0x7d: {  	_ =	shalt  }
0x7e: {  	_ =	shalt  }
0x7f: {  	_ =	shalt  }
0x80: {  	_ =	shalt  }
0x81: {  	_ =	shalt  }
0x82: {  	_ =	shalt  }
0x83: {  	_ =	shalt  }
0x84: {  	_ =	shalt  }
0x85: {  	_ =	shalt  }
0x86: {  	_ =	shalt  }
0x87: {  	_ =	shalt  }
.Lfunc_end0:
.L_simem_size_0:
called_computation_lowered:
.L_overlay_start_0:
0x88: {  	s2 =	sld [smem:$0x3FD9]  }
0x89: {  	s3 =	sld [smem:$0x3FFE];
	_ =	sdelay $0x1  }
0x8a: {  	s1 =	srdreg.scid  }
0x8b: {  	s0 =	sand.u32 $0x1, s1  }
0x8c: {  	s17 =	sshll.u32 s0, $0xA;
	s2 =	sadd.s32 s3, s2  }
0x8d: {  	s2 =	sadd.s32 s2, s17  }
0x8e: {  	[smem:$0x3FC1] =	sst s2  }
0x8f: {  	_ = 	snop  }
0x90: {  	s2 =	sld [smem:$0x3FC7]  }
0x91: {  	s18 =	sld [smem:$0x3FD0];
	(tm) =	ssettm $0x1  }
0x92: {  	s4 =	sld [smem:$0x3FFB];
	_ =	sdelay $0x3  }
0x93: {  	_ =	strace s4  }
0x94: {  	s4 =	sld [smem:$0x3FFC];
	_ =	sdelay $0x3  }
0x95: {  	_ =	strace s4  }
0x96: {  	s4 =	sld [smem:$0x3FFD];
	_ =	sdelay $0x3  }
0x97: {  	_ =	strace s4  }
0x98: {  	_ =	strace $0x8FFFFFFF  }
0x99: {  	s19 =	sld [smem:$0x3FDB];
	_ =	sdelay $0x1  }
0x9a: {  	s5 =	simm.s32 $_scs_section_size  }
0x9b: {  	s6 =	simm.s32 $_size__tile_overlayer_lowered;
	s7 =	simm.s32 $_tile_overlayer_lowered  }
0x9c: {  	s22 =	simm.s32 $0x1BFF;
	s21 =	sshll.u32 s7, $0x1;
	s4 =	sadd.s32 s5, s19  }
0x9d: {  	s8 =	simm.s32 $0x0;
	s20 =	sshll.u32 s6, $0x1;
	s6 =	sadd.s32 s21, s4  }
0x9e: {  	[timem:s8], [sflag:s22] =	dma.local [hbm:s6], s20  }
0x9f: {  	_ =	swait.ge [sflag:s22], s20  }
0xa0: {  	s5 =	ssub.s32 $0x0, s20;
	[sflag:s22] =	ssyncset.done $0x0  }
0xa1: {  	[sflag:s22] =	ssyncadd.s32 s5;
	_ =	sdelay $0x1  }
0xa2: {  	s23 =	simm.s32 $0x1B8B  }
0xa3: {  	_ =	swait.ge [sflag:s23], $0x1  }
0xa4: {  	[sflag:s23] =	ssyncset.done $0x0  }
0xa5: {  	s25 =	simm.s32 $0x1B8E;
	s24 =	sld [smem:$0x3FFE];
	[sflag:s23] =	ssyncadd.s32 $0xFFFFFFFF  }
0xa6: {  	s26 =	simm.s32 $execute0_lowered;
	[smem:$0x3FD2] =	sst s25  }
0xa7: {  	s6 =	sshll.u32 s26, $0x1;
	_ =	strace $0x80000046;
	[dreg:$0x1] =	wrdreg $0xFFFFFFFF  }
0xa8: {  	s28 =	simm.s32 $_size_execute0_lowered;
	s4 =	sadd.s32 s4, s6;
	[dreg:$0x0] =	wrdreg $0x0  }
0xa9: {  	s6 =	sshll.u32 s28, $0x1;
	[dreg:$0x2] =	wrdreg s4  }
0xaa: {  	[dreg:$0x3] =	wrdreg s6  }
0xab: {  	[dreg:$0x4] =	wrdreg $0xC0  }
0xac: {  	_ =	task [dreg:s8], $0x5FFFF  }
0xad: {  	[dreg:$0x1] =	wrdreg $0xFFFFFFFF  }
0xae: {  	[dreg:$0x0] =	wrdreg $0x60  }
0xaf: {  	[dreg:$0x2] =	wrdreg s2  }
0xb0: {  	[dreg:$0x3] =	wrdreg s24  }
0xb1: {  	[dreg:$0x4] =	wrdreg s18  }
0xb2: {  	[dreg:$0x5] =	wrdreg $0x9  }
0xb3: {  	_ =	task.clear_ibuf [dreg:s8], $0x6FFFF;
	_ =	strace $0x90000046  }
0xb4: {  	s29 =	simm.s32 $0x9;
	_ =	strace $0x80000048  }
0xb5: {  	_ =	swait.ge [sflag:s29], $0x1  }
0xb6: {  	[sflag:s29] =	ssyncadd.s32 $0xFFFFFFFF  }
0xb7: {  	_ =	strace $0x90000048  }
0xb8: {  	_ =	sfence  }
0xb9: {  	s30 =	sld [smem:$0x0];
	_ =	sdelay $0x2  }
0xba: {  	s31 =	sshll.u32 s1, $0xD;
	s1 =	sshrl.u32 s1, $0x2  }
0xbb: {  	s3 =	sand.u32 $0x4000, s31;
	s1 =	sadd.s32 s1, s30  }
0xbc: {  	s0 =	sor.u32 s3, s0;
	s1 =	sshll.u32 s1, $0x11  }
0xbd: {  	s0 =	sor.u32 s1, s0  }
0xbe: {  	s0 =	sadd.s32 $0x8F2B, s0  }
0xbf: {  	[sflag:s0] =	ssyncadd.remote.s32 $0x1  }
0xc0: {  	_ =	sfence.sel $0xFFFF  }
0xc1: {  	[dreg:$0x0] =	wrdreg $0xFFFFFFFF;
	(pc) =	sbr.abs _section_cstart, $3  }
0xc2: {  	[dreg:$0x1] =	wrdreg $0xFFFFFFFF  }
0xc3: {  	_ =	task.clear_ibuf [dreg:s8], $0x2FFFF;
	_ =	strace $0x9FFFFFFF  }
0xc4: {  	(tm) =	ssettm $0x7FFFFFFF  }
0xc5: {  	_ =	shalt  }
tec
execute0_lowered:
.L_overlay_start_1:
0x0: {  	(tag) =	ssettag $0x1  }
0x1: {  	s1 =	rddreg [dreg:$0x0]  }
0x2: {  	s0 =	srdreg.scid;
	s2 =	rddreg [dreg:$0x1]  }
0x3: {  	s3 =	stileid.u32;
	s7 =	rddreg [dreg:$0x2]  }
0x4: {  	s29 =	simm.s32 $0x2;
	s30 =	simm.s32 $0x3;
	s31 =	simm.s32 $0x80  }
0x5: {  	s15 =	simm.s32 $0x880;
	s16 =	simm.s32 $0x1080;
	s17 =	simm.s32 $0x1880  }
0x6: {  	s18 =	simm.s32 $0x2080;
	s19 =	simm.s32 $0x2880;
	s20 =	simm.s32 $0x3080  }
0x7: {  	s21 =	simm.s32 $0x3880;
	s22 =	simm.s32 $0x4080;
	s23 =	simm.s32 $0x5080  }
0x8: {  	s13 =	simm.s32 $0x7080;
	s14 =	simm.s32 $0x7880;
	s0 =	sand.u32 $0x1, s0  }
0x9: {  	s3 =	sshll.u32 s3, $0x7;
	s6 =	sadd.s32 $0x300, s1;
	s8 =	sadd.s32 $0x400, s1  }
0xa: {  	s9 =	sadd.s32 $0x500, s1;
	s10 =	sadd.s32 $0x600, s1;
	s4 =	sshll.u32 s0, $0x6  }
0xb: {  	s11 =	sadd.s32 $0x700, s1;
	s0 =	ssub.s32 $0x2, s0;
	s5 =	sor.u32 s4, s3  }
0xc: {  	s3 =	simm.s32 $0x0;
	s24 =	sshrl.u32 s0, $0x1;
	s4 =	sshrl.u32 s5, $0x3  }
0xd: {  	[smem:$0x7FF] =	sst s3;
	s0 =	ssub.s32 s0, s24;
	s25 =	sshll.u32 s5, $0x8  }
0xe: {  	s5 =	sadd.s32 $0x200, s1;
	s24 =	simm.s32 $0x5880;
	s2 =	sadd.s32 s4, s2  }
0xf: {  	_ =	strace $0x80000047;
	s4 =	sadd.s32 $0x100, s1;
	s7 =	sadd.s32 s7, s25  }
0x10: {  	s12 =	smax.u32 s0, $0x1;
	s2 =	sadd.s32 $0x3000, s2;
	[dreg:$0x8] =	wrdreg s7  }
0x11: {  	s25 =	simm.s32 $0x6080;
	s26 =	sadd.s32 $0x2000, s7;
	[dreg:$0x4] =	wrdreg s2  }
0x12: {  	v2 =	vlaneseq.u32;
	s1 =	simm.s32 $0x8080;
	s28 =	sadd.s32 $0x3000, s7;
	[dreg:$0x6] =	wrdreg s26  }
0x13: {  	vm0 =	vmmov $0xffff;
	v1 =	vshrl.u32 v2, $0x3;
	s2 =	sadd.s32 $0x1000, s7;
	[dreg:$0x7] =	wrdreg s28;
	s7 =	simm.s32 $0x1  }
0x14: {  	v0 =	vand.u32 $0x7, v2;
	v2 =	vor.u32 $0x8, v2;
	v1 =	vmul.u32 $0x8, v1;
	s26 =	simm.s32 $0x6880;
	[dreg:$0x5] =	wrdreg s2;
	s2 =	simm.s32 $0x4  }
.LBB2_1:
0x15: {  	s0 =	rddreg [dreg:$0x4];
	s28 =	simm.s32 $0x5  }
0x16: {  	[tilespmem:s3], [sflag:$0x5] =	stream.linear.gather [hbm4b:s0+s3], $0x40, $0x38;
	[tilespmem:$0x10080] =	vst v63  }
0x17: {  	_ =	swait.ge [sflag:s28], $0x40  }
0x18: {  	[sflag:s28] =	ssyncset.done $0x0  }
0x19: {  	[sflag:s28] =	ssyncadd.s32 $0xFFFFFFC0  }
0x1a: {  	v3 =	vld [tilespmem:$0x0];
	_ =	sdelay $0x4  }
0x1b: {  	v4 =	vshll.u32 v3, $0x4  }
0x1c: {  	v3 =	vand.u32 $0x7, v3;
	v4 =	vand.u32 $0xFFFFFF80, v4  }
0x1d: {  	v3 =	vor.u32 v3, v4  }
0x1e: {  	v4 =	vperm.xlane v3, v0;
	_ =	sdelay $0x1  }
0x1f: {  	v4 =	vadd.s32 v1, v4;
	_ =	sdelay $0x3  }
0x20: {  	s28 =	rddreg [dreg:$0x0]  }
0x21: {  	[tilespmem:s31], [sflag:$0x1] =	stream.indirect_vreg.gather [hbm4b:s28+s3], $0x80, v4, vm0, $0xb8;
	[tilespmem:$0x10080] =	vst v63  }
0x22: {  	_ = 	snop  }
0x23: {  	[tilespmem:s15], [sflag:$0x1] =	stream.indirect_vreg.gather [hbm4b:s4+s3], $0x80, v4, vm0, $0xb8;
	[tilespmem:$0x10080] =	vst v63  }
0x24: {  	_ = 	snop  }
0x25: {  	[tilespmem:s16], [sflag:$0x1] =	stream.indirect_vreg.gather [hbm4b:s5+s3], $0x80, v4, vm0, $0xb8;
	[tilespmem:$0x10080] =	vst v63  }
0x26: {  	_ = 	snop  }
0x27: {  	[tilespmem:s17], [sflag:$0x1] =	stream.indirect_vreg.gather [hbm4b:s6+s3], $0x80, v4, vm0, $0xb8;
	[tilespmem:$0x10080] =	vst v63  }
0x28: {  	_ = 	snop  }
0x29: {  	[tilespmem:s18], [sflag:$0x1] =	stream.indirect_vreg.gather [hbm4b:s8+s3], $0x80, v4, vm0, $0xb8;
	[tilespmem:$0x10080] =	vst v63  }
0x2a: {  	v3 =	vperm.xlane v3, v2  }
0x2b: {  	[tilespmem:s19], [sflag:$0x1] =	stream.indirect_vreg.gather [hbm4b:s9+s3], $0x80, v4, vm0, $0xb8;
	[tilespmem:$0x10080] =	vst v63  }
0x2c: {  	v3 =	vadd.s32 v1, v3  }
0x2d: {  	[tilespmem:s20], [sflag:$0x1] =	stream.indirect_vreg.gather [hbm4b:s10+s3], $0x80, v4, vm0, $0xb8;
	[tilespmem:$0x10080] =	vst v63  }
0x2e: {  	_ = 	snop  }
0x2f: {  	[tilespmem:s21], [sflag:$0x1] =	stream.indirect_vreg.gather [hbm4b:s11+s3], $0x80, v4, vm0, $0xb8;
	[tilespmem:$0x10080] =	vst v63  }
0x30: {  	_ = 	snop  }
0x31: {  	[tilespmem:s22], [sflag:$0x1] =	stream.indirect_vreg.gather [hbm4b:s28+s3], $0x80, v3, vm0, $0xb8;
	[tilespmem:$0x10080] =	vst v63  }
0x32: {  	s0 =	simm.s32 $0x4880  }
0x33: {  	[tilespmem:s0], [sflag:$0x1] =	stream.indirect_vreg.gather [hbm4b:s4+s3], $0x80, v3, vm0, $0xb8;
	[tilespmem:$0x10080] =	vst v63  }
0x34: {  	_ = 	snop  }
0x35: {  	[tilespmem:s23], [sflag:$0x1] =	stream.indirect_vreg.gather [hbm4b:s5+s3], $0x80, v3, vm0, $0xb8;
	[tilespmem:$0x10080] =	vst v63  }
0x36: {  	_ = 	snop  }
0x37: {  	[tilespmem:s24], [sflag:$0x1] =	stream.indirect_vreg.gather [hbm4b:s6+s3], $0x80, v3, vm0, $0xb8;
	[tilespmem:$0x10080] =	vst v63  }
0x38: {  	_ = 	snop  }
0x39: {  	[tilespmem:s25], [sflag:$0x1] =	stream.indirect_vreg.gather [hbm4b:s8+s3], $0x80, v3, vm0, $0xb8;
	[tilespmem:$0x10080] =	vst v63  }
0x3a: {  	_ = 	snop  }
0x3b: {  	[tilespmem:s26], [sflag:$0x1] =	stream.indirect_vreg.gather [hbm4b:s9+s3], $0x80, v3, vm0, $0xb8;
	[tilespmem:$0x10080] =	vst v63  }
0x3c: {  	_ = 	snop  }
0x3d: {  	[tilespmem:s13], [sflag:$0x1] =	stream.indirect_vreg.gather [hbm4b:s10+s3], $0x80, v3, vm0, $0xb8;
	[tilespmem:$0x10080] =	vst v63  }
0x3e: {  	_ = 	snop  }
0x3f: {  	[tilespmem:s14], [sflag:$0x1] =	stream.indirect_vreg.gather [hbm4b:s11+s3], $0x80, v3, vm0, $0xb8;
	[tilespmem:$0x10080] =	vst v63  }
0x40: {  	v3 =	vld [tilespmem:$0x10];
	_ =	sdelay $0x4  }
0x41: {  	v61 =	vshll.u32 v3, $0x4  }
0x42: {  	v3 =	vand.u32 $0x7, v3;
	v4 =	vand.u32 $0xFFFFFF80, v61  }
0x43: {  	v3 =	vor.u32 v3, v4  }
0x44: {  	v4 =	vperm.xlane v3, v0;
	_ =	sdelay $0x1  }
0x45: {  	v4 =	vadd.s32 v1, v4;
	_ =	sdelay $0x4  }
0x46: {  	[tilespmem:s1], [sflag:$0x2] =	stream.indirect_vreg.gather [hbm4b:s28+s3], $0x80, v4, vm0, $0xb8;
	[tilespmem:$0x10080] =	vst v63  }
0x47: {  	s0 =	simm.s32 $0x8880  }
0x48: {  	[tilespmem:s0], [sflag:$0x2] =	stream.indirect_vreg.gather [hbm4b:s4+s3], $0x80, v4, vm0, $0xb8;
	[tilespmem:$0x10080] =	vst v63  }
0x49: {  	s0 =	simm.s32 $0x9080  }
0x4a: {  	[tilespmem:s0], [sflag:$0x2] =	stream.indirect_vreg.gather [hbm4b:s5+s3], $0x80, v4, vm0, $0xb8;
	[tilespmem:$0x10080] =	vst v63  }
0x4b: {  	s0 =	simm.s32 $0x9880  }
0x4c: {  	[tilespmem:s0], [sflag:$0x2] =	stream.indirect_vreg.gather [hbm4b:s6+s3], $0x80, v4, vm0, $0xb8;
	[tilespmem:$0x10080] =	vst v63  }
0x4d: {  	s0 =	simm.s32 $0xA080  }
0x4e: {  	[tilespmem:s0], [sflag:$0x2] =	stream.indirect_vreg.gather [hbm4b:s8+s3], $0x80, v4, vm0, $0xb8;
	[tilespmem:$0x10080] =	vst v63  }
0x4f: {  	v3 =	vperm.xlane v3, v2;
	s0 =	simm.s32 $0xA880  }
0x50: {  	[tilespmem:s0], [sflag:$0x2] =	stream.indirect_vreg.gather [hbm4b:s9+s3], $0x80, v4, vm0, $0xb8;
	[tilespmem:$0x10080] =	vst v63  }
0x51: {  	v3 =	vadd.s32 v1, v3;
	s0 =	simm.s32 $0xB080  }
0x52: {  	[tilespmem:s0], [sflag:$0x2] =	stream.indirect_vreg.gather [hbm4b:s10+s3], $0x80, v4, vm0, $0xb8;
	[tilespmem:$0x10080] =	vst v63  }
0x53: {  	s0 =	simm.s32 $0xB880  }
0x54: {  	[tilespmem:s0], [sflag:$0x2] =	stream.indirect_vreg.gather [hbm4b:s11+s3], $0x80, v4, vm0, $0xb8;
	[tilespmem:$0x10080] =	vst v63  }
0x55: {  	s0 =	simm.s32 $0xC080  }
0x56: {  	[tilespmem:s0], [sflag:$0x2] =	stream.indirect_vreg.gather [hbm4b:s28+s3], $0x80, v3, vm0, $0xb8;
	[tilespmem:$0x10080] =	vst v63  }
0x57: {  	s0 =	simm.s32 $0xC880  }
0x58: {  	[tilespmem:s0], [sflag:$0x2] =	stream.indirect_vreg.gather [hbm4b:s4+s3], $0x80, v3, vm0, $0xb8;
	[tilespmem:$0x10080] =	vst v63  }
0x59: {  	s0 =	simm.s32 $0xD080  }
0x5a: {  	[tilespmem:s0], [sflag:$0x2] =	stream.indirect_vreg.gather [hbm4b:s5+s3], $0x80, v3, vm0, $0xb8;
	[tilespmem:$0x10080] =	vst v63  }
0x5b: {  	s0 =	simm.s32 $0xD880  }
0x5c: {  	[tilespmem:s0], [sflag:$0x2] =	stream.indirect_vreg.gather [hbm4b:s6+s3], $0x80, v3, vm0, $0xb8;
	[tilespmem:$0x10080] =	vst v63  }
0x5d: {  	s0 =	simm.s32 $0xE080  }
0x5e: {  	[tilespmem:s0], [sflag:$0x2] =	stream.indirect_vreg.gather [hbm4b:s8+s3], $0x80, v3, vm0, $0xb8;
	[tilespmem:$0x10080] =	vst v63  }
0x5f: {  	s0 =	simm.s32 $0xE880  }
0x60: {  	[tilespmem:s0], [sflag:$0x2] =	stream.indirect_vreg.gather [hbm4b:s9+s3], $0x80, v3, vm0, $0xb8;
	[tilespmem:$0x10080] =	vst v63  }
0x61: {  	s0 =	simm.s32 $0xF080  }
0x62: {  	[tilespmem:s0], [sflag:$0x2] =	stream.indirect_vreg.gather [hbm4b:s10+s3], $0x80, v3, vm0, $0xb8;
	[tilespmem:$0x10080] =	vst v63  }
0x63: {  	s0 =	simm.s32 $0xF880  }
0x64: {  	[tilespmem:s0], [sflag:$0x2] =	stream.indirect_vreg.gather [hbm4b:s11+s3], $0x80, v3, vm0, $0xb8;
	[tilespmem:$0x10080] =	vst v63  }
0x65: {  	_ =	swait.ge [sflag:s7], $0x8000  }
0x66: {  	[sflag:s7] =	ssyncset.done $0x0  }
0x67: {  	s0 =	rddreg [dreg:$0x8];
	[sflag:s7] =	ssyncadd.s32 $0xFFFF8000  }
0x68: {  	[hbm4b:s0+s3] =	stream.linear.scatter [tilespmem:s31], [sflag:$0x3], $0x8000, $0x38;
	[tilespmem:$0x10080] =	vst v63  }
0x69: {  	_ =	swait.ge [sflag:s29], $0x8000  }
0x6a: {  	[sflag:s29] =	ssyncset.done $0x0  }
0x6b: {  	s0 =	rddreg [dreg:$0x5];
	[sflag:s29] =	ssyncadd.s32 $0xFFFF8000  }
0x6c: {  	[hbm4b:s0+s3] =	stream.linear.scatter [tilespmem:s1], [sflag:$0x4], $0x8000, $0x38;
	[tilespmem:$0x10080] =	vst v63  }
0x6d: {  	_ =	swait.ge [sflag:s30], $0x8000  }
0x6e: {  	[sflag:s30] =	ssyncset.done $0x0  }
0x6f: {  	[sflag:s30] =	ssyncadd.s32 $0xFFFF8000  }
0x70: {  	v3 =	vld [tilespmem:$0x20];
	_ =	sdelay $0x4  }
0x71: {  	v62 =	vshll.u32 v3, $0x4  }
0x72: {  	v3 =	vand.u32 $0x7, v3;
	v4 =	vand.u32 $0xFFFFFF80, v62  }
0x73: {  	v3 =	vor.u32 v3, v4  }
0x74: {  	v4 =	vperm.xlane v3, v0;
	_ =	sdelay $0x1  }
0x75: {  	v4 =	vadd.s32 v1, v4;
	_ =	sdelay $0x4  }
0x76: {  	[tilespmem:s31], [sflag:$0x1] =	stream.indirect_vreg.gather [hbm4b:s28+s3], $0x80, v4, vm0, $0xb8;
	[tilespmem:$0x10080] =	vst v63  }
0x77: {  	_ = 	snop  }
0x78: {  	[tilespmem:s15], [sflag:$0x1] =	stream.indirect_vreg.gather [hbm4b:s4+s3], $0x80, v4, vm0, $0xb8;
	[tilespmem:$0x10080] =	vst v63  }
0x79: {  	_ = 	snop  }
0x7a: {  	[tilespmem:s16], [sflag:$0x1] =	stream.indirect_vreg.gather [hbm4b:s5+s3], $0x80, v4, vm0, $0xb8;
	[tilespmem:$0x10080] =	vst v63  }
0x7b: {  	_ = 	snop  }
0x7c: {  	[tilespmem:s17], [sflag:$0x1] =	stream.indirect_vreg.gather [hbm4b:s6+s3], $0x80, v4, vm0, $0xb8;
	[tilespmem:$0x10080] =	vst v63  }
0x7d: {  	_ = 	snop  }
0x7e: {  	[tilespmem:s18], [sflag:$0x1] =	stream.indirect_vreg.gather [hbm4b:s8+s3], $0x80, v4, vm0, $0xb8;
	[tilespmem:$0x10080] =	vst v63  }
0x7f: {  	v3 =	vperm.xlane v3, v2  }
0x80: {  	[tilespmem:s19], [sflag:$0x1] =	stream.indirect_vreg.gather [hbm4b:s9+s3], $0x80, v4, vm0, $0xb8;
	[tilespmem:$0x10080] =	vst v63  }
0x81: {  	v3 =	vadd.s32 v1, v3  }
0x82: {  	[tilespmem:s20], [sflag:$0x1] =	stream.indirect_vreg.gather [hbm4b:s10+s3], $0x80, v4, vm0, $0xb8;
	[tilespmem:$0x10080] =	vst v63  }
0x83: {  	_ = 	snop  }
0x84: {  	[tilespmem:s21], [sflag:$0x1] =	stream.indirect_vreg.gather [hbm4b:s11+s3], $0x80, v4, vm0, $0xb8;
	[tilespmem:$0x10080] =	vst v63  }
0x85: {  	_ = 	snop  }
0x86: {  	[tilespmem:s22], [sflag:$0x1] =	stream.indirect_vreg.gather [hbm4b:s28+s3], $0x80, v3, vm0, $0xb8;
	[tilespmem:$0x10080] =	vst v63  }
0x87: {  	s0 =	simm.s32 $0x4880  }
0x88: {  	[tilespmem:s0], [sflag:$0x1] =	stream.indirect_vreg.gather [hbm4b:s4+s3], $0x80, v3, vm0, $0xb8;
	[tilespmem:$0x10080] =	vst v63  }
0x89: {  	_ = 	snop  }
0x8a: {  	[tilespmem:s23], [sflag:$0x1] =	stream.indirect_vreg.gather [hbm4b:s5+s3], $0x80, v3, vm0, $0xb8;
	[tilespmem:$0x10080] =	vst v63  }
0x8b: {  	_ = 	snop  }
0x8c: {  	[tilespmem:s24], [sflag:$0x1] =	stream.indirect_vreg.gather [hbm4b:s6+s3], $0x80, v3, vm0, $0xb8;
	[tilespmem:$0x10080] =	vst v63  }
0x8d: {  	_ = 	snop  }
0x8e: {  	[tilespmem:s25], [sflag:$0x1] =	stream.indirect_vreg.gather [hbm4b:s8+s3], $0x80, v3, vm0, $0xb8;
	[tilespmem:$0x10080] =	vst v63  }
0x8f: {  	_ = 	snop  }
0x90: {  	[tilespmem:s26], [sflag:$0x1] =	stream.indirect_vreg.gather [hbm4b:s9+s3], $0x80, v3, vm0, $0xb8;
	[tilespmem:$0x10080] =	vst v63  }
0x91: {  	_ = 	snop  }
0x92: {  	[tilespmem:s13], [sflag:$0x1] =	stream.indirect_vreg.gather [hbm4b:s10+s3], $0x80, v3, vm0, $0xb8;
	[tilespmem:$0x10080] =	vst v63  }
0x93: {  	_ = 	snop  }
0x94: {  	[tilespmem:s14], [sflag:$0x1] =	stream.indirect_vreg.gather [hbm4b:s11+s3], $0x80, v3, vm0, $0xb8;
	[tilespmem:$0x10080] =	vst v63  }
0x95: {  	_ =	swait.ge [sflag:s7], $0x8000  }
0x96: {  	[sflag:s7] =	ssyncset.done $0x0  }
0x97: {  	s0 =	rddreg [dreg:$0x6];
	[sflag:s7] =	ssyncadd.s32 $0xFFFF8000  }
0x98: {  	[hbm4b:s0+s3] =	stream.linear.scatter [tilespmem:s31], [sflag:$0x3], $0x8000, $0x38;
	[tilespmem:$0x10080] =	vst v63  }
0x99: {  	_ =	swait.ge [sflag:s2], $0x8000  }
0x9a: {  	[sflag:s2] =	ssyncset.done $0x0  }
0x9b: {  	[sflag:s2] =	ssyncadd.s32 $0xFFFF8000  }
0x9c: {  	v3 =	vld [tilespmem:$0x30];
	_ =	sdelay $0x4  }
0x9d: {  	v63 =	vshll.u32 v3, $0x4  }
0x9e: {  	v3 =	vand.u32 $0x7, v3;
	v4 =	vand.u32 $0xFFFFFF80, v63  }
0x9f: {  	v3 =	vor.u32 v3, v4  }
0xa0: {  	v4 =	vperm.xlane v3, v0;
	_ =	sdelay $0x1  }
0xa1: {  	v4 =	vadd.s32 v1, v4;
	_ =	sdelay $0x4  }
0xa2: {  	[tilespmem:s1], [sflag:$0x2] =	stream.indirect_vreg.gather [hbm4b:s28+s3], $0x80, v4, vm0, $0xb8;
	[tilespmem:$0x10080] =	vst v63  }
0xa3: {  	s0 =	simm.s32 $0x8880  }
0xa4: {  	[tilespmem:s0], [sflag:$0x2] =	stream.indirect_vreg.gather [hbm4b:s4+s3], $0x80, v4, vm0, $0xb8;
	[tilespmem:$0x10080] =	vst v63  }
0xa5: {  	s0 =	simm.s32 $0x9080  }
0xa6: {  	[tilespmem:s0], [sflag:$0x2] =	stream.indirect_vreg.gather [hbm4b:s5+s3], $0x80, v4, vm0, $0xb8;
	[tilespmem:$0x10080] =	vst v63  }
0xa7: {  	s0 =	simm.s32 $0x9880  }
0xa8: {  	[tilespmem:s0], [sflag:$0x2] =	stream.indirect_vreg.gather [hbm4b:s6+s3], $0x80, v4, vm0, $0xb8;
	[tilespmem:$0x10080] =	vst v63  }
0xa9: {  	s0 =	simm.s32 $0xA080  }
0xaa: {  	[tilespmem:s0], [sflag:$0x2] =	stream.indirect_vreg.gather [hbm4b:s8+s3], $0x80, v4, vm0, $0xb8;
	[tilespmem:$0x10080] =	vst v63  }
0xab: {  	v3 =	vperm.xlane v3, v2;
	s0 =	simm.s32 $0xA880  }
0xac: {  	[tilespmem:s0], [sflag:$0x2] =	stream.indirect_vreg.gather [hbm4b:s9+s3], $0x80, v4, vm0, $0xb8;
	[tilespmem:$0x10080] =	vst v63  }
0xad: {  	v3 =	vadd.s32 v1, v3;
	s0 =	simm.s32 $0xB080  }
0xae: {  	[tilespmem:s0], [sflag:$0x2] =	stream.indirect_vreg.gather [hbm4b:s10+s3], $0x80, v4, vm0, $0xb8;
	[tilespmem:$0x10080] =	vst v63  }
0xaf: {  	s0 =	simm.s32 $0xB880  }
0xb0: {  	[tilespmem:s0], [sflag:$0x2] =	stream.indirect_vreg.gather [hbm4b:s11+s3], $0x80, v4, vm0, $0xb8;
	[tilespmem:$0x10080] =	vst v63  }
0xb1: {  	s0 =	simm.s32 $0xC080  }
0xb2: {  	[tilespmem:s0], [sflag:$0x2] =	stream.indirect_vreg.gather [hbm4b:s28+s3], $0x80, v3, vm0, $0xb8;
	[tilespmem:$0x10080] =	vst v63  }
0xb3: {  	s28 =	simm.s32 $0xC880  }
0xb4: {  	[tilespmem:s28], [sflag:$0x2] =	stream.indirect_vreg.gather [hbm4b:s4+s3], $0x80, v3, vm0, $0xb8;
	[tilespmem:$0x10080] =	vst v63  }
0xb5: {  	s28 =	simm.s32 $0xD080  }
0xb6: {  	[tilespmem:s28], [sflag:$0x2] =	stream.indirect_vreg.gather [hbm4b:s5+s3], $0x80, v3, vm0, $0xb8;
	[tilespmem:$0x10080] =	vst v63  }
0xb7: {  	s28 =	simm.s32 $0xD880  }
0xb8: {  	[tilespmem:s28], [sflag:$0x2] =	stream.indirect_vreg.gather [hbm4b:s6+s3], $0x80, v3, vm0, $0xb8;
	[tilespmem:$0x10080] =	vst v63  }
0xb9: {  	s28 =	simm.s32 $0xE080  }
0xba: {  	[tilespmem:s28], [sflag:$0x2] =	stream.indirect_vreg.gather [hbm4b:s8+s3], $0x80, v3, vm0, $0xb8;
	[tilespmem:$0x10080] =	vst v63  }
0xbb: {  	s28 =	simm.s32 $0xE880  }
0xbc: {  	[tilespmem:s28], [sflag:$0x2] =	stream.indirect_vreg.gather [hbm4b:s9+s3], $0x80, v3, vm0, $0xb8;
	[tilespmem:$0x10080] =	vst v63  }
0xbd: {  	s28 =	simm.s32 $0xF080  }
0xbe: {  	[tilespmem:s28], [sflag:$0x2] =	stream.indirect_vreg.gather [hbm4b:s10+s3], $0x80, v3, vm0, $0xb8;
	[tilespmem:$0x10080] =	vst v63  }
0xbf: {  	s28 =	simm.s32 $0xF880  }
0xc0: {  	[tilespmem:s28], [sflag:$0x2] =	stream.indirect_vreg.gather [hbm4b:s11+s3], $0x80, v3, vm0, $0xb8;
	[tilespmem:$0x10080] =	vst v63  }
0xc1: {  	_ =	swait.ge [sflag:s29], $0x8000  }
0xc2: {  	[sflag:s29] =	ssyncset.done $0x0  }
0xc3: {  	s28 =	rddreg [dreg:$0x7];
	[sflag:s29] =	ssyncadd.s32 $0xFFFF8000  }
0xc4: {  	[hbm4b:s28+s3] =	stream.linear.scatter [tilespmem:s1], [sflag:$0x4], $0x8000, $0x38;
	[tilespmem:$0x10080] =	vst v63  }
0xc5: {  	p0 =	sne.s32 s12, $0x1;
	_ =	swait.ge [sflag:s30], $0x8000  }
.Ltmp0:
0xc6: {  	[sflag:s30] =	ssyncset.done $0x0;
	(pc) =	sbr.rel @p0 .LBB2_1-.Ltmp0, $4  }
0xc7: {  	[sflag:s30] =	ssyncadd.s32 $0xFFFF8000  }
0xc8: {  	_ =	swait.ge [sflag:s2], $0x8000  }
0xc9: {  	[sflag:s2] =	ssyncset.done $0x0  }
0xca: {  	s12 =	sadd.s32 $0xFFFFFFFF, s12;
	[sflag:s2] =	ssyncadd.s32 $0xFFFF8000  }
0xcb: {  	_ =	sfence.sel $0x180000  }
0xcc: {  	[bflag:$0x0] =	sbarrier.arrive $0xFFFF  }
0xcd: {  	_ =	strace $0x90000047  }
0xce: {  	s0 =	stileid.u32;
	[bflag:$0x2] =	sbarrier.arrive $0xFFFF  }
0xcf: {  	p0 =	sne.s32 s0, $0x0;
	s0 =	rddreg [dreg:$0x3]  }
0xd0: {  	s0 =	sadd.s32 @!p0 $0x100000, s0  }
0xd1: {  	[sflag:s0] =	ssyncadd.tile.s32 @!p0 $0x1;
	_ =	shalt  }
.Lfunc_end2:
_tile_overlayer_lowered:
.L_overlay_start_2:
0xd2: {  	(tag) =	ssettag $0x2  }
0xd3: {  	s0 =	rddreg [dreg:$0x0];
	s2 =	stileid.u32  }
0xd4: {  	s1 =	rddreg [dreg:$0x1];
	p0 =	sne.s32 s2, $0x0  }
0xd5: {  	s3 =	rddreg [dreg:$0x2];
	[bflag:$0x3] =	sbarrier.arrive $0xFFFF;
	s2 =	simm.s32 @!p0 $0x1C05  }
0xd6: {  	[timem:s3], [sflag:s2] =	dma.local @!p0 [hbm:s0], s1  }
0xd7: {  	s0 =	simm.s32 @!p0 $0x5  }
0xd8: {  	_ =	swait.ge @!p0 [sflag:s0], s1  }
0xd9: {  	s1 =	ssub.s32 @!p0 $0x0, s1;
	[sflag:s0] =	ssyncset.done @!p0 $0x0  }
0xda: {  	[sflag:s0] =	ssyncadd.s32 @!p0 s1  }
0xdb: {  	[bflag:$0x3] =	sbarrier.arrive $0xFFFF  }
0xdc: {  	_ =	shalt  }

// kernel: kernel.13.cloned.1.call-start
scs
__scs_entry_jumppad:
0x0: {  	(pc) =	sbr.rel $0x88, $3  }
0x1: {  	(tag) =	ssettag $0x0;
	lr =	simm.s32 $0x1  }
0x2: {  	[smem:$0x3F9A] =	sst lr;
	_ =	strace $0xD0000000  }
0x3: {  	_ = 	snop  }
0x4: {  	_ = 	snop  }
0x5: {  	_ = 	snop  }
0x6: {  	_ = 	snop  }
0x7: {  	_ = 	snop  }
__scs_overlays_trampoline_lowered:
0x8: {  	[smem:$0x3FA9] =	sst s0  }
0x9: {  	[smem:$0x3FAA] =	sst s1  }
0xa: {  	[smem:$0x3FAB] =	sst s2  }
0xb: {  	[smem:$0x3FAC] =	sst s3  }
0xc: {  	[smem:$0x3FAD] =	sst s4  }
0xd: {  	[smem:$0x3FAE] =	sst s5  }
0xe: {  	[smem:$0x3FAF] =	sst s6  }
0xf: {  	[smem:$0x3FB0] =	sst s7  }
0x10: {  	[smem:$0x3FB1] =	sst s8  }
0x11: {  	[smem:$0x3FB2] =	sst s9;
	s0 =	simm.s32 @!p0 $0x0  }
0x12: {  	s1 =	sld [smem:$0x3F98];
	s0 =	simm.s32 @p0 $0x1  }
0x13: {  	[smem:$0x3FB3] =	sst s0;
	s0 =	simm.s32 @!p1 $0x0  }
0x14: {  	s2 =	sld [smem:$0x3F97];
	s0 =	simm.s32 @p1 $0x1  }
0x15: {  	[smem:$0x3FB4] =	sst s0;
	s0 =	simm.s32 @!p2 $0x0  }
0x16: {  	s3 =	sld [smem:$0x3FDB];
	s0 =	simm.s32 @p2 $0x1  }
0x17: {  	s4 =	simm.s32 $0x1BF5;
	[smem:$0x3FB6] =	sst s0  }
0x18: {  	s0 =	sld [smem:$0x3F99];
	_ =	swait.ge [sflag:s4], $0x0  }
0x19: {  	s7 =	sld [smem:$0x3F9A]  }
0x1a: {  	s8 =	sadd.s32 $0xFFFFE003, lr  }
0x1b: {  	s9 =	sadd.s32 $0xFFFFFEF7, lr;
	s5 =	simm.s32 $0xFFFFFFFF;
	p2 =	slt.u32 s8, $0xFFFFF086  }
0x1c: {  	p1 =	slt.u32 s9, $0xF7A;
	s5 =	simm.s32 @!p2 $0x0  }
0x1d: {  	s5 =	simm.s32 @p1 $0x1;
	p0 =	seq.s32 s7, s2  }
0x1e: {  	s7 =	smul.u32 @!p0 $0xF7A, s2;
	p2 =	seq.s32 @!p0 s5, $0x0  }
0x1f: {  	s9 =	smul.u32 $0xF7A, s1;
	s8 =	simm.s32 @!p0 $0x1BF5;
	p2 =	por !p2, p0  }
0x20: {  	[sflag:s8] =	ssyncset.s32 @!p0 $0xFFFFF086;
	s6 =	sadd.s32 @!p0 s3, s7;
	s7 =	simm.s32 @!p0 $0x108  }
0x21: {  	s3 =	sadd.s32 s3, s9;
	s6 =	sadd.s32 @!p0 $0x88, s6;
	s7 =	simm.s32 @p2 $0x1082  }
0x22: {  	[simem:s7], [sflag:s8] =	dma.local @!p0 [hbm:s6], $0xF7A  }
0x23: {  	s9 =	sor.u32 $0xD0000000, s2;
	s6 =	simm.s32 $0x108;
	_ =	swait.ge @!p0 [sflag:s8], $0x0  }
0x24: {  	s3 =	sadd.s32 $0x88, s3;
	s6 =	simm.s32 @!p1 $0x1082;
	[sflag:s4] =	ssyncset.s32 $0xFFFFF086  }
0x25: {  	[simem:s6], [sflag:s4] =	dma.local [hbm:s3], $0xF7A  }
0x26: {  	[smem:$0x3F9A] =	sst s1;
	(tag) =	ssettag s2;
	_ =	strace s9  }
0x27: {  	s1 =	sld [smem:$0x3FAA]  }
0x28: {  	s2 =	sld [smem:$0x3FAB]  }
0x29: {  	s4 =	sld [smem:$0x3FAD]  }
0x2a: {  	p0 =	seq.s32 s5, $0x0;
	s5 =	sld [smem:$0x3FAE]  }
0x2b: {  	s6 =	sld [smem:$0x3FAF]  }
0x2c: {  	s7 =	sld [smem:$0x3FB0]  }
0x2d: {  	s3 =	simm.s32 $0x108;
	s8 =	sld [smem:$0x3FB1]  }
0x2e: {  	s3 =	simm.s32 @!p0 $0x1082;
	s9 =	sld [smem:$0x3FB2]  }
0x2f: {  	lr =	sadd.s32 s0, s3;
	s0 =	sld [smem:$0x3FA9]  }
0x30: {  	s3 =	sld [smem:$0x3FAC]  }
0x31: {  	[smem:$0x3FB5] =	sst s10  }
0x32: {  	s10 =	sld [smem:$0x3FB3];
	_ =	sdelay $0x3  }
0x33: {  	p0 =	seq.s32 s10, $0x1;
	s10 =	sld [smem:$0x3FB5];
	_ =	sdelay $0x3  }
0x34: {  	[smem:$0x3FB5] =	sst s10  }
0x35: {  	s10 =	sld [smem:$0x3FB4];
	_ =	sdelay $0x3  }
0x36: {  	p1 =	seq.s32 s10, $0x1;
	s10 =	sld [smem:$0x3FB5];
	_ =	sdelay $0x3  }
0x37: {  	[smem:$0x3FB5] =	sst s10  }
0x38: {  	s10 =	sld [smem:$0x3FB6]  }
0x39: {  	_ = 	snop;
	(pc) =	sbr.ind lr, $3  }
0x3a: {  	_ = 	snop  }
0x3b: {  	_ = 	snop  }
0x3c: {  	p2 =	seq.s32 s10, $0x1;
	s10 =	sld [smem:$0x3FB5]  }
0x3d: {  	_ =	shalt  }
0x3e: {  	_ =	shalt  }
0x3f: {  	_ =	shalt  }
0x40: {  	_ =	shalt  }
0x41: {  	_ =	shalt  }
0x42: {  	_ =	shalt  }
0x43: {  	_ =	shalt  }
0x44: {  	_ =	shalt  }
0x45: {  	_ =	shalt  }
0x46: {  	_ =	shalt  }
0x47: {  	_ =	shalt  }
0x48: {  	_ =	shalt  }
0x49: {  	_ =	shalt  }
0x4a: {  	_ =	shalt  }
0x4b: {  	_ =	shalt  }
0x4c: {  	_ =	shalt  }
0x4d: {  	_ =	shalt  }
0x4e: {  	_ =	shalt  }
0x4f: {  	_ =	shalt  }
0x50: {  	_ =	shalt  }
0x51: {  	_ =	shalt  }
0x52: {  	_ =	shalt  }
0x53: {  	_ =	shalt  }
0x54: {  	_ =	shalt  }
0x55: {  	_ =	shalt  }
0x56: {  	_ =	shalt  }
0x57: {  	_ =	shalt  }
0x58: {  	_ =	shalt  }
0x59: {  	_ =	shalt  }
0x5a: {  	_ =	shalt  }
0x5b: {  	_ =	shalt  }
0x5c: {  	_ =	shalt  }
0x5d: {  	_ =	shalt  }
0x5e: {  	_ =	shalt  }
0x5f: {  	_ =	shalt  }
0x60: {  	_ =	shalt  }
0x61: {  	_ =	shalt  }
0x62: {  	_ =	shalt  }
0x63: {  	_ =	shalt  }
0x64: {  	_ =	shalt  }
0x65: {  	_ =	shalt  }
0x66: {  	_ =	shalt  }
0x67: {  	_ =	shalt  }
0x68: {  	_ =	shalt  }
0x69: {  	_ =	shalt  }
0x6a: {  	_ =	shalt  }
0x6b: {  	_ =	shalt  }
0x6c: {  	_ =	shalt  }
0x6d: {  	_ =	shalt  }
0x6e: {  	_ =	shalt  }
0x6f: {  	_ =	shalt  }
0x70: {  	_ =	shalt  }
0x71: {  	_ =	shalt  }
0x72: {  	_ =	shalt  }
0x73: {  	_ =	shalt  }
0x74: {  	_ =	shalt  }
0x75: {  	_ =	shalt  }
0x76: {  	_ =	shalt  }
0x77: {  	_ =	shalt  }
0x78: {  	_ =	shalt  }
0x79: {  	_ =	shalt  }
0x7a: {  	_ =	shalt  }
0x7b: {  	_ =	shalt  }
0x7c: {  	_ =	shalt  }
0x7d: {  	_ =	shalt  }
0x7e: {  	_ =	shalt  }
0x7f: {  	_ =	shalt  }
0x80: {  	_ =	shalt  }
0x81: {  	_ =	shalt  }
0x82: {  	_ =	shalt  }
0x83: {  	_ =	shalt  }
0x84: {  	_ =	shalt  }
0x85: {  	_ =	shalt  }
0x86: {  	_ =	shalt  }
0x87: {  	_ =	shalt  }
.Lfunc_end0:
.L_simem_size_0:
called_computation.1_lowered:
.L_overlay_start_0:
0x88: {  	s2 =	sld [smem:$0x3FD9]  }
0x89: {  	s3 =	sld [smem:$0x3FFE];
	_ =	sdelay $0x1  }
0x8a: {  	s1 =	srdreg.scid  }
0x8b: {  	s0 =	sand.u32 $0x1, s1  }
0x8c: {  	s17 =	sshll.u32 s0, $0xA;
	s2 =	sadd.s32 s3, s2  }
0x8d: {  	s2 =	sadd.s32 s2, s17  }
0x8e: {  	[smem:$0x3FC1] =	sst s2  }
0x8f: {  	_ = 	snop  }
0x90: {  	s18 =	sld [smem:$0x3FC7];
	(tm) =	ssettm $0x1  }
0x91: {  	s19 =	sld [smem:$0x3FFB];
	_ =	sdelay $0x3  }
0x92: {  	_ =	strace s19  }
0x93: {  	s2 =	sld [smem:$0x3FFC];
	_ =	sdelay $0x3  }
0x94: {  	_ =	strace s2  }
0x95: {  	s2 =	sld [smem:$0x3FFD];
	_ =	sdelay $0x3  }
0x96: {  	_ =	strace s2  }
0x97: {  	_ =	strace $0x8FFFFFFF  }
0x98: {  	s20 =	sld [smem:$0x3FDB];
	_ =	sdelay $0x1  }
0x99: {  	s4 =	simm.s32 $_scs_section_size  }
0x9a: {  	s5 =	simm.s32 $_size__tile_overlayer_lowered;
	s6 =	simm.s32 $_tile_overlayer_lowered  }
0x9b: {  	s7 =	simm.s32 $0x1BFF;
	s21 =	sshll.u32 s6, $0x1;
	s4 =	sadd.s32 s4, s20  }
0x9c: {  	s22 =	simm.s32 $0x0;
	s5 =	sshll.u32 s5, $0x1;
	s6 =	sadd.s32 s21, s4  }
0x9d: {  	[timem:s22], [sflag:s7] =	dma.local [hbm:s6], s5  }
0x9e: {  	_ =	swait.ge [sflag:s7], s5  }
0x9f: {  	s5 =	ssub.s32 $0x0, s5;
	[sflag:s7] =	ssyncset.done $0x0  }
0xa0: {  	[sflag:s7] =	ssyncadd.s32 s5;
	_ =	sdelay $0x1  }
0xa1: {  	s23 =	simm.s32 $0x1B8B  }
0xa2: {  	_ =	swait.ge [sflag:s23], $0x1  }
0xa3: {  	[sflag:s23] =	ssyncset.done $0x0  }
0xa4: {  	[sflag:s23] =	ssyncadd.s32 $0xFFFFFFFF  }
0xa5: {  	s5 =	sld [smem:$0x0]  }
0xa6: {  	s6 =	sand.u32 $0xFFFFFFFE, s1  }
0xa7: {  	p0 =	sne.s32 s1, s6  }
0xa8: {  	s6 =	sshll.u32 @p0 s6, $0xE  }
0xa9: {  	s6 =	sadd.s32 @p0 $0x11B8D, s6;
	s7 =	sshll.u32 @p0 s5, $0x11  }
0xaa: {  	s6 =	sor.u32 @p0 s7, s6  }
0xab: {  	[sflag:s6] =	ssyncadd.remote.s32 @p0 $0x1;
	_ =	sdelay $0x1  }
0xac: {  	s6 =	simm.s32 @p0 $0x1B8D  }
0xad: {  	_ =	swait.eq @p0 [sflag:s6], $0x1  }
0xae: {  	[sflag:s6] =	ssyncadd.s32 @p0 $0xFFFFFFFF  }
0xaf: {  	s7 =	sshll.u32 @!p0 s1, $0xE  }
0xb0: {  	s7 =	sor.u32 @!p0 $0x4000, s7;
	s6 =	simm.s32 @!p0 $0x1B8D  }
0xb1: {  	s5 =	sshll.u32 @!p0 s5, $0x11;
	s7 =	sadd.s32 @!p0 $0x11B8D, s7;
	_ =	swait.eq @!p0 [sflag:s6], $0x1  }
0xb2: {  	s5 =	sor.u32 @!p0 s5, s7;
	[sflag:s6] =	ssyncadd.s32 @!p0 $0xFFFFFFFF  }
0xb3: {  	s25 =	simm.s32 $0x1B8E;
	s24 =	sld [smem:$0x3FFE];
	[sflag:s5] =	ssyncadd.remote.s32 @!p0 $0x1  }
0xb4: {  	s26 =	simm.s32 $execute0_lowered;
	[smem:$0x3FD2] =	sst s25  }
0xb5: {  	s6 =	sshll.u32 s26, $0x1;
	_ =	strace $0x80000049;
	[dreg:$0x1] =	wrdreg $0xFFFFFFFF  }
0xb6: {  	s28 =	simm.s32 $_size_execute0_lowered;
	s4 =	sadd.s32 s4, s6;
	[dreg:$0x0] =	wrdreg $0x0  }
0xb7: {  	s6 =	sshll.u32 s28, $0x1;
	[dreg:$0x2] =	wrdreg s4  }
0xb8: {  	[dreg:$0x3] =	wrdreg s6  }
0xb9: {  	[dreg:$0x4] =	wrdreg $0xC0  }
0xba: {  	_ =	task [dreg:s22], $0x5FFFF  }
0xbb: {  	[dreg:$0x1] =	wrdreg $0xFFFFFFFF  }
0xbc: {  	[dreg:$0x0] =	wrdreg $0x60  }
0xbd: {  	[dreg:$0x2] =	wrdreg s18  }
0xbe: {  	[dreg:$0x3] =	wrdreg s24  }
0xbf: {  	[dreg:$0x4] =	wrdreg $0xA  }
0xc0: {  	_ =	task.clear_ibuf [dreg:s22], $0x5FFFF;
	_ =	strace $0x90000049  }
0xc1: {  	s29 =	simm.s32 $0xA;
	_ =	strace $0x8000004B  }
0xc2: {  	_ =	swait.ge [sflag:s29], $0x1  }
0xc3: {  	[sflag:s29] =	ssyncadd.s32 $0xFFFFFFFF  }
0xc4: {  	_ =	strace $0x9000004B  }
0xc5: {  	_ =	sfence  }
0xc6: {  	s30 =	sld [smem:$0x0];
	_ =	sdelay $0x2  }
0xc7: {  	s31 =	sshll.u32 s1, $0xD;
	s1 =	sshrl.u32 s1, $0x2  }
0xc8: {  	s4 =	sand.u32 $0x4000, s31;
	s1 =	sadd.s32 s1, s30  }
0xc9: {  	s0 =	sor.u32 s4, s0;
	s1 =	sshll.u32 s1, $0x11  }
0xca: {  	s0 =	sor.u32 s1, s0  }
0xcb: {  	s0 =	sadd.s32 $0x8F2B, s0  }
0xcc: {  	[sflag:s0] =	ssyncadd.remote.s32 $0x1  }
0xcd: {  	_ =	sfence.sel $0xFFFF  }
0xce: {  	[dreg:$0x0] =	wrdreg $0xFFFFFFFF;
	(pc) =	sbr.abs _section_cstart, $3  }
0xcf: {  	[dreg:$0x1] =	wrdreg $0xFFFFFFFF  }
0xd0: {  	_ =	task.clear_ibuf [dreg:s22], $0x2FFFF;
	_ =	strace $0x9FFFFFFF  }
0xd1: {  	(tm) =	ssettm $0x7FFFFFFF  }
tec
execute0_lowered:
.L_overlay_start_1:
0x0: {  	(tag) =	ssettag $0x1  }
0x1: {  	s2 =	rddreg [dreg:$0x0]  }
0x2: {  	s0 =	rddreg [dreg:$0x1]  }
0x3: {  	s1 =	srdreg.scid;
	s4 =	stileid.u32;
	s3 =	simm.s32 $0x0  }
0x4: {  	s28 =	simm.s32 $0x2;
	s29 =	simm.s32 $0x3;
	s31 =	simm.s32 $0x4  }
0x5: {  	s30 =	simm.s32 $0x80;
	s14 =	simm.s32 $0x1080;
	s15 =	simm.s32 $0x1880  }
0x6: {  	s16 =	simm.s32 $0x2080;
	s17 =	simm.s32 $0x2880;
	s18 =	simm.s32 $0x3080  }
0x7: {  	s19 =	simm.s32 $0x3880;
	s20 =	simm.s32 $0x4080;
	s21 =	simm.s32 $0x4880  }
0x8: {  	s22 =	simm.s32 $0x5080;
	s23 =	simm.s32 $0x5880;
	s24 =	simm.s32 $0x6080  }
0x9: {  	s25 =	simm.s32 $0x6880;
	s12 =	simm.s32 $0x7080;
	s1 =	sand.u32 $0x1, s1  }
0xa: {  	s13 =	simm.s32 $0x7880;
	s4 =	sshll.u32 s4, $0x7;
	s5 =	sshll.u32 s1, $0x6  }
0xb: {  	[smem:$0x7FF] =	sst s3;
	s7 =	sadd.s32 $0x400, s2;
	s4 =	sor.u32 s5, s4  }
0xc: {  	s8 =	sadd.s32 $0x500, s2;
	_ =	strace $0x8000004A;
	s5 =	sshrl.u32 s4, $0x3  }
0xd: {  	s1 =	ssub.s32 $0x2, s1;
	s4 =	sshll.u32 s4, $0x8;
	s5 =	sadd.s32 s5, s0  }
0xe: {  	s6 =	sshrl.u32 s1, $0x1;
	s0 =	sadd.s32 s4, s0;
	s26 =	sadd.s32 $0x2A00, s5  }
0xf: {  	s1 =	ssub.s32 s1, s6;
	s9 =	sadd.s32 $0x3200, s0;
	[dreg:$0x3] =	wrdreg s26  }
0x10: {  	s6 =	sadd.s32 $0x300, s2;
	s10 =	sadd.s32 $0x4200, s0;
	[dreg:$0x4] =	wrdreg s9  }
0x11: {  	s4 =	sadd.s32 $0x100, s2;
	s11 =	sadd.s32 $0x5200, s0;
	[dreg:$0x5] =	wrdreg s10  }
0x12: {  	v2 =	vlaneseq.u32;
	s5 =	sadd.s32 $0x200, s2;
	s0 =	sadd.s32 $0x6200, s0;
	[dreg:$0x6] =	wrdreg s11  }
0x13: {  	vm0 =	vmmov $0xffff;
	v1 =	vshrl.u32 v2, $0x3;
	s9 =	sadd.s32 $0x600, s2;
	s10 =	sadd.s32 $0x700, s2;
	[dreg:$0x7] =	wrdreg s0  }
0x14: {  	v0 =	vand.u32 $0x7, v2;
	v2 =	vor.u32 $0x8, v2;
	v1 =	vmul.u32 $0x8, v1;
	s11 =	smax.u32 s1, $0x1;
	s26 =	simm.s32 $0x1;
	s2 =	simm.s32 $0x8080  }
.LBB2_1:
0x15: {  	s0 =	rddreg [dreg:$0x3];
	s1 =	simm.s32 $0x5  }
0x16: {  	[tilespmem:s3], [sflag:$0x5] =	stream.linear.gather [hbm4b:s0+s3], $0x40, $0x38;
	[tilespmem:$0x10080] =	vst v63  }
0x17: {  	_ =	swait.ge [sflag:s1], $0x40  }
0x18: {  	[sflag:s1] =	ssyncset.done $0x0  }
0x19: {  	[sflag:s1] =	ssyncadd.s32 $0xFFFFFFC0  }
0x1a: {  	v3 =	vld [tilespmem:$0x0];
	_ =	sdelay $0x4  }
0x1b: {  	v4 =	vshll.u32 v3, $0x4  }
0x1c: {  	v3 =	vand.u32 $0x7, v3;
	v4 =	vand.u32 $0xFFFFFF80, v4  }
0x1d: {  	v3 =	vor.u32 v3, v4  }
0x1e: {  	v4 =	vperm.xlane v3, v0;
	_ =	sdelay $0x1  }
0x1f: {  	v4 =	vadd.s32 v1, v4;
	_ =	sdelay $0x3  }
0x20: {  	s1 =	rddreg [dreg:$0x0]  }
0x21: {  	[tilespmem:s30], [sflag:$0x1] =	stream.indirect_vreg.gather [hbm4b:s1+s3], $0x80, v4, vm0, $0xb8;
	[tilespmem:$0x10080] =	vst v63  }
0x22: {  	s0 =	simm.s32 $0x880  }
0x23: {  	[tilespmem:s0], [sflag:$0x1] =	stream.indirect_vreg.gather [hbm4b:s4+s3], $0x80, v4, vm0, $0xb8;
	[tilespmem:$0x10080] =	vst v63  }
0x24: {  	_ = 	snop  }
0x25: {  	[tilespmem:s14], [sflag:$0x1] =	stream.indirect_vreg.gather [hbm4b:s5+s3], $0x80, v4, vm0, $0xb8;
	[tilespmem:$0x10080] =	vst v63  }
0x26: {  	_ = 	snop  }
0x27: {  	[tilespmem:s15], [sflag:$0x1] =	stream.indirect_vreg.gather [hbm4b:s6+s3], $0x80, v4, vm0, $0xb8;
	[tilespmem:$0x10080] =	vst v63  }
0x28: {  	_ = 	snop  }
0x29: {  	[tilespmem:s16], [sflag:$0x1] =	stream.indirect_vreg.gather [hbm4b:s7+s3], $0x80, v4, vm0, $0xb8;
	[tilespmem:$0x10080] =	vst v63  }
0x2a: {  	v3 =	vperm.xlane v3, v2  }
0x2b: {  	[tilespmem:s17], [sflag:$0x1] =	stream.indirect_vreg.gather [hbm4b:s8+s3], $0x80, v4, vm0, $0xb8;
	[tilespmem:$0x10080] =	vst v63  }
0x2c: {  	v3 =	vadd.s32 v1, v3  }
0x2d: {  	[tilespmem:s18], [sflag:$0x1] =	stream.indirect_vreg.gather [hbm4b:s9+s3], $0x80, v4, vm0, $0xb8;
	[tilespmem:$0x10080] =	vst v63  }
0x2e: {  	_ = 	snop  }
0x2f: {  	[tilespmem:s19], [sflag:$0x1] =	stream.indirect_vreg.gather [hbm4b:s10+s3], $0x80, v4, vm0, $0xb8;
	[tilespmem:$0x10080] =	vst v63  }
0x30: {  	_ = 	snop  }
0x31: {  	[tilespmem:s20], [sflag:$0x1] =	stream.indirect_vreg.gather [hbm4b:s1+s3], $0x80, v3, vm0, $0xb8;
	[tilespmem:$0x10080] =	vst v63  }
0x32: {  	_ = 	snop  }
0x33: {  	[tilespmem:s21], [sflag:$0x1] =	stream.indirect_vreg.gather [hbm4b:s4+s3], $0x80, v3, vm0, $0xb8;
	[tilespmem:$0x10080] =	vst v63  }
0x34: {  	_ = 	snop  }
0x35: {  	[tilespmem:s22], [sflag:$0x1] =	stream.indirect_vreg.gather [hbm4b:s5+s3], $0x80, v3, vm0, $0xb8;
	[tilespmem:$0x10080] =	vst v63  }
0x36: {  	_ = 	snop  }
0x37: {  	[tilespmem:s23], [sflag:$0x1] =	stream.indirect_vreg.gather [hbm4b:s6+s3], $0x80, v3, vm0, $0xb8;
	[tilespmem:$0x10080] =	vst v63  }
0x38: {  	_ = 	snop  }
0x39: {  	[tilespmem:s24], [sflag:$0x1] =	stream.indirect_vreg.gather [hbm4b:s7+s3], $0x80, v3, vm0, $0xb8;
	[tilespmem:$0x10080] =	vst v63  }
0x3a: {  	_ = 	snop  }
0x3b: {  	[tilespmem:s25], [sflag:$0x1] =	stream.indirect_vreg.gather [hbm4b:s8+s3], $0x80, v3, vm0, $0xb8;
	[tilespmem:$0x10080] =	vst v63  }
0x3c: {  	_ = 	snop  }
0x3d: {  	[tilespmem:s12], [sflag:$0x1] =	stream.indirect_vreg.gather [hbm4b:s9+s3], $0x80, v3, vm0, $0xb8;
	[tilespmem:$0x10080] =	vst v63  }
0x3e: {  	_ = 	snop  }
0x3f: {  	[tilespmem:s13], [sflag:$0x1] =	stream.indirect_vreg.gather [hbm4b:s10+s3], $0x80, v3, vm0, $0xb8;
	[tilespmem:$0x10080] =	vst v63  }
0x40: {  	v3 =	vld [tilespmem:$0x10];
	_ =	sdelay $0x4  }
0x41: {  	v61 =	vshll.u32 v3, $0x4  }
0x42: {  	v3 =	vand.u32 $0x7, v3;
	v4 =	vand.u32 $0xFFFFFF80, v61  }
0x43: {  	v3 =	vor.u32 v3, v4  }
0x44: {  	v4 =	vperm.xlane v3, v0;
	_ =	sdelay $0x1  }
0x45: {  	v4 =	vadd.s32 v1, v4;
	_ =	sdelay $0x4  }
0x46: {  	[tilespmem:s2], [sflag:$0x2] =	stream.indirect_vreg.gather [hbm4b:s1+s3], $0x80, v4, vm0, $0xb8;
	[tilespmem:$0x10080] =	vst v63  }
0x47: {  	s0 =	simm.s32 $0x8880  }
0x48: {  	[tilespmem:s0], [sflag:$0x2] =	stream.indirect_vreg.gather [hbm4b:s4+s3], $0x80, v4, vm0, $0xb8;
	[tilespmem:$0x10080] =	vst v63  }
0x49: {  	s0 =	simm.s32 $0x9080  }
0x4a: {  	[tilespmem:s0], [sflag:$0x2] =	stream.indirect_vreg.gather [hbm4b:s5+s3], $0x80, v4, vm0, $0xb8;
	[tilespmem:$0x10080] =	vst v63  }
0x4b: {  	s0 =	simm.s32 $0x9880  }
0x4c: {  	[tilespmem:s0], [sflag:$0x2] =	stream.indirect_vreg.gather [hbm4b:s6+s3], $0x80, v4, vm0, $0xb8;
	[tilespmem:$0x10080] =	vst v63  }
0x4d: {  	s0 =	simm.s32 $0xA080  }
0x4e: {  	[tilespmem:s0], [sflag:$0x2] =	stream.indirect_vreg.gather [hbm4b:s7+s3], $0x80, v4, vm0, $0xb8;
	[tilespmem:$0x10080] =	vst v63  }
0x4f: {  	v3 =	vperm.xlane v3, v2;
	s0 =	simm.s32 $0xA880  }
0x50: {  	[tilespmem:s0], [sflag:$0x2] =	stream.indirect_vreg.gather [hbm4b:s8+s3], $0x80, v4, vm0, $0xb8;
	[tilespmem:$0x10080] =	vst v63  }
0x51: {  	v3 =	vadd.s32 v1, v3;
	s0 =	simm.s32 $0xB080  }
0x52: {  	[tilespmem:s0], [sflag:$0x2] =	stream.indirect_vreg.gather [hbm4b:s9+s3], $0x80, v4, vm0, $0xb8;
	[tilespmem:$0x10080] =	vst v63  }
0x53: {  	s0 =	simm.s32 $0xB880  }
0x54: {  	[tilespmem:s0], [sflag:$0x2] =	stream.indirect_vreg.gather [hbm4b:s10+s3], $0x80, v4, vm0, $0xb8;
	[tilespmem:$0x10080] =	vst v63  }
0x55: {  	s0 =	simm.s32 $0xC080  }
0x56: {  	[tilespmem:s0], [sflag:$0x2] =	stream.indirect_vreg.gather [hbm4b:s1+s3], $0x80, v3, vm0, $0xb8;
	[tilespmem:$0x10080] =	vst v63  }
0x57: {  	s0 =	simm.s32 $0xC880  }
0x58: {  	[tilespmem:s0], [sflag:$0x2] =	stream.indirect_vreg.gather [hbm4b:s4+s3], $0x80, v3, vm0, $0xb8;
	[tilespmem:$0x10080] =	vst v63  }
0x59: {  	s0 =	simm.s32 $0xD080  }
0x5a: {  	[tilespmem:s0], [sflag:$0x2] =	stream.indirect_vreg.gather [hbm4b:s5+s3], $0x80, v3, vm0, $0xb8;
	[tilespmem:$0x10080] =	vst v63  }
0x5b: {  	s0 =	simm.s32 $0xD880  }
0x5c: {  	[tilespmem:s0], [sflag:$0x2] =	stream.indirect_vreg.gather [hbm4b:s6+s3], $0x80, v3, vm0, $0xb8;
	[tilespmem:$0x10080] =	vst v63  }
0x5d: {  	s0 =	simm.s32 $0xE080  }
0x5e: {  	[tilespmem:s0], [sflag:$0x2] =	stream.indirect_vreg.gather [hbm4b:s7+s3], $0x80, v3, vm0, $0xb8;
	[tilespmem:$0x10080] =	vst v63  }
0x5f: {  	s0 =	simm.s32 $0xE880  }
0x60: {  	[tilespmem:s0], [sflag:$0x2] =	stream.indirect_vreg.gather [hbm4b:s8+s3], $0x80, v3, vm0, $0xb8;
	[tilespmem:$0x10080] =	vst v63  }
0x61: {  	s0 =	simm.s32 $0xF080  }
0x62: {  	[tilespmem:s0], [sflag:$0x2] =	stream.indirect_vreg.gather [hbm4b:s9+s3], $0x80, v3, vm0, $0xb8;
	[tilespmem:$0x10080] =	vst v63  }
0x63: {  	s0 =	simm.s32 $0xF880  }
0x64: {  	[tilespmem:s0], [sflag:$0x2] =	stream.indirect_vreg.gather [hbm4b:s10+s3], $0x80, v3, vm0, $0xb8;
	[tilespmem:$0x10080] =	vst v63  }
0x65: {  	_ =	swait.ge [sflag:s26], $0x8000  }
0x66: {  	[sflag:s26] =	ssyncset.done $0x0  }
0x67: {  	s0 =	rddreg [dreg:$0x4];
	[sflag:s26] =	ssyncadd.s32 $0xFFFF8000  }
0x68: {  	[hbm4b:s0+s3] =	stream.linear.scatter [tilespmem:s30], [sflag:$0x3], $0x8000, $0x38;
	[tilespmem:$0x10080] =	vst v63  }
0x69: {  	_ =	swait.ge [sflag:s28], $0x8000  }
0x6a: {  	[sflag:s28] =	ssyncset.done $0x0  }
0x6b: {  	s0 =	rddreg [dreg:$0x5];
	[sflag:s28] =	ssyncadd.s32 $0xFFFF8000  }
0x6c: {  	[hbm4b:s0+s3] =	stream.linear.scatter [tilespmem:s2], [sflag:$0x4], $0x8000, $0x38;
	[tilespmem:$0x10080] =	vst v63  }
0x6d: {  	_ =	swait.ge [sflag:s29], $0x8000  }
0x6e: {  	[sflag:s29] =	ssyncset.done $0x0  }
0x6f: {  	[sflag:s29] =	ssyncadd.s32 $0xFFFF8000  }
0x70: {  	v3 =	vld [tilespmem:$0x20];
	_ =	sdelay $0x4  }
0x71: {  	v62 =	vshll.u32 v3, $0x4  }
0x72: {  	v3 =	vand.u32 $0x7, v3;
	v4 =	vand.u32 $0xFFFFFF80, v62  }
0x73: {  	v3 =	vor.u32 v3, v4  }
0x74: {  	v4 =	vperm.xlane v3, v0;
	_ =	sdelay $0x1  }
0x75: {  	v4 =	vadd.s32 v1, v4;
	_ =	sdelay $0x4  }
0x76: {  	[tilespmem:s30], [sflag:$0x1] =	stream.indirect_vreg.gather [hbm4b:s1+s3], $0x80, v4, vm0, $0xb8;
	[tilespmem:$0x10080] =	vst v63  }
0x77: {  	s0 =	simm.s32 $0x880  }
0x78: {  	[tilespmem:s0], [sflag:$0x1] =	stream.indirect_vreg.gather [hbm4b:s4+s3], $0x80, v4, vm0, $0xb8;
	[tilespmem:$0x10080] =	vst v63  }
0x79: {  	_ = 	snop  }
0x7a: {  	[tilespmem:s14], [sflag:$0x1] =	stream.indirect_vreg.gather [hbm4b:s5+s3], $0x80, v4, vm0, $0xb8;
	[tilespmem:$0x10080] =	vst v63  }
0x7b: {  	_ = 	snop  }
0x7c: {  	[tilespmem:s15], [sflag:$0x1] =	stream.indirect_vreg.gather [hbm4b:s6+s3], $0x80, v4, vm0, $0xb8;
	[tilespmem:$0x10080] =	vst v63  }
0x7d: {  	_ = 	snop  }
0x7e: {  	[tilespmem:s16], [sflag:$0x1] =	stream.indirect_vreg.gather [hbm4b:s7+s3], $0x80, v4, vm0, $0xb8;
	[tilespmem:$0x10080] =	vst v63  }
0x7f: {  	v3 =	vperm.xlane v3, v2  }
0x80: {  	[tilespmem:s17], [sflag:$0x1] =	stream.indirect_vreg.gather [hbm4b:s8+s3], $0x80, v4, vm0, $0xb8;
	[tilespmem:$0x10080] =	vst v63  }
0x81: {  	v3 =	vadd.s32 v1, v3  }
0x82: {  	[tilespmem:s18], [sflag:$0x1] =	stream.indirect_vreg.gather [hbm4b:s9+s3], $0x80, v4, vm0, $0xb8;
	[tilespmem:$0x10080] =	vst v63  }
0x83: {  	_ = 	snop  }
0x84: {  	[tilespmem:s19], [sflag:$0x1] =	stream.indirect_vreg.gather [hbm4b:s10+s3], $0x80, v4, vm0, $0xb8;
	[tilespmem:$0x10080] =	vst v63  }
0x85: {  	_ = 	snop  }
0x86: {  	[tilespmem:s20], [sflag:$0x1] =	stream.indirect_vreg.gather [hbm4b:s1+s3], $0x80, v3, vm0, $0xb8;
	[tilespmem:$0x10080] =	vst v63  }
0x87: {  	_ = 	snop  }
0x88: {  	[tilespmem:s21], [sflag:$0x1] =	stream.indirect_vreg.gather [hbm4b:s4+s3], $0x80, v3, vm0, $0xb8;
	[tilespmem:$0x10080] =	vst v63  }
0x89: {  	_ = 	snop  }
0x8a: {  	[tilespmem:s22], [sflag:$0x1] =	stream.indirect_vreg.gather [hbm4b:s5+s3], $0x80, v3, vm0, $0xb8;
	[tilespmem:$0x10080] =	vst v63  }
0x8b: {  	_ = 	snop  }
0x8c: {  	[tilespmem:s23], [sflag:$0x1] =	stream.indirect_vreg.gather [hbm4b:s6+s3], $0x80, v3, vm0, $0xb8;
	[tilespmem:$0x10080] =	vst v63  }
0x8d: {  	_ = 	snop  }
0x8e: {  	[tilespmem:s24], [sflag:$0x1] =	stream.indirect_vreg.gather [hbm4b:s7+s3], $0x80, v3, vm0, $0xb8;
	[tilespmem:$0x10080] =	vst v63  }
0x8f: {  	_ = 	snop  }
0x90: {  	[tilespmem:s25], [sflag:$0x1] =	stream.indirect_vreg.gather [hbm4b:s8+s3], $0x80, v3, vm0, $0xb8;
	[tilespmem:$0x10080] =	vst v63  }
0x91: {  	_ = 	snop  }
0x92: {  	[tilespmem:s12], [sflag:$0x1] =	stream.indirect_vreg.gather [hbm4b:s9+s3], $0x80, v3, vm0, $0xb8;
	[tilespmem:$0x10080] =	vst v63  }
0x93: {  	_ = 	snop  }
0x94: {  	[tilespmem:s13], [sflag:$0x1] =	stream.indirect_vreg.gather [hbm4b:s10+s3], $0x80, v3, vm0, $0xb8;
	[tilespmem:$0x10080] =	vst v63  }
0x95: {  	_ =	swait.ge [sflag:s26], $0x8000  }
0x96: {  	[sflag:s26] =	ssyncset.done $0x0  }
0x97: {  	s0 =	rddreg [dreg:$0x6];
	[sflag:s26] =	ssyncadd.s32 $0xFFFF8000  }
0x98: {  	[hbm4b:s0+s3] =	stream.linear.scatter [tilespmem:s30], [sflag:$0x3], $0x8000, $0x38;
	[tilespmem:$0x10080] =	vst v63  }
0x99: {  	_ =	swait.ge [sflag:s31], $0x8000  }
0x9a: {  	[sflag:s31] =	ssyncset.done $0x0  }
0x9b: {  	[sflag:s31] =	ssyncadd.s32 $0xFFFF8000  }
0x9c: {  	v3 =	vld [tilespmem:$0x30];
	_ =	sdelay $0x4  }
0x9d: {  	v63 =	vshll.u32 v3, $0x4  }
0x9e: {  	v3 =	vand.u32 $0x7, v3;
	v4 =	vand.u32 $0xFFFFFF80, v63  }
0x9f: {  	v3 =	vor.u32 v3, v4  }
0xa0: {  	v4 =	vperm.xlane v3, v0;
	_ =	sdelay $0x1  }
0xa1: {  	v4 =	vadd.s32 v1, v4;
	_ =	sdelay $0x4  }
0xa2: {  	[tilespmem:s2], [sflag:$0x2] =	stream.indirect_vreg.gather [hbm4b:s1+s3], $0x80, v4, vm0, $0xb8;
	[tilespmem:$0x10080] =	vst v63  }
0xa3: {  	s0 =	simm.s32 $0x8880  }
0xa4: {  	[tilespmem:s0], [sflag:$0x2] =	stream.indirect_vreg.gather [hbm4b:s4+s3], $0x80, v4, vm0, $0xb8;
	[tilespmem:$0x10080] =	vst v63  }
0xa5: {  	s0 =	simm.s32 $0x9080  }
0xa6: {  	[tilespmem:s0], [sflag:$0x2] =	stream.indirect_vreg.gather [hbm4b:s5+s3], $0x80, v4, vm0, $0xb8;
	[tilespmem:$0x10080] =	vst v63  }
0xa7: {  	s0 =	simm.s32 $0x9880  }
0xa8: {  	[tilespmem:s0], [sflag:$0x2] =	stream.indirect_vreg.gather [hbm4b:s6+s3], $0x80, v4, vm0, $0xb8;
	[tilespmem:$0x10080] =	vst v63  }
0xa9: {  	s0 =	simm.s32 $0xA080  }
0xaa: {  	[tilespmem:s0], [sflag:$0x2] =	stream.indirect_vreg.gather [hbm4b:s7+s3], $0x80, v4, vm0, $0xb8;
	[tilespmem:$0x10080] =	vst v63  }
0xab: {  	v3 =	vperm.xlane v3, v2;
	s0 =	simm.s32 $0xA880  }
0xac: {  	[tilespmem:s0], [sflag:$0x2] =	stream.indirect_vreg.gather [hbm4b:s8+s3], $0x80, v4, vm0, $0xb8;
	[tilespmem:$0x10080] =	vst v63  }
0xad: {  	v3 =	vadd.s32 v1, v3;
	s0 =	simm.s32 $0xB080  }
0xae: {  	[tilespmem:s0], [sflag:$0x2] =	stream.indirect_vreg.gather [hbm4b:s9+s3], $0x80, v4, vm0, $0xb8;
	[tilespmem:$0x10080] =	vst v63  }
0xaf: {  	s0 =	simm.s32 $0xB880  }
0xb0: {  	[tilespmem:s0], [sflag:$0x2] =	stream.indirect_vreg.gather [hbm4b:s10+s3], $0x80, v4, vm0, $0xb8;
	[tilespmem:$0x10080] =	vst v63  }
0xb1: {  	s0 =	simm.s32 $0xC080  }
0xb2: {  	[tilespmem:s0], [sflag:$0x2] =	stream.indirect_vreg.gather [hbm4b:s1+s3], $0x80, v3, vm0, $0xb8;
	[tilespmem:$0x10080] =	vst v63  }
0xb3: {  	s1 =	simm.s32 $0xC880  }
0xb4: {  	[tilespmem:s1], [sflag:$0x2] =	stream.indirect_vreg.gather [hbm4b:s4+s3], $0x80, v3, vm0, $0xb8;
	[tilespmem:$0x10080] =	vst v63  }
0xb5: {  	s1 =	simm.s32 $0xD080  }
0xb6: {  	[tilespmem:s1], [sflag:$0x2] =	stream.indirect_vreg.gather [hbm4b:s5+s3], $0x80, v3, vm0, $0xb8;
	[tilespmem:$0x10080] =	vst v63  }
0xb7: {  	s1 =	simm.s32 $0xD880  }
0xb8: {  	[tilespmem:s1], [sflag:$0x2] =	stream.indirect_vreg.gather [hbm4b:s6+s3], $0x80, v3, vm0, $0xb8;
	[tilespmem:$0x10080] =	vst v63  }
0xb9: {  	s1 =	simm.s32 $0xE080  }
0xba: {  	[tilespmem:s1], [sflag:$0x2] =	stream.indirect_vreg.gather [hbm4b:s7+s3], $0x80, v3, vm0, $0xb8;
	[tilespmem:$0x10080] =	vst v63  }
0xbb: {  	s1 =	simm.s32 $0xE880  }
0xbc: {  	[tilespmem:s1], [sflag:$0x2] =	stream.indirect_vreg.gather [hbm4b:s8+s3], $0x80, v3, vm0, $0xb8;
	[tilespmem:$0x10080] =	vst v63  }
0xbd: {  	s1 =	simm.s32 $0xF080  }
0xbe: {  	[tilespmem:s1], [sflag:$0x2] =	stream.indirect_vreg.gather [hbm4b:s9+s3], $0x80, v3, vm0, $0xb8;
	[tilespmem:$0x10080] =	vst v63  }
0xbf: {  	s1 =	simm.s32 $0xF880  }
0xc0: {  	[tilespmem:s1], [sflag:$0x2] =	stream.indirect_vreg.gather [hbm4b:s10+s3], $0x80, v3, vm0, $0xb8;
	[tilespmem:$0x10080] =	vst v63  }
0xc1: {  	_ =	swait.ge [sflag:s28], $0x8000  }
0xc2: {  	[sflag:s28] =	ssyncset.done $0x0  }
0xc3: {  	s1 =	rddreg [dreg:$0x7];
	[sflag:s28] =	ssyncadd.s32 $0xFFFF8000  }
0xc4: {  	[hbm4b:s1+s3] =	stream.linear.scatter [tilespmem:s2], [sflag:$0x4], $0x8000, $0x38;
	[tilespmem:$0x10080] =	vst v63  }
0xc5: {  	p0 =	sne.s32 s11, $0x1;
	_ =	swait.ge [sflag:s29], $0x8000  }
.Ltmp0:
0xc6: {  	[sflag:s29] =	ssyncset.done $0x0;
	(pc) =	sbr.rel @p0 .LBB2_1-.Ltmp0, $4  }
0xc7: {  	[sflag:s29] =	ssyncadd.s32 $0xFFFF8000  }
0xc8: {  	_ =	swait.ge [sflag:s31], $0x8000  }
0xc9: {  	[sflag:s31] =	ssyncset.done $0x0  }
0xca: {  	s11 =	sadd.s32 $0xFFFFFFFF, s11;
	[sflag:s31] =	ssyncadd.s32 $0xFFFF8000  }
0xcb: {  	_ =	sfence.sel $0x180000  }
0xcc: {  	[bflag:$0x0] =	sbarrier.arrive $0xFFFF  }
0xcd: {  	_ =	strace $0x9000004A  }
0xce: {  	s0 =	stileid.u32;
	[bflag:$0x2] =	sbarrier.arrive $0xFFFF  }
0xcf: {  	p0 =	sne.s32 s0, $0x0;
	s0 =	rddreg [dreg:$0x2]  }
0xd0: {  	s0 =	sadd.s32 @!p0 $0x100000, s0  }
0xd1: {  	[sflag:s0] =	ssyncadd.tile.s32 @!p0 $0x1;
	_ =	shalt  }
.Lfunc_end2:
_tile_overlayer_lowered:
.L_overlay_start_2:
0xd2: {  	(tag) =	ssettag $0x2  }
0xd3: {  	s0 =	rddreg [dreg:$0x0];
	s2 =	stileid.u32  }
0xd4: {  	s1 =	rddreg [dreg:$0x1];
	p0 =	sne.s32 s2, $0x0  }
0xd5: {  	s3 =	rddreg [dreg:$0x2];
	[bflag:$0x3] =	sbarrier.arrive $0xFFFF;
	s2 =	simm.s32 @!p0 $0x1C05  }
0xd6: {  	[timem:s3], [sflag:s2] =	dma.local @!p0 [hbm:s0], s1  }
0xd7: {  	s0 =	simm.s32 @!p0 $0x5  }
0xd8: {  	_ =	swait.ge @!p0 [sflag:s0], s1  }
0xd9: {  	s1 =	ssub.s32 @!p0 $0x0, s1;
	[sflag:s0] =	ssyncset.done @!p0 $0x0  }
0xda: {  	[sflag:s0] =	ssyncadd.s32 @!p0 s1  }
0xdb: {  	[bflag:$0x3] =	sbarrier.arrive $0xFFFF  }
0xdc: {  	_ =	shalt  }

// kernel: kernel.16.cloned.1.call-start
scs
__scs_entry_jumppad:
0x0: {  	(pc) =	sbr.rel $0x88, $3  }
0x1: {  	(tag) =	ssettag $0x0;
	lr =	simm.s32 $0x1  }
0x2: {  	[smem:$0x3F9A] =	sst lr;
	_ =	strace $0xD0000000  }
0x3: {  	_ = 	snop  }
0x4: {  	_ = 	snop  }
0x5: {  	_ = 	snop  }
0x6: {  	_ = 	snop  }
0x7: {  	_ = 	snop  }
__scs_overlays_trampoline_lowered:
0x8: {  	[smem:$0x3FA9] =	sst s0  }
0x9: {  	[smem:$0x3FAA] =	sst s1  }
0xa: {  	[smem:$0x3FAB] =	sst s2  }
0xb: {  	[smem:$0x3FAC] =	sst s3  }
0xc: {  	[smem:$0x3FAD] =	sst s4  }
0xd: {  	[smem:$0x3FAE] =	sst s5  }
0xe: {  	[smem:$0x3FAF] =	sst s6  }
0xf: {  	[smem:$0x3FB0] =	sst s7  }
0x10: {  	[smem:$0x3FB1] =	sst s8  }
0x11: {  	[smem:$0x3FB2] =	sst s9;
	s0 =	simm.s32 @!p0 $0x0  }
0x12: {  	s1 =	sld [smem:$0x3F98];
	s0 =	simm.s32 @p0 $0x1  }
0x13: {  	[smem:$0x3FB3] =	sst s0;
	s0 =	simm.s32 @!p1 $0x0  }
0x14: {  	s2 =	sld [smem:$0x3F97];
	s0 =	simm.s32 @p1 $0x1  }
0x15: {  	[smem:$0x3FB4] =	sst s0;
	s0 =	simm.s32 @!p2 $0x0  }
0x16: {  	s3 =	sld [smem:$0x3FDB];
	s0 =	simm.s32 @p2 $0x1  }
0x17: {  	s4 =	simm.s32 $0x1BF5;
	[smem:$0x3FB6] =	sst s0  }
0x18: {  	s0 =	sld [smem:$0x3F99];
	_ =	swait.ge [sflag:s4], $0x0  }
0x19: {  	s7 =	sld [smem:$0x3F9A]  }
0x1a: {  	s8 =	sadd.s32 $0xFFFFE003, lr  }
0x1b: {  	s9 =	sadd.s32 $0xFFFFFEF7, lr;
	s5 =	simm.s32 $0xFFFFFFFF;
	p2 =	slt.u32 s8, $0xFFFFF086  }
0x1c: {  	p1 =	slt.u32 s9, $0xF7A;
	s5 =	simm.s32 @!p2 $0x0  }
0x1d: {  	s5 =	simm.s32 @p1 $0x1;
	p0 =	seq.s32 s7, s2  }
0x1e: {  	s7 =	smul.u32 @!p0 $0xF7A, s2;
	p2 =	seq.s32 @!p0 s5, $0x0  }
0x1f: {  	s9 =	smul.u32 $0xF7A, s1;
	s8 =	simm.s32 @!p0 $0x1BF5;
	p2 =	por !p2, p0  }
0x20: {  	[sflag:s8] =	ssyncset.s32 @!p0 $0xFFFFF086;
	s6 =	sadd.s32 @!p0 s3, s7;
	s7 =	simm.s32 @!p0 $0x108  }
0x21: {  	s3 =	sadd.s32 s3, s9;
	s6 =	sadd.s32 @!p0 $0x88, s6;
	s7 =	simm.s32 @p2 $0x1082  }
0x22: {  	[simem:s7], [sflag:s8] =	dma.local @!p0 [hbm:s6], $0xF7A  }
0x23: {  	s9 =	sor.u32 $0xD0000000, s2;
	s6 =	simm.s32 $0x108;
	_ =	swait.ge @!p0 [sflag:s8], $0x0  }
0x24: {  	s3 =	sadd.s32 $0x88, s3;
	s6 =	simm.s32 @!p1 $0x1082;
	[sflag:s4] =	ssyncset.s32 $0xFFFFF086  }
0x25: {  	[simem:s6], [sflag:s4] =	dma.local [hbm:s3], $0xF7A  }
0x26: {  	[smem:$0x3F9A] =	sst s1;
	(tag) =	ssettag s2;
	_ =	strace s9  }
0x27: {  	s1 =	sld [smem:$0x3FAA]  }
0x28: {  	s2 =	sld [smem:$0x3FAB]  }
0x29: {  	s4 =	sld [smem:$0x3FAD]  }
0x2a: {  	p0 =	seq.s32 s5, $0x0;
	s5 =	sld [smem:$0x3FAE]  }
0x2b: {  	s6 =	sld [smem:$0x3FAF]  }
0x2c: {  	s7 =	sld [smem:$0x3FB0]  }
0x2d: {  	s3 =	simm.s32 $0x108;
	s8 =	sld [smem:$0x3FB1]  }
0x2e: {  	s3 =	simm.s32 @!p0 $0x1082;
	s9 =	sld [smem:$0x3FB2]  }
0x2f: {  	lr =	sadd.s32 s0, s3;
	s0 =	sld [smem:$0x3FA9]  }
0x30: {  	s3 =	sld [smem:$0x3FAC]  }
0x31: {  	[smem:$0x3FB5] =	sst s10  }
0x32: {  	s10 =	sld [smem:$0x3FB3];
	_ =	sdelay $0x3  }
0x33: {  	p0 =	seq.s32 s10, $0x1;
	s10 =	sld [smem:$0x3FB5];
	_ =	sdelay $0x3  }
0x34: {  	[smem:$0x3FB5] =	sst s10  }
0x35: {  	s10 =	sld [smem:$0x3FB4];
	_ =	sdelay $0x3  }
0x36: {  	p1 =	seq.s32 s10, $0x1;
	s10 =	sld [smem:$0x3FB5];
	_ =	sdelay $0x3  }
0x37: {  	[smem:$0x3FB5] =	sst s10  }
0x38: {  	s10 =	sld [smem:$0x3FB6]  }
0x39: {  	_ = 	snop;
	(pc) =	sbr.ind lr, $3  }
0x3a: {  	_ = 	snop  }
0x3b: {  	_ = 	snop  }
0x3c: {  	p2 =	seq.s32 s10, $0x1;
	s10 =	sld [smem:$0x3FB5]  }
0x3d: {  	_ =	shalt  }
0x3e: {  	_ =	shalt  }
0x3f: {  	_ =	shalt  }
0x40: {  	_ =	shalt  }
0x41: {  	_ =	shalt  }
0x42: {  	_ =	shalt  }
0x43: {  	_ =	shalt  }
0x44: {  	_ =	shalt  }
0x45: {  	_ =	shalt  }
0x46: {  	_ =	shalt  }
0x47: {  	_ =	shalt  }
0x48: {  	_ =	shalt  }
0x49: {  	_ =	shalt  }
0x4a: {  	_ =	shalt  }
0x4b: {  	_ =	shalt  }
0x4c: {  	_ =	shalt  }
0x4d: {  	_ =	shalt  }
0x4e: {  	_ =	shalt  }
0x4f: {  	_ =	shalt  }
0x50: {  	_ =	shalt  }
0x51: {  	_ =	shalt  }
0x52: {  	_ =	shalt  }
0x53: {  	_ =	shalt  }
0x54: {  	_ =	shalt  }
0x55: {  	_ =	shalt  }
0x56: {  	_ =	shalt  }
0x57: {  	_ =	shalt  }
0x58: {  	_ =	shalt  }
0x59: {  	_ =	shalt  }
0x5a: {  	_ =	shalt  }
0x5b: {  	_ =	shalt  }
0x5c: {  	_ =	shalt  }
0x5d: {  	_ =	shalt  }
0x5e: {  	_ =	shalt  }
0x5f: {  	_ =	shalt  }
0x60: {  	_ =	shalt  }
0x61: {  	_ =	shalt  }
0x62: {  	_ =	shalt  }
0x63: {  	_ =	shalt  }
0x64: {  	_ =	shalt  }
0x65: {  	_ =	shalt  }
0x66: {  	_ =	shalt  }
0x67: {  	_ =	shalt  }
0x68: {  	_ =	shalt  }
0x69: {  	_ =	shalt  }
0x6a: {  	_ =	shalt  }
0x6b: {  	_ =	shalt  }
0x6c: {  	_ =	shalt  }
0x6d: {  	_ =	shalt  }
0x6e: {  	_ =	shalt  }
0x6f: {  	_ =	shalt  }
0x70: {  	_ =	shalt  }
0x71: {  	_ =	shalt  }
0x72: {  	_ =	shalt  }
0x73: {  	_ =	shalt  }
0x74: {  	_ =	shalt  }
0x75: {  	_ =	shalt  }
0x76: {  	_ =	shalt  }
0x77: {  	_ =	shalt  }
0x78: {  	_ =	shalt  }
0x79: {  	_ =	shalt  }
0x7a: {  	_ =	shalt  }
0x7b: {  	_ =	shalt  }
0x7c: {  	_ =	shalt  }
0x7d: {  	_ =	shalt  }
0x7e: {  	_ =	shalt  }
0x7f: {  	_ =	shalt  }
0x80: {  	_ =	shalt  }
0x81: {  	_ =	shalt  }
0x82: {  	_ =	shalt  }
0x83: {  	_ =	shalt  }
0x84: {  	_ =	shalt  }
0x85: {  	_ =	shalt  }
0x86: {  	_ =	shalt  }
0x87: {  	_ =	shalt  }
.Lfunc_end0:
.L_simem_size_0:
called_computation.2_lowered:
.L_overlay_start_0:
0x88: {  	s2 =	sld [smem:$0x3FD9]  }
0x89: {  	s3 =	sld [smem:$0x3FFE];
	_ =	sdelay $0x1  }
0x8a: {  	s1 =	srdreg.scid  }
0x8b: {  	s0 =	sand.u32 $0x1, s1  }
0x8c: {  	s17 =	sshll.u32 s0, $0xA;
	s2 =	sadd.s32 s3, s2  }
0x8d: {  	s2 =	sadd.s32 s2, s17  }
0x8e: {  	[smem:$0x3FC1] =	sst s2  }
0x8f: {  	_ = 	snop  }
0x90: {  	s18 =	sld [smem:$0x3FC7];
	(tm) =	ssettm $0x1  }
0x91: {  	s19 =	sld [smem:$0x3FFB];
	_ =	sdelay $0x3  }
0x92: {  	_ =	strace s19  }
0x93: {  	s2 =	sld [smem:$0x3FFC];
	_ =	sdelay $0x3  }
0x94: {  	_ =	strace s2  }
0x95: {  	s2 =	sld [smem:$0x3FFD];
	_ =	sdelay $0x3  }
0x96: {  	_ =	strace s2  }
0x97: {  	_ =	strace $0x8FFFFFFF  }
0x98: {  	s20 =	sld [smem:$0x3FDB];
	_ =	sdelay $0x1  }
0x99: {  	s4 =	simm.s32 $_scs_section_size  }
0x9a: {  	s5 =	simm.s32 $_size__tile_overlayer_lowered;
	s6 =	simm.s32 $_tile_overlayer_lowered  }
0x9b: {  	s7 =	simm.s32 $0x1BFF;
	s21 =	sshll.u32 s6, $0x1;
	s4 =	sadd.s32 s4, s20  }
0x9c: {  	s22 =	simm.s32 $0x0;
	s5 =	sshll.u32 s5, $0x1;
	s6 =	sadd.s32 s21, s4  }
0x9d: {  	[timem:s22], [sflag:s7] =	dma.local [hbm:s6], s5  }
0x9e: {  	_ =	swait.ge [sflag:s7], s5  }
0x9f: {  	s5 =	ssub.s32 $0x0, s5;
	[sflag:s7] =	ssyncset.done $0x0  }
0xa0: {  	[sflag:s7] =	ssyncadd.s32 s5;
	_ =	sdelay $0x1  }
0xa1: {  	s23 =	simm.s32 $0x1B8B  }
0xa2: {  	_ =	swait.ge [sflag:s23], $0x1  }
0xa3: {  	[sflag:s23] =	ssyncset.done $0x0  }
0xa4: {  	[sflag:s23] =	ssyncadd.s32 $0xFFFFFFFF  }
0xa5: {  	s5 =	sld [smem:$0x0]  }
0xa6: {  	s6 =	sand.u32 $0xFFFFFFFE, s1  }
0xa7: {  	p0 =	sne.s32 s1, s6  }
0xa8: {  	s6 =	sshll.u32 @p0 s6, $0xE  }
0xa9: {  	s6 =	sadd.s32 @p0 $0x11B8D, s6;
	s7 =	sshll.u32 @p0 s5, $0x11  }
0xaa: {  	s6 =	sor.u32 @p0 s7, s6  }
0xab: {  	[sflag:s6] =	ssyncadd.remote.s32 @p0 $0x1;
	_ =	sdelay $0x1  }
0xac: {  	s6 =	simm.s32 @p0 $0x1B8D  }
0xad: {  	_ =	swait.eq @p0 [sflag:s6], $0x1  }
0xae: {  	[sflag:s6] =	ssyncadd.s32 @p0 $0xFFFFFFFF  }
0xaf: {  	s7 =	sshll.u32 @!p0 s1, $0xE  }
0xb0: {  	s7 =	sor.u32 @!p0 $0x4000, s7;
	s6 =	simm.s32 @!p0 $0x1B8D  }
0xb1: {  	s5 =	sshll.u32 @!p0 s5, $0x11;
	s7 =	sadd.s32 @!p0 $0x11B8D, s7;
	_ =	swait.eq @!p0 [sflag:s6], $0x1  }
0xb2: {  	s5 =	sor.u32 @!p0 s5, s7;
	[sflag:s6] =	ssyncadd.s32 @!p0 $0xFFFFFFFF  }
0xb3: {  	s25 =	simm.s32 $0x1B8E;
	s24 =	sld [smem:$0x3FFE];
	[sflag:s5] =	ssyncadd.remote.s32 @!p0 $0x1  }
0xb4: {  	s26 =	simm.s32 $execute0_lowered;
	[smem:$0x3FD2] =	sst s25  }
0xb5: {  	s6 =	sshll.u32 s26, $0x1;
	_ =	strace $0x8000004C;
	[dreg:$0x1] =	wrdreg $0xFFFFFFFF  }
0xb6: {  	s28 =	simm.s32 $_size_execute0_lowered;
	s4 =	sadd.s32 s4, s6;
	[dreg:$0x0] =	wrdreg $0x0  }
0xb7: {  	s6 =	sshll.u32 s28, $0x1;
	[dreg:$0x2] =	wrdreg s4  }
0xb8: {  	[dreg:$0x3] =	wrdreg s6  }
0xb9: {  	[dreg:$0x4] =	wrdreg $0xC0  }
0xba: {  	_ =	task [dreg:s22], $0x5FFFF  }
0xbb: {  	[dreg:$0x1] =	wrdreg $0xFFFFFFFF  }
0xbc: {  	[dreg:$0x0] =	wrdreg $0x60  }
0xbd: {  	[dreg:$0x2] =	wrdreg s18  }
0xbe: {  	[dreg:$0x3] =	wrdreg s24  }
0xbf: {  	[dreg:$0x4] =	wrdreg $0xB  }
0xc0: {  	_ =	task.clear_ibuf [dreg:s22], $0x5FFFF;
	_ =	strace $0x9000004C  }
0xc1: {  	s29 =	simm.s32 $0xB;
	_ =	strace $0x8000004E  }
0xc2: {  	_ =	swait.ge [sflag:s29], $0x1  }
0xc3: {  	[sflag:s29] =	ssyncadd.s32 $0xFFFFFFFF  }
0xc4: {  	_ =	strace $0x9000004E  }
0xc5: {  	_ =	sfence  }
0xc6: {  	s30 =	sld [smem:$0x0];
	_ =	sdelay $0x2  }
0xc7: {  	s31 =	sshll.u32 s1, $0xD;
	s1 =	sshrl.u32 s1, $0x2  }
0xc8: {  	s4 =	sand.u32 $0x4000, s31;
	s1 =	sadd.s32 s1, s30  }
0xc9: {  	s0 =	sor.u32 s4, s0;
	s1 =	sshll.u32 s1, $0x11  }
0xca: {  	s0 =	sor.u32 s1, s0  }
0xcb: {  	s0 =	sadd.s32 $0x8F2B, s0  }
0xcc: {  	[sflag:s0] =	ssyncadd.remote.s32 $0x1  }
0xcd: {  	_ =	sfence.sel $0xFFFF  }
0xce: {  	[dreg:$0x0] =	wrdreg $0xFFFFFFFF;
	(pc) =	sbr.abs _section_cstart, $3  }
0xcf: {  	[dreg:$0x1] =	wrdreg $0xFFFFFFFF  }
0xd0: {  	_ =	task.clear_ibuf [dreg:s22], $0x2FFFF;
	_ =	strace $0x9FFFFFFF  }
0xd1: {  	(tm) =	ssettm $0x7FFFFFFF  }
tec
execute0_lowered:
.L_overlay_start_1:
0x0: {  	(tag) =	ssettag $0x1  }
0x1: {  	s2 =	rddreg [dreg:$0x0]  }
0x2: {  	s0 =	rddreg [dreg:$0x1]  }
0x3: {  	s1 =	srdreg.scid;
	s4 =	stileid.u32;
	s3 =	simm.s32 $0x0  }
0x4: {  	s28 =	simm.s32 $0x2;
	s29 =	simm.s32 $0x3;
	s31 =	simm.s32 $0x4  }
0x5: {  	s30 =	simm.s32 $0x80;
	s14 =	simm.s32 $0x1080;
	s15 =	simm.s32 $0x1880  }
0x6: {  	s16 =	simm.s32 $0x2080;
	s17 =	simm.s32 $0x2880;
	s18 =	simm.s32 $0x3080  }
0x7: {  	s19 =	simm.s32 $0x3880;
	s20 =	simm.s32 $0x4080;
	s21 =	simm.s32 $0x4880  }
0x8: {  	s22 =	simm.s32 $0x5080;
	s23 =	simm.s32 $0x5880;
	s24 =	simm.s32 $0x6080  }
0x9: {  	s25 =	simm.s32 $0x6880;
	s12 =	simm.s32 $0x7080;
	s1 =	sand.u32 $0x1, s1  }
0xa: {  	s13 =	simm.s32 $0x7880;
	s4 =	sshll.u32 s4, $0x7;
	s5 =	sshll.u32 s1, $0x6  }
0xb: {  	[smem:$0x7FF] =	sst s3;
	s7 =	sadd.s32 $0x400, s2;
	s4 =	sor.u32 s5, s4  }
0xc: {  	s8 =	sadd.s32 $0x500, s2;
	_ =	strace $0x8000004D;
	s5 =	sshrl.u32 s4, $0x3  }
0xd: {  	s1 =	ssub.s32 $0x2, s1;
	s4 =	sshll.u32 s4, $0x8;
	s5 =	sadd.s32 s5, s0  }
0xe: {  	s6 =	sshrl.u32 s1, $0x1;
	s0 =	sadd.s32 s4, s0;
	s26 =	sadd.s32 $0x2C00, s5  }
0xf: {  	s1 =	ssub.s32 s1, s6;
	s9 =	sadd.s32 $0x83200, s0;
	[dreg:$0x3] =	wrdreg s26  }
0x10: {  	s6 =	sadd.s32 $0x300, s2;
	s10 =	sadd.s32 $0x84200, s0;
	[dreg:$0x4] =	wrdreg s9  }
0x11: {  	s4 =	sadd.s32 $0x100, s2;
	s11 =	sadd.s32 $0x85200, s0;
	[dreg:$0x5] =	wrdreg s10  }
0x12: {  	v2 =	vlaneseq.u32;
	s5 =	sadd.s32 $0x200, s2;
	s0 =	sadd.s32 $0x86200, s0;
	[dreg:$0x6] =	wrdreg s11  }
0x13: {  	vm0 =	vmmov $0xffff;
	v1 =	vshrl.u32 v2, $0x3;
	s9 =	sadd.s32 $0x600, s2;
	s10 =	sadd.s32 $0x700, s2;
	[dreg:$0x7] =	wrdreg s0  }
0x14: {  	v0 =	vand.u32 $0x7, v2;
	v2 =	vor.u32 $0x8, v2;
	v1 =	vmul.u32 $0x8, v1;
	s11 =	smax.u32 s1, $0x1;
	s26 =	simm.s32 $0x1;
	s2 =	simm.s32 $0x8080  }
.LBB2_1:
0x15: {  	s0 =	rddreg [dreg:$0x3];
	s1 =	simm.s32 $0x5  }
0x16: {  	[tilespmem:s3], [sflag:$0x5] =	stream.linear.gather [hbm4b:s0+s3], $0x40, $0x38;
	[tilespmem:$0x10080] =	vst v63  }
0x17: {  	_ =	swait.ge [sflag:s1], $0x40  }
0x18: {  	[sflag:s1] =	ssyncset.done $0x0  }
0x19: {  	[sflag:s1] =	ssyncadd.s32 $0xFFFFFFC0  }
0x1a: {  	v3 =	vld [tilespmem:$0x0];
	_ =	sdelay $0x4  }
0x1b: {  	v4 =	vshll.u32 v3, $0x4  }
0x1c: {  	v3 =	vand.u32 $0x7, v3;
	v4 =	vand.u32 $0xFFFFFF80, v4  }
0x1d: {  	v3 =	vor.u32 v3, v4  }
0x1e: {  	v4 =	vperm.xlane v3, v0;
	_ =	sdelay $0x1  }
0x1f: {  	v4 =	vadd.s32 v1, v4;
	_ =	sdelay $0x3  }
0x20: {  	s1 =	rddreg [dreg:$0x0]  }
0x21: {  	[tilespmem:s30], [sflag:$0x1] =	stream.indirect_vreg.gather [hbm4b:s1+s3], $0x80, v4, vm0, $0xb8;
	[tilespmem:$0x10080] =	vst v63  }
0x22: {  	s0 =	simm.s32 $0x880  }
0x23: {  	[tilespmem:s0], [sflag:$0x1] =	stream.indirect_vreg.gather [hbm4b:s4+s3], $0x80, v4, vm0, $0xb8;
	[tilespmem:$0x10080] =	vst v63  }
0x24: {  	_ = 	snop  }
0x25: {  	[tilespmem:s14], [sflag:$0x1] =	stream.indirect_vreg.gather [hbm4b:s5+s3], $0x80, v4, vm0, $0xb8;
	[tilespmem:$0x10080] =	vst v63  }
0x26: {  	_ = 	snop  }
0x27: {  	[tilespmem:s15], [sflag:$0x1] =	stream.indirect_vreg.gather [hbm4b:s6+s3], $0x80, v4, vm0, $0xb8;
	[tilespmem:$0x10080] =	vst v63  }
0x28: {  	_ = 	snop  }
0x29: {  	[tilespmem:s16], [sflag:$0x1] =	stream.indirect_vreg.gather [hbm4b:s7+s3], $0x80, v4, vm0, $0xb8;
	[tilespmem:$0x10080] =	vst v63  }
0x2a: {  	v3 =	vperm.xlane v3, v2  }
0x2b: {  	[tilespmem:s17], [sflag:$0x1] =	stream.indirect_vreg.gather [hbm4b:s8+s3], $0x80, v4, vm0, $0xb8;
	[tilespmem:$0x10080] =	vst v63  }
0x2c: {  	v3 =	vadd.s32 v1, v3  }
0x2d: {  	[tilespmem:s18], [sflag:$0x1] =	stream.indirect_vreg.gather [hbm4b:s9+s3], $0x80, v4, vm0, $0xb8;
	[tilespmem:$0x10080] =	vst v63  }
0x2e: {  	_ = 	snop  }
0x2f: {  	[tilespmem:s19], [sflag:$0x1] =	stream.indirect_vreg.gather [hbm4b:s10+s3], $0x80, v4, vm0, $0xb8;
	[tilespmem:$0x10080] =	vst v63  }
0x30: {  	_ = 	snop  }
0x31: {  	[tilespmem:s20], [sflag:$0x1] =	stream.indirect_vreg.gather [hbm4b:s1+s3], $0x80, v3, vm0, $0xb8;
	[tilespmem:$0x10080] =	vst v63  }
0x32: {  	_ = 	snop  }
0x33: {  	[tilespmem:s21], [sflag:$0x1] =	stream.indirect_vreg.gather [hbm4b:s4+s3], $0x80, v3, vm0, $0xb8;
	[tilespmem:$0x10080] =	vst v63  }
0x34: {  	_ = 	snop  }
0x35: {  	[tilespmem:s22], [sflag:$0x1] =	stream.indirect_vreg.gather [hbm4b:s5+s3], $0x80, v3, vm0, $0xb8;
	[tilespmem:$0x10080] =	vst v63  }
0x36: {  	_ = 	snop  }
0x37: {  	[tilespmem:s23], [sflag:$0x1] =	stream.indirect_vreg.gather [hbm4b:s6+s3], $0x80, v3, vm0, $0xb8;
	[tilespmem:$0x10080] =	vst v63  }
0x38: {  	_ = 	snop  }
0x39: {  	[tilespmem:s24], [sflag:$0x1] =	stream.indirect_vreg.gather [hbm4b:s7+s3], $0x80, v3, vm0, $0xb8;
	[tilespmem:$0x10080] =	vst v63  }
0x3a: {  	_ = 	snop  }
0x3b: {  	[tilespmem:s25], [sflag:$0x1] =	stream.indirect_vreg.gather [hbm4b:s8+s3], $0x80, v3, vm0, $0xb8;
	[tilespmem:$0x10080] =	vst v63  }
0x3c: {  	_ = 	snop  }
0x3d: {  	[tilespmem:s12], [sflag:$0x1] =	stream.indirect_vreg.gather [hbm4b:s9+s3], $0x80, v3, vm0, $0xb8;
	[tilespmem:$0x10080] =	vst v63  }
0x3e: {  	_ = 	snop  }
0x3f: {  	[tilespmem:s13], [sflag:$0x1] =	stream.indirect_vreg.gather [hbm4b:s10+s3], $0x80, v3, vm0, $0xb8;
	[tilespmem:$0x10080] =	vst v63  }
0x40: {  	v3 =	vld [tilespmem:$0x10];
	_ =	sdelay $0x4  }
0x41: {  	v61 =	vshll.u32 v3, $0x4  }
0x42: {  	v3 =	vand.u32 $0x7, v3;
	v4 =	vand.u32 $0xFFFFFF80, v61  }
0x43: {  	v3 =	vor.u32 v3, v4  }
0x44: {  	v4 =	vperm.xlane v3, v0;
	_ =	sdelay $0x1  }
0x45: {  	v4 =	vadd.s32 v1, v4;
	_ =	sdelay $0x4  }
0x46: {  	[tilespmem:s2], [sflag:$0x2] =	stream.indirect_vreg.gather [hbm4b:s1+s3], $0x80, v4, vm0, $0xb8;
	[tilespmem:$0x10080] =	vst v63  }
0x47: {  	s0 =	simm.s32 $0x8880  }
0x48: {  	[tilespmem:s0], [sflag:$0x2] =	stream.indirect_vreg.gather [hbm4b:s4+s3], $0x80, v4, vm0, $0xb8;
	[tilespmem:$0x10080] =	vst v63  }
0x49: {  	s0 =	simm.s32 $0x9080  }
0x4a: {  	[tilespmem:s0], [sflag:$0x2] =	stream.indirect_vreg.gather [hbm4b:s5+s3], $0x80, v4, vm0, $0xb8;
	[tilespmem:$0x10080] =	vst v63  }
0x4b: {  	s0 =	simm.s32 $0x9880  }
0x4c: {  	[tilespmem:s0], [sflag:$0x2] =	stream.indirect_vreg.gather [hbm4b:s6+s3], $0x80, v4, vm0, $0xb8;
	[tilespmem:$0x10080] =	vst v63  }
0x4d: {  	s0 =	simm.s32 $0xA080  }
0x4e: {  	[tilespmem:s0], [sflag:$0x2] =	stream.indirect_vreg.gather [hbm4b:s7+s3], $0x80, v4, vm0, $0xb8;
	[tilespmem:$0x10080] =	vst v63  }
0x4f: {  	v3 =	vperm.xlane v3, v2;
	s0 =	simm.s32 $0xA880  }
0x50: {  	[tilespmem:s0], [sflag:$0x2] =	stream.indirect_vreg.gather [hbm4b:s8+s3], $0x80, v4, vm0, $0xb8;
	[tilespmem:$0x10080] =	vst v63  }
0x51: {  	v3 =	vadd.s32 v1, v3;
	s0 =	simm.s32 $0xB080  }
0x52: {  	[tilespmem:s0], [sflag:$0x2] =	stream.indirect_vreg.gather [hbm4b:s9+s3], $0x80, v4, vm0, $0xb8;
	[tilespmem:$0x10080] =	vst v63  }
0x53: {  	s0 =	simm.s32 $0xB880  }
0x54: {  	[tilespmem:s0], [sflag:$0x2] =	stream.indirect_vreg.gather [hbm4b:s10+s3], $0x80, v4, vm0, $0xb8;
	[tilespmem:$0x10080] =	vst v63  }
0x55: {  	s0 =	simm.s32 $0xC080  }
0x56: {  	[tilespmem:s0], [sflag:$0x2] =	stream.indirect_vreg.gather [hbm4b:s1+s3], $0x80, v3, vm0, $0xb8;
	[tilespmem:$0x10080] =	vst v63  }
0x57: {  	s0 =	simm.s32 $0xC880  }
0x58: {  	[tilespmem:s0], [sflag:$0x2] =	stream.indirect_vreg.gather [hbm4b:s4+s3], $0x80, v3, vm0, $0xb8;
	[tilespmem:$0x10080] =	vst v63  }
0x59: {  	s0 =	simm.s32 $0xD080  }
0x5a: {  	[tilespmem:s0], [sflag:$0x2] =	stream.indirect_vreg.gather [hbm4b:s5+s3], $0x80, v3, vm0, $0xb8;
	[tilespmem:$0x10080] =	vst v63  }
0x5b: {  	s0 =	simm.s32 $0xD880  }
0x5c: {  	[tilespmem:s0], [sflag:$0x2] =	stream.indirect_vreg.gather [hbm4b:s6+s3], $0x80, v3, vm0, $0xb8;
	[tilespmem:$0x10080] =	vst v63  }
0x5d: {  	s0 =	simm.s32 $0xE080  }
0x5e: {  	[tilespmem:s0], [sflag:$0x2] =	stream.indirect_vreg.gather [hbm4b:s7+s3], $0x80, v3, vm0, $0xb8;
	[tilespmem:$0x10080] =	vst v63  }
0x5f: {  	s0 =	simm.s32 $0xE880  }
0x60: {  	[tilespmem:s0], [sflag:$0x2] =	stream.indirect_vreg.gather [hbm4b:s8+s3], $0x80, v3, vm0, $0xb8;
	[tilespmem:$0x10080] =	vst v63  }
0x61: {  	s0 =	simm.s32 $0xF080  }
0x62: {  	[tilespmem:s0], [sflag:$0x2] =	stream.indirect_vreg.gather [hbm4b:s9+s3], $0x80, v3, vm0, $0xb8;
	[tilespmem:$0x10080] =	vst v63  }
0x63: {  	s0 =	simm.s32 $0xF880  }
0x64: {  	[tilespmem:s0], [sflag:$0x2] =	stream.indirect_vreg.gather [hbm4b:s10+s3], $0x80, v3, vm0, $0xb8;
	[tilespmem:$0x10080] =	vst v63  }
0x65: {  	_ =	swait.ge [sflag:s26], $0x8000  }
0x66: {  	[sflag:s26] =	ssyncset.done $0x0  }
0x67: {  	s0 =	rddreg [dreg:$0x4];
	[sflag:s26] =	ssyncadd.s32 $0xFFFF8000  }
0x68: {  	[hbm4b:s0+s3] =	stream.linear.scatter [tilespmem:s30], [sflag:$0x3], $0x8000, $0x38;
	[tilespmem:$0x10080] =	vst v63  }
0x69: {  	_ =	swait.ge [sflag:s28], $0x8000  }
0x6a: {  	[sflag:s28] =	ssyncset.done $0x0  }
0x6b: {  	s0 =	rddreg [dreg:$0x5];
	[sflag:s28] =	ssyncadd.s32 $0xFFFF8000  }
0x6c: {  	[hbm4b:s0+s3] =	stream.linear.scatter [tilespmem:s2], [sflag:$0x4], $0x8000, $0x38;
	[tilespmem:$0x10080] =	vst v63  }
0x6d: {  	_ =	swait.ge [sflag:s29], $0x8000  }
0x6e: {  	[sflag:s29] =	ssyncset.done $0x0  }
0x6f: {  	[sflag:s29] =	ssyncadd.s32 $0xFFFF8000  }
0x70: {  	v3 =	vld [tilespmem:$0x20];
	_ =	sdelay $0x4  }
0x71: {  	v62 =	vshll.u32 v3, $0x4  }
0x72: {  	v3 =	vand.u32 $0x7, v3;
	v4 =	vand.u32 $0xFFFFFF80, v62  }
0x73: {  	v3 =	vor.u32 v3, v4  }
0x74: {  	v4 =	vperm.xlane v3, v0;
	_ =	sdelay $0x1  }
0x75: {  	v4 =	vadd.s32 v1, v4;
	_ =	sdelay $0x4  }
0x76: {  	[tilespmem:s30], [sflag:$0x1] =	stream.indirect_vreg.gather [hbm4b:s1+s3], $0x80, v4, vm0, $0xb8;
	[tilespmem:$0x10080] =	vst v63  }
0x77: {  	s0 =	simm.s32 $0x880  }
0x78: {  	[tilespmem:s0], [sflag:$0x1] =	stream.indirect_vreg.gather [hbm4b:s4+s3], $0x80, v4, vm0, $0xb8;
	[tilespmem:$0x10080] =	vst v63  }
0x79: {  	_ = 	snop  }
0x7a: {  	[tilespmem:s14], [sflag:$0x1] =	stream.indirect_vreg.gather [hbm4b:s5+s3], $0x80, v4, vm0, $0xb8;
	[tilespmem:$0x10080] =	vst v63  }
0x7b: {  	_ = 	snop  }
0x7c: {  	[tilespmem:s15], [sflag:$0x1] =	stream.indirect_vreg.gather [hbm4b:s6+s3], $0x80, v4, vm0, $0xb8;
	[tilespmem:$0x10080] =	vst v63  }
0x7d: {  	_ = 	snop  }
0x7e: {  	[tilespmem:s16], [sflag:$0x1] =	stream.indirect_vreg.gather [hbm4b:s7+s3], $0x80, v4, vm0, $0xb8;
	[tilespmem:$0x10080] =	vst v63  }
0x7f: {  	v3 =	vperm.xlane v3, v2  }
0x80: {  	[tilespmem:s17], [sflag:$0x1] =	stream.indirect_vreg.gather [hbm4b:s8+s3], $0x80, v4, vm0, $0xb8;
	[tilespmem:$0x10080] =	vst v63  }
0x81: {  	v3 =	vadd.s32 v1, v3  }
0x82: {  	[tilespmem:s18], [sflag:$0x1] =	stream.indirect_vreg.gather [hbm4b:s9+s3], $0x80, v4, vm0, $0xb8;
	[tilespmem:$0x10080] =	vst v63  }
0x83: {  	_ = 	snop  }
0x84: {  	[tilespmem:s19], [sflag:$0x1] =	stream.indirect_vreg.gather [hbm4b:s10+s3], $0x80, v4, vm0, $0xb8;
	[tilespmem:$0x10080] =	vst v63  }
0x85: {  	_ = 	snop  }
0x86: {  	[tilespmem:s20], [sflag:$0x1] =	stream.indirect_vreg.gather [hbm4b:s1+s3], $0x80, v3, vm0, $0xb8;
	[tilespmem:$0x10080] =	vst v63  }
0x87: {  	_ = 	snop  }
0x88: {  	[tilespmem:s21], [sflag:$0x1] =	stream.indirect_vreg.gather [hbm4b:s4+s3], $0x80, v3, vm0, $0xb8;
	[tilespmem:$0x10080] =	vst v63  }
0x89: {  	_ = 	snop  }
0x8a: {  	[tilespmem:s22], [sflag:$0x1] =	stream.indirect_vreg.gather [hbm4b:s5+s3], $0x80, v3, vm0, $0xb8;
	[tilespmem:$0x10080] =	vst v63  }
0x8b: {  	_ = 	snop  }
0x8c: {  	[tilespmem:s23], [sflag:$0x1] =	stream.indirect_vreg.gather [hbm4b:s6+s3], $0x80, v3, vm0, $0xb8;
	[tilespmem:$0x10080] =	vst v63  }
0x8d: {  	_ = 	snop  }
0x8e: {  	[tilespmem:s24], [sflag:$0x1] =	stream.indirect_vreg.gather [hbm4b:s7+s3], $0x80, v3, vm0, $0xb8;
	[tilespmem:$0x10080] =	vst v63  }
0x8f: {  	_ = 	snop  }
0x90: {  	[tilespmem:s25], [sflag:$0x1] =	stream.indirect_vreg.gather [hbm4b:s8+s3], $0x80, v3, vm0, $0xb8;
	[tilespmem:$0x10080] =	vst v63  }
0x91: {  	_ = 	snop  }
0x92: {  	[tilespmem:s12], [sflag:$0x1] =	stream.indirect_vreg.gather [hbm4b:s9+s3], $0x80, v3, vm0, $0xb8;
	[tilespmem:$0x10080] =	vst v63  }
0x93: {  	_ = 	snop  }
0x94: {  	[tilespmem:s13], [sflag:$0x1] =	stream.indirect_vreg.gather [hbm4b:s10+s3], $0x80, v3, vm0, $0xb8;
	[tilespmem:$0x10080] =	vst v63  }
0x95: {  	_ =	swait.ge [sflag:s26], $0x8000  }
0x96: {  	[sflag:s26] =	ssyncset.done $0x0  }
0x97: {  	s0 =	rddreg [dreg:$0x6];
	[sflag:s26] =	ssyncadd.s32 $0xFFFF8000  }
0x98: {  	[hbm4b:s0+s3] =	stream.linear.scatter [tilespmem:s30], [sflag:$0x3], $0x8000, $0x38;
	[tilespmem:$0x10080] =	vst v63  }
0x99: {  	_ =	swait.ge [sflag:s31], $0x8000  }
0x9a: {  	[sflag:s31] =	ssyncset.done $0x0  }
0x9b: {  	[sflag:s31] =	ssyncadd.s32 $0xFFFF8000  }
0x9c: {  	v3 =	vld [tilespmem:$0x30];
	_ =	sdelay $0x4  }
0x9d: {  	v63 =	vshll.u32 v3, $0x4  }
0x9e: {  	v3 =	vand.u32 $0x7, v3;
	v4 =	vand.u32 $0xFFFFFF80, v63  }
0x9f: {  	v3 =	vor.u32 v3, v4  }
0xa0: {  	v4 =	vperm.xlane v3, v0;
	_ =	sdelay $0x1  }
0xa1: {  	v4 =	vadd.s32 v1, v4;
	_ =	sdelay $0x4  }
0xa2: {  	[tilespmem:s2], [sflag:$0x2] =	stream.indirect_vreg.gather [hbm4b:s1+s3], $0x80, v4, vm0, $0xb8;
	[tilespmem:$0x10080] =	vst v63  }
0xa3: {  	s0 =	simm.s32 $0x8880  }
0xa4: {  	[tilespmem:s0], [sflag:$0x2] =	stream.indirect_vreg.gather [hbm4b:s4+s3], $0x80, v4, vm0, $0xb8;
	[tilespmem:$0x10080] =	vst v63  }
0xa5: {  	s0 =	simm.s32 $0x9080  }
0xa6: {  	[tilespmem:s0], [sflag:$0x2] =	stream.indirect_vreg.gather [hbm4b:s5+s3], $0x80, v4, vm0, $0xb8;
	[tilespmem:$0x10080] =	vst v63  }
0xa7: {  	s0 =	simm.s32 $0x9880  }
0xa8: {  	[tilespmem:s0], [sflag:$0x2] =	stream.indirect_vreg.gather [hbm4b:s6+s3], $0x80, v4, vm0, $0xb8;
	[tilespmem:$0x10080] =	vst v63  }
0xa9: {  	s0 =	simm.s32 $0xA080  }
0xaa: {  	[tilespmem:s0], [sflag:$0x2] =	stream.indirect_vreg.gather [hbm4b:s7+s3], $0x80, v4, vm0, $0xb8;
	[tilespmem:$0x10080] =	vst v63  }
0xab: {  	v3 =	vperm.xlane v3, v2;
	s0 =	simm.s32 $0xA880  }
0xac: {  	[tilespmem:s0], [sflag:$0x2] =	stream.indirect_vreg.gather [hbm4b:s8+s3], $0x80, v4, vm0, $0xb8;
	[tilespmem:$0x10080] =	vst v63  }
0xad: {  	v3 =	vadd.s32 v1, v3;
	s0 =	simm.s32 $0xB080  }
0xae: {  	[tilespmem:s0], [sflag:$0x2] =	stream.indirect_vreg.gather [hbm4b:s9+s3], $0x80, v4, vm0, $0xb8;
	[tilespmem:$0x10080] =	vst v63  }
0xaf: {  	s0 =	simm.s32 $0xB880  }
0xb0: {  	[tilespmem:s0], [sflag:$0x2] =	stream.indirect_vreg.gather [hbm4b:s10+s3], $0x80, v4, vm0, $0xb8;
	[tilespmem:$0x10080] =	vst v63  }
0xb1: {  	s0 =	simm.s32 $0xC080  }
0xb2: {  	[tilespmem:s0], [sflag:$0x2] =	stream.indirect_vreg.gather [hbm4b:s1+s3], $0x80, v3, vm0, $0xb8;
	[tilespmem:$0x10080] =	vst v63  }
0xb3: {  	s1 =	simm.s32 $0xC880  }
0xb4: {  	[tilespmem:s1], [sflag:$0x2] =	stream.indirect_vreg.gather [hbm4b:s4+s3], $0x80, v3, vm0, $0xb8;
	[tilespmem:$0x10080] =	vst v63  }
0xb5: {  	s1 =	simm.s32 $0xD080  }
0xb6: {  	[tilespmem:s1], [sflag:$0x2] =	stream.indirect_vreg.gather [hbm4b:s5+s3], $0x80, v3, vm0, $0xb8;
	[tilespmem:$0x10080] =	vst v63  }
0xb7: {  	s1 =	simm.s32 $0xD880  }
0xb8: {  	[tilespmem:s1], [sflag:$0x2] =	stream.indirect_vreg.gather [hbm4b:s6+s3], $0x80, v3, vm0, $0xb8;
	[tilespmem:$0x10080] =	vst v63  }
0xb9: {  	s1 =	simm.s32 $0xE080  }
0xba: {  	[tilespmem:s1], [sflag:$0x2] =	stream.indirect_vreg.gather [hbm4b:s7+s3], $0x80, v3, vm0, $0xb8;
	[tilespmem:$0x10080] =	vst v63  }
0xbb: {  	s1 =	simm.s32 $0xE880  }
0xbc: {  	[tilespmem:s1], [sflag:$0x2] =	stream.indirect_vreg.gather [hbm4b:s8+s3], $0x80, v3, vm0, $0xb8;
	[tilespmem:$0x10080] =	vst v63  }
0xbd: {  	s1 =	simm.s32 $0xF080  }
0xbe: {  	[tilespmem:s1], [sflag:$0x2] =	stream.indirect_vreg.gather [hbm4b:s9+s3], $0x80, v3, vm0, $0xb8;
	[tilespmem:$0x10080] =	vst v63  }
0xbf: {  	s1 =	simm.s32 $0xF880  }
0xc0: {  	[tilespmem:s1], [sflag:$0x2] =	stream.indirect_vreg.gather [hbm4b:s10+s3], $0x80, v3, vm0, $0xb8;
	[tilespmem:$0x10080] =	vst v63  }
0xc1: {  	_ =	swait.ge [sflag:s28], $0x8000  }
0xc2: {  	[sflag:s28] =	ssyncset.done $0x0  }
0xc3: {  	s1 =	rddreg [dreg:$0x7];
	[sflag:s28] =	ssyncadd.s32 $0xFFFF8000  }
0xc4: {  	[hbm4b:s1+s3] =	stream.linear.scatter [tilespmem:s2], [sflag:$0x4], $0x8000, $0x38;
	[tilespmem:$0x10080] =	vst v63  }
0xc5: {  	p0 =	sne.s32 s11, $0x1;
	_ =	swait.ge [sflag:s29], $0x8000  }
.Ltmp0:
0xc6: {  	[sflag:s29] =	ssyncset.done $0x0;
	(pc) =	sbr.rel @p0 .LBB2_1-.Ltmp0, $4  }
0xc7: {  	[sflag:s29] =	ssyncadd.s32 $0xFFFF8000  }
0xc8: {  	_ =	swait.ge [sflag:s31], $0x8000  }
0xc9: {  	[sflag:s31] =	ssyncset.done $0x0  }
0xca: {  	s11 =	sadd.s32 $0xFFFFFFFF, s11;
	[sflag:s31] =	ssyncadd.s32 $0xFFFF8000  }
0xcb: {  	_ =	sfence.sel $0x180000  }
0xcc: {  	[bflag:$0x0] =	sbarrier.arrive $0xFFFF  }
0xcd: {  	_ =	strace $0x9000004D  }
0xce: {  	s0 =	stileid.u32;
	[bflag:$0x2] =	sbarrier.arrive $0xFFFF  }
0xcf: {  	p0 =	sne.s32 s0, $0x0;
	s0 =	rddreg [dreg:$0x2]  }
0xd0: {  	s0 =	sadd.s32 @!p0 $0x100000, s0  }
0xd1: {  	[sflag:s0] =	ssyncadd.tile.s32 @!p0 $0x1;
	_ =	shalt  }
.Lfunc_end2:
_tile_overlayer_lowered:
.L_overlay_start_2:
0xd2: {  	(tag) =	ssettag $0x2  }
0xd3: {  	s0 =	rddreg [dreg:$0x0];
	s2 =	stileid.u32  }
0xd4: {  	s1 =	rddreg [dreg:$0x1];
	p0 =	sne.s32 s2, $0x0  }
0xd5: {  	s3 =	rddreg [dreg:$0x2];
	[bflag:$0x3] =	sbarrier.arrive $0xFFFF;
	s2 =	simm.s32 @!p0 $0x1C05  }
0xd6: {  	[timem:s3], [sflag:s2] =	dma.local @!p0 [hbm:s0], s1  }
0xd7: {  	s0 =	simm.s32 @!p0 $0x5  }
0xd8: {  	_ =	swait.ge @!p0 [sflag:s0], s1  }
0xd9: {  	s1 =	ssub.s32 @!p0 $0x0, s1;
	[sflag:s0] =	ssyncset.done @!p0 $0x0  }
0xda: {  	[sflag:s0] =	ssyncadd.s32 @!p0 s1  }
0xdb: {  	[bflag:$0x3] =	sbarrier.arrive $0xFFFF  }
0xdc: {  	_ =	shalt  }

// kernel: kernel.19.cloned.1.call-start
scs
__scs_entry_jumppad:
0x0: {  	(pc) =	sbr.rel $0x88, $3  }
0x1: {  	(tag) =	ssettag $0x0;
	lr =	simm.s32 $0x1  }
0x2: {  	[smem:$0x3F9A] =	sst lr;
	_ =	strace $0xD0000000  }
0x3: {  	_ = 	snop  }
0x4: {  	_ = 	snop  }
0x5: {  	_ = 	snop  }
0x6: {  	_ = 	snop  }
0x7: {  	_ = 	snop  }
__scs_overlays_trampoline_lowered:
0x8: {  	[smem:$0x3FA9] =	sst s0  }
0x9: {  	[smem:$0x3FAA] =	sst s1  }
0xa: {  	[smem:$0x3FAB] =	sst s2  }
0xb: {  	[smem:$0x3FAC] =	sst s3  }
0xc: {  	[smem:$0x3FAD] =	sst s4  }
0xd: {  	[smem:$0x3FAE] =	sst s5  }
0xe: {  	[smem:$0x3FAF] =	sst s6  }
0xf: {  	[smem:$0x3FB0] =	sst s7  }
0x10: {  	[smem:$0x3FB1] =	sst s8  }
0x11: {  	[smem:$0x3FB2] =	sst s9;
	s0 =	simm.s32 @!p0 $0x0  }
0x12: {  	s1 =	sld [smem:$0x3F98];
	s0 =	simm.s32 @p0 $0x1  }
0x13: {  	[smem:$0x3FB3] =	sst s0;
	s0 =	simm.s32 @!p1 $0x0  }
0x14: {  	s2 =	sld [smem:$0x3F97];
	s0 =	simm.s32 @p1 $0x1  }
0x15: {  	[smem:$0x3FB4] =	sst s0;
	s0 =	simm.s32 @!p2 $0x0  }
0x16: {  	s3 =	sld [smem:$0x3FDB];
	s0 =	simm.s32 @p2 $0x1  }
0x17: {  	s4 =	simm.s32 $0x1BF5;
	[smem:$0x3FB6] =	sst s0  }
0x18: {  	s0 =	sld [smem:$0x3F99];
	_ =	swait.ge [sflag:s4], $0x0  }
0x19: {  	s7 =	sld [smem:$0x3F9A]  }
0x1a: {  	s8 =	sadd.s32 $0xFFFFE003, lr  }
0x1b: {  	s9 =	sadd.s32 $0xFFFFFEF7, lr;
	s5 =	simm.s32 $0xFFFFFFFF;
	p2 =	slt.u32 s8, $0xFFFFF086  }
0x1c: {  	p1 =	slt.u32 s9, $0xF7A;
	s5 =	simm.s32 @!p2 $0x0  }
0x1d: {  	s5 =	simm.s32 @p1 $0x1;
	p0 =	seq.s32 s7, s2  }
0x1e: {  	s7 =	smul.u32 @!p0 $0xF7A, s2;
	p2 =	seq.s32 @!p0 s5, $0x0  }
0x1f: {  	s9 =	smul.u32 $0xF7A, s1;
	s8 =	simm.s32 @!p0 $0x1BF5;
	p2 =	por !p2, p0  }
0x20: {  	[sflag:s8] =	ssyncset.s32 @!p0 $0xFFFFF086;
	s6 =	sadd.s32 @!p0 s3, s7;
	s7 =	simm.s32 @!p0 $0x108  }
0x21: {  	s3 =	sadd.s32 s3, s9;
	s6 =	sadd.s32 @!p0 $0x88, s6;
	s7 =	simm.s32 @p2 $0x1082  }
0x22: {  	[simem:s7], [sflag:s8] =	dma.local @!p0 [hbm:s6], $0xF7A  }
0x23: {  	s9 =	sor.u32 $0xD0000000, s2;
	s6 =	simm.s32 $0x108;
	_ =	swait.ge @!p0 [sflag:s8], $0x0  }
0x24: {  	s3 =	sadd.s32 $0x88, s3;
	s6 =	simm.s32 @!p1 $0x1082;
	[sflag:s4] =	ssyncset.s32 $0xFFFFF086  }
0x25: {  	[simem:s6], [sflag:s4] =	dma.local [hbm:s3], $0xF7A  }
0x26: {  	[smem:$0x3F9A] =	sst s1;
	(tag) =	ssettag s2;
	_ =	strace s9  }
0x27: {  	s1 =	sld [smem:$0x3FAA]  }
0x28: {  	s2 =	sld [smem:$0x3FAB]  }
0x29: {  	s4 =	sld [smem:$0x3FAD]  }
0x2a: {  	p0 =	seq.s32 s5, $0x0;
	s5 =	sld [smem:$0x3FAE]  }
0x2b: {  	s6 =	sld [smem:$0x3FAF]  }
0x2c: {  	s7 =	sld [smem:$0x3FB0]  }
0x2d: {  	s3 =	simm.s32 $0x108;
	s8 =	sld [smem:$0x3FB1]  }
0x2e: {  	s3 =	simm.s32 @!p0 $0x1082;
	s9 =	sld [smem:$0x3FB2]  }
0x2f: {  	lr =	sadd.s32 s0, s3;
	s0 =	sld [smem:$0x3FA9]  }
0x30: {  	s3 =	sld [smem:$0x3FAC]  }
0x31: {  	[smem:$0x3FB5] =	sst s10  }
0x32: {  	s10 =	sld [smem:$0x3FB3];
	_ =	sdelay $0x3  }
0x33: {  	p0 =	seq.s32 s10, $0x1;
	s10 =	sld [smem:$0x3FB5];
	_ =	sdelay $0x3  }
0x34: {  	[smem:$0x3FB5] =	sst s10  }
0x35: {  	s10 =	sld [smem:$0x3FB4];
	_ =	sdelay $0x3  }
0x36: {  	p1 =	seq.s32 s10, $0x1;
	s10 =	sld [smem:$0x3FB5];
	_ =	sdelay $0x3  }
0x37: {  	[smem:$0x3FB5] =	sst s10  }
0x38: {  	s10 =	sld [smem:$0x3FB6]  }
0x39: {  	_ = 	snop;
	(pc) =	sbr.ind lr, $3  }
0x3a: {  	_ = 	snop  }
0x3b: {  	_ = 	snop  }
0x3c: {  	p2 =	seq.s32 s10, $0x1;
	s10 =	sld [smem:$0x3FB5]  }
0x3d: {  	_ =	shalt  }
0x3e: {  	_ =	shalt  }
0x3f: {  	_ =	shalt  }
0x40: {  	_ =	shalt  }
0x41: {  	_ =	shalt  }
0x42: {  	_ =	shalt  }
0x43: {  	_ =	shalt  }
0x44: {  	_ =	shalt  }
0x45: {  	_ =	shalt  }
0x46: {  	_ =	shalt  }
0x47: {  	_ =	shalt  }
0x48: {  	_ =	shalt  }
0x49: {  	_ =	shalt  }
0x4a: {  	_ =	shalt  }
0x4b: {  	_ =	shalt  }
0x4c: {  	_ =	shalt  }
0x4d: {  	_ =	shalt  }
0x4e: {  	_ =	shalt  }
0x4f: {  	_ =	shalt  }
0x50: {  	_ =	shalt  }
0x51: {  	_ =	shalt  }
0x52: {  	_ =	shalt  }
0x53: {  	_ =	shalt  }
0x54: {  	_ =	shalt  }
0x55: {  	_ =	shalt  }
0x56: {  	_ =	shalt  }
0x57: {  	_ =	shalt  }
0x58: {  	_ =	shalt  }
0x59: {  	_ =	shalt  }
0x5a: {  	_ =	shalt  }
0x5b: {  	_ =	shalt  }
0x5c: {  	_ =	shalt  }
0x5d: {  	_ =	shalt  }
0x5e: {  	_ =	shalt  }
0x5f: {  	_ =	shalt  }
0x60: {  	_ =	shalt  }
0x61: {  	_ =	shalt  }
0x62: {  	_ =	shalt  }
0x63: {  	_ =	shalt  }
0x64: {  	_ =	shalt  }
0x65: {  	_ =	shalt  }
0x66: {  	_ =	shalt  }
0x67: {  	_ =	shalt  }
0x68: {  	_ =	shalt  }
0x69: {  	_ =	shalt  }
0x6a: {  	_ =	shalt  }
0x6b: {  	_ =	shalt  }
0x6c: {  	_ =	shalt  }
0x6d: {  	_ =	shalt  }
0x6e: {  	_ =	shalt  }
0x6f: {  	_ =	shalt  }
0x70: {  	_ =	shalt  }
0x71: {  	_ =	shalt  }
0x72: {  	_ =	shalt  }
0x73: {  	_ =	shalt  }
0x74: {  	_ =	shalt  }
0x75: {  	_ =	shalt  }
0x76: {  	_ =	shalt  }
0x77: {  	_ =	shalt  }
0x78: {  	_ =	shalt  }
0x79: {  	_ =	shalt  }
0x7a: {  	_ =	shalt  }
0x7b: {  	_ =	shalt  }
0x7c: {  	_ =	shalt  }
0x7d: {  	_ =	shalt  }
0x7e: {  	_ =	shalt  }
0x7f: {  	_ =	shalt  }
0x80: {  	_ =	shalt  }
0x81: {  	_ =	shalt  }
0x82: {  	_ =	shalt  }
0x83: {  	_ =	shalt  }
0x84: {  	_ =	shalt  }
0x85: {  	_ =	shalt  }
0x86: {  	_ =	shalt  }
0x87: {  	_ =	shalt  }
.Lfunc_end0:
.L_simem_size_0:
called_computation.3_lowered:
.L_overlay_start_0:
0x88: {  	s2 =	sld [smem:$0x3FD9]  }
0x89: {  	s3 =	sld [smem:$0x3FFE];
	_ =	sdelay $0x1  }
0x8a: {  	s1 =	srdreg.scid  }
0x8b: {  	s0 =	sand.u32 $0x1, s1  }
0x8c: {  	s17 =	sshll.u32 s0, $0xA;
	s2 =	sadd.s32 s3, s2  }
0x8d: {  	s2 =	sadd.s32 s2, s17  }
0x8e: {  	[smem:$0x3FC1] =	sst s2  }
0x8f: {  	_ = 	snop  }
0x90: {  	s18 =	sld [smem:$0x3FC7];
	(tm) =	ssettm $0x1  }
0x91: {  	s19 =	sld [smem:$0x3FFB];
	_ =	sdelay $0x3  }
0x92: {  	_ =	strace s19  }
0x93: {  	s2 =	sld [smem:$0x3FFC];
	_ =	sdelay $0x3  }
0x94: {  	_ =	strace s2  }
0x95: {  	s2 =	sld [smem:$0x3FFD];
	_ =	sdelay $0x3  }
0x96: {  	_ =	strace s2  }
0x97: {  	_ =	strace $0x8FFFFFFF  }
0x98: {  	s20 =	sld [smem:$0x3FDB];
	_ =	sdelay $0x1  }
0x99: {  	s4 =	simm.s32 $_scs_section_size  }
0x9a: {  	s5 =	simm.s32 $_size__tile_overlayer_lowered;
	s6 =	simm.s32 $_tile_overlayer_lowered  }
0x9b: {  	s7 =	simm.s32 $0x1BFF;
	s21 =	sshll.u32 s6, $0x1;
	s4 =	sadd.s32 s4, s20  }
0x9c: {  	s22 =	simm.s32 $0x0;
	s5 =	sshll.u32 s5, $0x1;
	s6 =	sadd.s32 s21, s4  }
0x9d: {  	[timem:s22], [sflag:s7] =	dma.local [hbm:s6], s5  }
0x9e: {  	_ =	swait.ge [sflag:s7], s5  }
0x9f: {  	s5 =	ssub.s32 $0x0, s5;
	[sflag:s7] =	ssyncset.done $0x0  }
0xa0: {  	[sflag:s7] =	ssyncadd.s32 s5;
	_ =	sdelay $0x1  }
0xa1: {  	s23 =	simm.s32 $0x1B8B  }
0xa2: {  	_ =	swait.ge [sflag:s23], $0x1  }
0xa3: {  	[sflag:s23] =	ssyncset.done $0x0  }
0xa4: {  	[sflag:s23] =	ssyncadd.s32 $0xFFFFFFFF  }
0xa5: {  	s5 =	sld [smem:$0x0]  }
0xa6: {  	s6 =	sand.u32 $0xFFFFFFFE, s1  }
0xa7: {  	p0 =	sne.s32 s1, s6  }
0xa8: {  	s6 =	sshll.u32 @p0 s6, $0xE  }
0xa9: {  	s6 =	sadd.s32 @p0 $0x11B8D, s6;
	s7 =	sshll.u32 @p0 s5, $0x11  }
0xaa: {  	s6 =	sor.u32 @p0 s7, s6  }
0xab: {  	[sflag:s6] =	ssyncadd.remote.s32 @p0 $0x1;
	_ =	sdelay $0x1  }
0xac: {  	s6 =	simm.s32 @p0 $0x1B8D  }
0xad: {  	_ =	swait.eq @p0 [sflag:s6], $0x1  }
0xae: {  	[sflag:s6] =	ssyncadd.s32 @p0 $0xFFFFFFFF  }
0xaf: {  	s7 =	sshll.u32 @!p0 s1, $0xE  }
0xb0: {  	s7 =	sor.u32 @!p0 $0x4000, s7;
	s6 =	simm.s32 @!p0 $0x1B8D  }
0xb1: {  	s5 =	sshll.u32 @!p0 s5, $0x11;
	s7 =	sadd.s32 @!p0 $0x11B8D, s7;
	_ =	swait.eq @!p0 [sflag:s6], $0x1  }
0xb2: {  	s5 =	sor.u32 @!p0 s5, s7;
	[sflag:s6] =	ssyncadd.s32 @!p0 $0xFFFFFFFF  }
0xb3: {  	s25 =	simm.s32 $0x1B8E;
	s24 =	sld [smem:$0x3FFE];
	[sflag:s5] =	ssyncadd.remote.s32 @!p0 $0x1  }
0xb4: {  	s26 =	simm.s32 $execute0_lowered;
	[smem:$0x3FD2] =	sst s25  }
0xb5: {  	s6 =	sshll.u32 s26, $0x1;
	_ =	strace $0x8000004F;
	[dreg:$0x1] =	wrdreg $0xFFFFFFFF  }
0xb6: {  	s28 =	simm.s32 $_size_execute0_lowered;
	s4 =	sadd.s32 s4, s6;
	[dreg:$0x0] =	wrdreg $0x0  }
0xb7: {  	s6 =	sshll.u32 s28, $0x1;
	[dreg:$0x2] =	wrdreg s4  }
0xb8: {  	[dreg:$0x3] =	wrdreg s6  }
0xb9: {  	[dreg:$0x4] =	wrdreg $0xC0  }
0xba: {  	_ =	task [dreg:s22], $0x5FFFF  }
0xbb: {  	[dreg:$0x1] =	wrdreg $0xFFFFFFFF  }
0xbc: {  	[dreg:$0x0] =	wrdreg $0x60  }
0xbd: {  	[dreg:$0x2] =	wrdreg s18  }
0xbe: {  	[dreg:$0x3] =	wrdreg s24  }
0xbf: {  	[dreg:$0x4] =	wrdreg $0xC  }
0xc0: {  	_ =	task.clear_ibuf [dreg:s22], $0x5FFFF;
	_ =	strace $0x9000004F  }
0xc1: {  	s29 =	simm.s32 $0xC;
	_ =	strace $0x80000051  }
0xc2: {  	_ =	swait.ge [sflag:s29], $0x1  }
0xc3: {  	[sflag:s29] =	ssyncadd.s32 $0xFFFFFFFF  }
0xc4: {  	_ =	strace $0x90000051  }
0xc5: {  	_ =	sfence  }
0xc6: {  	s30 =	sld [smem:$0x0];
	_ =	sdelay $0x2  }
0xc7: {  	s31 =	sshll.u32 s1, $0xD;
	s1 =	sshrl.u32 s1, $0x2  }
0xc8: {  	s4 =	sand.u32 $0x4000, s31;
	s1 =	sadd.s32 s1, s30  }
0xc9: {  	s0 =	sor.u32 s4, s0;
	s1 =	sshll.u32 s1, $0x11  }
0xca: {  	s0 =	sor.u32 s1, s0  }
0xcb: {  	s0 =	sadd.s32 $0x8F2B, s0  }
0xcc: {  	[sflag:s0] =	ssyncadd.remote.s32 $0x1  }
0xcd: {  	_ =	sfence.sel $0xFFFF  }
0xce: {  	[dreg:$0x0] =	wrdreg $0xFFFFFFFF;
	(pc) =	sbr.abs _section_cstart, $3  }
0xcf: {  	[dreg:$0x1] =	wrdreg $0xFFFFFFFF  }
0xd0: {  	_ =	task.clear_ibuf [dreg:s22], $0x2FFFF;
	_ =	strace $0x9FFFFFFF  }
0xd1: {  	(tm) =	ssettm $0x7FFFFFFF  }
tec
execute0_lowered:
.L_overlay_start_1:
0x0: {  	(tag) =	ssettag $0x1  }
0x1: {  	s2 =	rddreg [dreg:$0x0]  }
0x2: {  	s0 =	rddreg [dreg:$0x1]  }
0x3: {  	s1 =	srdreg.scid;
	s4 =	stileid.u32;
	s3 =	simm.s32 $0x0  }
0x4: {  	s28 =	simm.s32 $0x2;
	s29 =	simm.s32 $0x3;
	s31 =	simm.s32 $0x4  }
0x5: {  	s30 =	simm.s32 $0x80;
	s14 =	simm.s32 $0x1080;
	s15 =	simm.s32 $0x1880  }
0x6: {  	s16 =	simm.s32 $0x2080;
	s17 =	simm.s32 $0x2880;
	s18 =	simm.s32 $0x3080  }
0x7: {  	s19 =	simm.s32 $0x3880;
	s20 =	simm.s32 $0x4080;
	s21 =	simm.s32 $0x4880  }
0x8: {  	s22 =	simm.s32 $0x5080;
	s23 =	simm.s32 $0x5880;
	s24 =	simm.s32 $0x6080  }
0x9: {  	s25 =	simm.s32 $0x6880;
	s12 =	simm.s32 $0x7080;
	s1 =	sand.u32 $0x1, s1  }
0xa: {  	s13 =	simm.s32 $0x7880;
	s4 =	sshll.u32 s4, $0x7;
	s5 =	sshll.u32 s1, $0x6  }
0xb: {  	[smem:$0x7FF] =	sst s3;
	s7 =	sadd.s32 $0x400, s2;
	s4 =	sor.u32 s5, s4  }
0xc: {  	s8 =	sadd.s32 $0x500, s2;
	_ =	strace $0x80000050;
	s5 =	sshrl.u32 s4, $0x3  }
0xd: {  	s1 =	ssub.s32 $0x2, s1;
	s4 =	sshll.u32 s4, $0x8;
	s5 =	sadd.s32 s5, s0  }
0xe: {  	s6 =	sshrl.u32 s1, $0x1;
	s0 =	sadd.s32 s4, s0;
	s26 =	sadd.s32 $0x2E00, s5  }
0xf: {  	s1 =	ssub.s32 s1, s6;
	s9 =	sadd.s32 $0x103200, s0;
	[dreg:$0x3] =	wrdreg s26  }
0x10: {  	s6 =	sadd.s32 $0x300, s2;
	s10 =	sadd.s32 $0x104200, s0;
	[dreg:$0x4] =	wrdreg s9  }
0x11: {  	s4 =	sadd.s32 $0x100, s2;
	s11 =	sadd.s32 $0x105200, s0;
	[dreg:$0x5] =	wrdreg s10  }
0x12: {  	v2 =	vlaneseq.u32;
	s5 =	sadd.s32 $0x200, s2;
	s0 =	sadd.s32 $0x106200, s0;
	[dreg:$0x6] =	wrdreg s11  }
0x13: {  	vm0 =	vmmov $0xffff;
	v1 =	vshrl.u32 v2, $0x3;
	s9 =	sadd.s32 $0x600, s2;
	s10 =	sadd.s32 $0x700, s2;
	[dreg:$0x7] =	wrdreg s0  }
0x14: {  	v0 =	vand.u32 $0x7, v2;
	v2 =	vor.u32 $0x8, v2;
	v1 =	vmul.u32 $0x8, v1;
	s11 =	smax.u32 s1, $0x1;
	s26 =	simm.s32 $0x1;
	s2 =	simm.s32 $0x8080  }
.LBB2_1:
0x15: {  	s0 =	rddreg [dreg:$0x3];
	s1 =	simm.s32 $0x5  }
0x16: {  	[tilespmem:s3], [sflag:$0x5] =	stream.linear.gather [hbm4b:s0+s3], $0x40, $0x38;
	[tilespmem:$0x10080] =	vst v63  }
0x17: {  	_ =	swait.ge [sflag:s1], $0x40  }
0x18: {  	[sflag:s1] =	ssyncset.done $0x0  }
0x19: {  	[sflag:s1] =	ssyncadd.s32 $0xFFFFFFC0  }
0x1a: {  	v3 =	vld [tilespmem:$0x0];
	_ =	sdelay $0x4  }
0x1b: {  	v4 =	vshll.u32 v3, $0x4  }
0x1c: {  	v3 =	vand.u32 $0x7, v3;
	v4 =	vand.u32 $0xFFFFFF80, v4  }
0x1d: {  	v3 =	vor.u32 v3, v4  }
0x1e: {  	v4 =	vperm.xlane v3, v0;
	_ =	sdelay $0x1  }
0x1f: {  	v4 =	vadd.s32 v1, v4;
	_ =	sdelay $0x3  }
0x20: {  	s1 =	rddreg [dreg:$0x0]  }
0x21: {  	[tilespmem:s30], [sflag:$0x1] =	stream.indirect_vreg.gather [hbm4b:s1+s3], $0x80, v4, vm0, $0xb8;
	[tilespmem:$0x10080] =	vst v63  }
0x22: {  	s0 =	simm.s32 $0x880  }
0x23: {  	[tilespmem:s0], [sflag:$0x1] =	stream.indirect_vreg.gather [hbm4b:s4+s3], $0x80, v4, vm0, $0xb8;
	[tilespmem:$0x10080] =	vst v63  }
0x24: {  	_ = 	snop  }
0x25: {  	[tilespmem:s14], [sflag:$0x1] =	stream.indirect_vreg.gather [hbm4b:s5+s3], $0x80, v4, vm0, $0xb8;
	[tilespmem:$0x10080] =	vst v63  }
0x26: {  	_ = 	snop  }
0x27: {  	[tilespmem:s15], [sflag:$0x1] =	stream.indirect_vreg.gather [hbm4b:s6+s3], $0x80, v4, vm0, $0xb8;
	[tilespmem:$0x10080] =	vst v63  }
0x28: {  	_ = 	snop  }
0x29: {  	[tilespmem:s16], [sflag:$0x1] =	stream.indirect_vreg.gather [hbm4b:s7+s3], $0x80, v4, vm0, $0xb8;
	[tilespmem:$0x10080] =	vst v63  }
0x2a: {  	v3 =	vperm.xlane v3, v2  }
0x2b: {  	[tilespmem:s17], [sflag:$0x1] =	stream.indirect_vreg.gather [hbm4b:s8+s3], $0x80, v4, vm0, $0xb8;
	[tilespmem:$0x10080] =	vst v63  }
0x2c: {  	v3 =	vadd.s32 v1, v3  }
0x2d: {  	[tilespmem:s18], [sflag:$0x1] =	stream.indirect_vreg.gather [hbm4b:s9+s3], $0x80, v4, vm0, $0xb8;
	[tilespmem:$0x10080] =	vst v63  }
0x2e: {  	_ = 	snop  }
0x2f: {  	[tilespmem:s19], [sflag:$0x1] =	stream.indirect_vreg.gather [hbm4b:s10+s3], $0x80, v4, vm0, $0xb8;
	[tilespmem:$0x10080] =	vst v63  }
0x30: {  	_ = 	snop  }
0x31: {  	[tilespmem:s20], [sflag:$0x1] =	stream.indirect_vreg.gather [hbm4b:s1+s3], $0x80, v3, vm0, $0xb8;
	[tilespmem:$0x10080] =	vst v63  }
0x32: {  	_ = 	snop  }
0x33: {  	[tilespmem:s21], [sflag:$0x1] =	stream.indirect_vreg.gather [hbm4b:s4+s3], $0x80, v3, vm0, $0xb8;
	[tilespmem:$0x10080] =	vst v63  }
0x34: {  	_ = 	snop  }
0x35: {  	[tilespmem:s22], [sflag:$0x1] =	stream.indirect_vreg.gather [hbm4b:s5+s3], $0x80, v3, vm0, $0xb8;
	[tilespmem:$0x10080] =	vst v63  }
0x36: {  	_ = 	snop  }
0x37: {  	[tilespmem:s23], [sflag:$0x1] =	stream.indirect_vreg.gather [hbm4b:s6+s3], $0x80, v3, vm0, $0xb8;
	[tilespmem:$0x10080] =	vst v63  }
0x38: {  	_ = 	snop  }
0x39: {  	[tilespmem:s24], [sflag:$0x1] =	stream.indirect_vreg.gather [hbm4b:s7+s3], $0x80, v3, vm0, $0xb8;
	[tilespmem:$0x10080] =	vst v63  }
0x3a: {  	_ = 	snop  }
0x3b: {  	[tilespmem:s25], [sflag:$0x1] =	stream.indirect_vreg.gather [hbm4b:s8+s3], $0x80, v3, vm0, $0xb8;
	[tilespmem:$0x10080] =	vst v63  }
0x3c: {  	_ = 	snop  }
0x3d: {  	[tilespmem:s12], [sflag:$0x1] =	stream.indirect_vreg.gather [hbm4b:s9+s3], $0x80, v3, vm0, $0xb8;
	[tilespmem:$0x10080] =	vst v63  }
0x3e: {  	_ = 	snop  }
0x3f: {  	[tilespmem:s13], [sflag:$0x1] =	stream.indirect_vreg.gather [hbm4b:s10+s3], $0x80, v3, vm0, $0xb8;
	[tilespmem:$0x10080] =	vst v63  }
0x40: {  	v3 =	vld [tilespmem:$0x10];
	_ =	sdelay $0x4  }
0x41: {  	v61 =	vshll.u32 v3, $0x4  }
0x42: {  	v3 =	vand.u32 $0x7, v3;
	v4 =	vand.u32 $0xFFFFFF80, v61  }
0x43: {  	v3 =	vor.u32 v3, v4  }
0x44: {  	v4 =	vperm.xlane v3, v0;
	_ =	sdelay $0x1  }
0x45: {  	v4 =	vadd.s32 v1, v4;
	_ =	sdelay $0x4  }
0x46: {  	[tilespmem:s2], [sflag:$0x2] =	stream.indirect_vreg.gather [hbm4b:s1+s3], $0x80, v4, vm0, $0xb8;
	[tilespmem:$0x10080] =	vst v63  }
0x47: {  	s0 =	simm.s32 $0x8880  }
0x48: {  	[tilespmem:s0], [sflag:$0x2] =	stream.indirect_vreg.gather [hbm4b:s4+s3], $0x80, v4, vm0, $0xb8;
	[tilespmem:$0x10080] =	vst v63  }
0x49: {  	s0 =	simm.s32 $0x9080  }
0x4a: {  	[tilespmem:s0], [sflag:$0x2] =	stream.indirect_vreg.gather [hbm4b:s5+s3], $0x80, v4, vm0, $0xb8;
	[tilespmem:$0x10080] =	vst v63  }
0x4b: {  	s0 =	simm.s32 $0x9880  }
0x4c: {  	[tilespmem:s0], [sflag:$0x2] =	stream.indirect_vreg.gather [hbm4b:s6+s3], $0x80, v4, vm0, $0xb8;
	[tilespmem:$0x10080] =	vst v63  }
0x4d: {  	s0 =	simm.s32 $0xA080  }
0x4e: {  	[tilespmem:s0], [sflag:$0x2] =	stream.indirect_vreg.gather [hbm4b:s7+s3], $0x80, v4, vm0, $0xb8;
	[tilespmem:$0x10080] =	vst v63  }
0x4f: {  	v3 =	vperm.xlane v3, v2;
	s0 =	simm.s32 $0xA880  }
0x50: {  	[tilespmem:s0], [sflag:$0x2] =	stream.indirect_vreg.gather [hbm4b:s8+s3], $0x80, v4, vm0, $0xb8;
	[tilespmem:$0x10080] =	vst v63  }
0x51: {  	v3 =	vadd.s32 v1, v3;
	s0 =	simm.s32 $0xB080  }
0x52: {  	[tilespmem:s0], [sflag:$0x2] =	stream.indirect_vreg.gather [hbm4b:s9+s3], $0x80, v4, vm0, $0xb8;
	[tilespmem:$0x10080] =	vst v63  }
0x53: {  	s0 =	simm.s32 $0xB880  }
0x54: {  	[tilespmem:s0], [sflag:$0x2] =	stream.indirect_vreg.gather [hbm4b:s10+s3], $0x80, v4, vm0, $0xb8;
	[tilespmem:$0x10080] =	vst v63  }
0x55: {  	s0 =	simm.s32 $0xC080  }
0x56: {  	[tilespmem:s0], [sflag:$0x2] =	stream.indirect_vreg.gather [hbm4b:s1+s3], $0x80, v3, vm0, $0xb8;
	[tilespmem:$0x10080] =	vst v63  }
0x57: {  	s0 =	simm.s32 $0xC880  }
0x58: {  	[tilespmem:s0], [sflag:$0x2] =	stream.indirect_vreg.gather [hbm4b:s4+s3], $0x80, v3, vm0, $0xb8;
	[tilespmem:$0x10080] =	vst v63  }
0x59: {  	s0 =	simm.s32 $0xD080  }
0x5a: {  	[tilespmem:s0], [sflag:$0x2] =	stream.indirect_vreg.gather [hbm4b:s5+s3], $0x80, v3, vm0, $0xb8;
	[tilespmem:$0x10080] =	vst v63  }
0x5b: {  	s0 =	simm.s32 $0xD880  }
0x5c: {  	[tilespmem:s0], [sflag:$0x2] =	stream.indirect_vreg.gather [hbm4b:s6+s3], $0x80, v3, vm0, $0xb8;
	[tilespmem:$0x10080] =	vst v63  }
0x5d: {  	s0 =	simm.s32 $0xE080  }
0x5e: {  	[tilespmem:s0], [sflag:$0x2] =	stream.indirect_vreg.gather [hbm4b:s7+s3], $0x80, v3, vm0, $0xb8;
	[tilespmem:$0x10080] =	vst v63  }
0x5f: {  	s0 =	simm.s32 $0xE880  }
0x60: {  	[tilespmem:s0], [sflag:$0x2] =	stream.indirect_vreg.gather [hbm4b:s8+s3], $0x80, v3, vm0, $0xb8;
	[tilespmem:$0x10080] =	vst v63  }
0x61: {  	s0 =	simm.s32 $0xF080  }
0x62: {  	[tilespmem:s0], [sflag:$0x2] =	stream.indirect_vreg.gather [hbm4b:s9+s3], $0x80, v3, vm0, $0xb8;
	[tilespmem:$0x10080] =	vst v63  }
0x63: {  	s0 =	simm.s32 $0xF880  }
0x64: {  	[tilespmem:s0], [sflag:$0x2] =	stream.indirect_vreg.gather [hbm4b:s10+s3], $0x80, v3, vm0, $0xb8;
	[tilespmem:$0x10080] =	vst v63  }
0x65: {  	_ =	swait.ge [sflag:s26], $0x8000  }
0x66: {  	[sflag:s26] =	ssyncset.done $0x0  }
0x67: {  	s0 =	rddreg [dreg:$0x4];
	[sflag:s26] =	ssyncadd.s32 $0xFFFF8000  }
0x68: {  	[hbm4b:s0+s3] =	stream.linear.scatter [tilespmem:s30], [sflag:$0x3], $0x8000, $0x38;
	[tilespmem:$0x10080] =	vst v63  }
0x69: {  	_ =	swait.ge [sflag:s28], $0x8000  }
0x6a: {  	[sflag:s28] =	ssyncset.done $0x0  }
0x6b: {  	s0 =	rddreg [dreg:$0x5];
	[sflag:s28] =	ssyncadd.s32 $0xFFFF8000  }
0x6c: {  	[hbm4b:s0+s3] =	stream.linear.scatter [tilespmem:s2], [sflag:$0x4], $0x8000, $0x38;
	[tilespmem:$0x10080] =	vst v63  }
0x6d: {  	_ =	swait.ge [sflag:s29], $0x8000  }
0x6e: {  	[sflag:s29] =	ssyncset.done $0x0  }
0x6f: {  	[sflag:s29] =	ssyncadd.s32 $0xFFFF8000  }
0x70: {  	v3 =	vld [tilespmem:$0x20];
	_ =	sdelay $0x4  }
0x71: {  	v62 =	vshll.u32 v3, $0x4  }
0x72: {  	v3 =	vand.u32 $0x7, v3;
	v4 =	vand.u32 $0xFFFFFF80, v62  }
0x73: {  	v3 =	vor.u32 v3, v4  }
0x74: {  	v4 =	vperm.xlane v3, v0;
	_ =	sdelay $0x1  }
0x75: {  	v4 =	vadd.s32 v1, v4;
	_ =	sdelay $0x4  }
0x76: {  	[tilespmem:s30], [sflag:$0x1] =	stream.indirect_vreg.gather [hbm4b:s1+s3], $0x80, v4, vm0, $0xb8;
	[tilespmem:$0x10080] =	vst v63  }
0x77: {  	s0 =	simm.s32 $0x880  }
0x78: {  	[tilespmem:s0], [sflag:$0x1] =	stream.indirect_vreg.gather [hbm4b:s4+s3], $0x80, v4, vm0, $0xb8;
	[tilespmem:$0x10080] =	vst v63  }
0x79: {  	_ = 	snop  }
0x7a: {  	[tilespmem:s14], [sflag:$0x1] =	stream.indirect_vreg.gather [hbm4b:s5+s3], $0x80, v4, vm0, $0xb8;
	[tilespmem:$0x10080] =	vst v63  }
0x7b: {  	_ = 	snop  }
0x7c: {  	[tilespmem:s15], [sflag:$0x1] =	stream.indirect_vreg.gather [hbm4b:s6+s3], $0x80, v4, vm0, $0xb8;
	[tilespmem:$0x10080] =	vst v63  }
0x7d: {  	_ = 	snop  }
0x7e: {  	[tilespmem:s16], [sflag:$0x1] =	stream.indirect_vreg.gather [hbm4b:s7+s3], $0x80, v4, vm0, $0xb8;
	[tilespmem:$0x10080] =	vst v63  }
0x7f: {  	v3 =	vperm.xlane v3, v2  }
0x80: {  	[tilespmem:s17], [sflag:$0x1] =	stream.indirect_vreg.gather [hbm4b:s8+s3], $0x80, v4, vm0, $0xb8;
	[tilespmem:$0x10080] =	vst v63  }
0x81: {  	v3 =	vadd.s32 v1, v3  }
0x82: {  	[tilespmem:s18], [sflag:$0x1] =	stream.indirect_vreg.gather [hbm4b:s9+s3], $0x80, v4, vm0, $0xb8;
	[tilespmem:$0x10080] =	vst v63  }
0x83: {  	_ = 	snop  }
0x84: {  	[tilespmem:s19], [sflag:$0x1] =	stream.indirect_vreg.gather [hbm4b:s10+s3], $0x80, v4, vm0, $0xb8;
	[tilespmem:$0x10080] =	vst v63  }
0x85: {  	_ = 	snop  }
0x86: {  	[tilespmem:s20], [sflag:$0x1] =	stream.indirect_vreg.gather [hbm4b:s1+s3], $0x80, v3, vm0, $0xb8;
	[tilespmem:$0x10080] =	vst v63  }
0x87: {  	_ = 	snop  }
0x88: {  	[tilespmem:s21], [sflag:$0x1] =	stream.indirect_vreg.gather [hbm4b:s4+s3], $0x80, v3, vm0, $0xb8;
	[tilespmem:$0x10080] =	vst v63  }
0x89: {  	_ = 	snop  }
0x8a: {  	[tilespmem:s22], [sflag:$0x1] =	stream.indirect_vreg.gather [hbm4b:s5+s3], $0x80, v3, vm0, $0xb8;
	[tilespmem:$0x10080] =	vst v63  }
0x8b: {  	_ = 	snop  }
0x8c: {  	[tilespmem:s23], [sflag:$0x1] =	stream.indirect_vreg.gather [hbm4b:s6+s3], $0x80, v3, vm0, $0xb8;
	[tilespmem:$0x10080] =	vst v63  }
0x8d: {  	_ = 	snop  }
0x8e: {  	[tilespmem:s24], [sflag:$0x1] =	stream.indirect_vreg.gather [hbm4b:s7+s3], $0x80, v3, vm0, $0xb8;
	[tilespmem:$0x10080] =	vst v63  }
0x8f: {  	_ = 	snop  }
0x90: {  	[tilespmem:s25], [sflag:$0x1] =	stream.indirect_vreg.gather [hbm4b:s8+s3], $0x80, v3, vm0, $0xb8;
	[tilespmem:$0x10080] =	vst v63  }
0x91: {  	_ = 	snop  }
0x92: {  	[tilespmem:s12], [sflag:$0x1] =	stream.indirect_vreg.gather [hbm4b:s9+s3], $0x80, v3, vm0, $0xb8;
	[tilespmem:$0x10080] =	vst v63  }
0x93: {  	_ = 	snop  }
0x94: {  	[tilespmem:s13], [sflag:$0x1] =	stream.indirect_vreg.gather [hbm4b:s10+s3], $0x80, v3, vm0, $0xb8;
	[tilespmem:$0x10080] =	vst v63  }
0x95: {  	_ =	swait.ge [sflag:s26], $0x8000  }
0x96: {  	[sflag:s26] =	ssyncset.done $0x0  }
0x97: {  	s0 =	rddreg [dreg:$0x6];
	[sflag:s26] =	ssyncadd.s32 $0xFFFF8000  }
0x98: {  	[hbm4b:s0+s3] =	stream.linear.scatter [tilespmem:s30], [sflag:$0x3], $0x8000, $0x38;
	[tilespmem:$0x10080] =	vst v63  }
0x99: {  	_ =	swait.ge [sflag:s31], $0x8000  }
0x9a: {  	[sflag:s31] =	ssyncset.done $0x0  }
0x9b: {  	[sflag:s31] =	ssyncadd.s32 $0xFFFF8000  }
0x9c: {  	v3 =	vld [tilespmem:$0x30];
	_ =	sdelay $0x4  }
0x9d: {  	v63 =	vshll.u32 v3, $0x4  }
0x9e: {  	v3 =	vand.u32 $0x7, v3;
	v4 =	vand.u32 $0xFFFFFF80, v63  }
0x9f: {  	v3 =	vor.u32 v3, v4  }
0xa0: {  	v4 =	vperm.xlane v3, v0;
	_ =	sdelay $0x1  }
0xa1: {  	v4 =	vadd.s32 v1, v4;
	_ =	sdelay $0x4  }
0xa2: {  	[tilespmem:s2], [sflag:$0x2] =	stream.indirect_vreg.gather [hbm4b:s1+s3], $0x80, v4, vm0, $0xb8;
	[tilespmem:$0x10080] =	vst v63  }
0xa3: {  	s0 =	simm.s32 $0x8880  }
0xa4: {  	[tilespmem:s0], [sflag:$0x2] =	stream.indirect_vreg.gather [hbm4b:s4+s3], $0x80, v4, vm0, $0xb8;
	[tilespmem:$0x10080] =	vst v63  }
0xa5: {  	s0 =	simm.s32 $0x9080  }
0xa6: {  	[tilespmem:s0], [sflag:$0x2] =	stream.indirect_vreg.gather [hbm4b:s5+s3], $0x80, v4, vm0, $0xb8;
	[tilespmem:$0x10080] =	vst v63  }
0xa7: {  	s0 =	simm.s32 $0x9880  }
0xa8: {  	[tilespmem:s0], [sflag:$0x2] =	stream.indirect_vreg.gather [hbm4b:s6+s3], $0x80, v4, vm0, $0xb8;
	[tilespmem:$0x10080] =	vst v63  }
0xa9: {  	s0 =	simm.s32 $0xA080  }
0xaa: {  	[tilespmem:s0], [sflag:$0x2] =	stream.indirect_vreg.gather [hbm4b:s7+s3], $0x80, v4, vm0, $0xb8;
	[tilespmem:$0x10080] =	vst v63  }
0xab: {  	v3 =	vperm.xlane v3, v2;
	s0 =	simm.s32 $0xA880  }
0xac: {  	[tilespmem:s0], [sflag:$0x2] =	stream.indirect_vreg.gather [hbm4b:s8+s3], $0x80, v4, vm0, $0xb8;
	[tilespmem:$0x10080] =	vst v63  }
0xad: {  	v3 =	vadd.s32 v1, v3;
	s0 =	simm.s32 $0xB080  }
0xae: {  	[tilespmem:s0], [sflag:$0x2] =	stream.indirect_vreg.gather [hbm4b:s9+s3], $0x80, v4, vm0, $0xb8;
	[tilespmem:$0x10080] =	vst v63  }
0xaf: {  	s0 =	simm.s32 $0xB880  }
0xb0: {  	[tilespmem:s0], [sflag:$0x2] =	stream.indirect_vreg.gather [hbm4b:s10+s3], $0x80, v4, vm0, $0xb8;
	[tilespmem:$0x10080] =	vst v63  }
0xb1: {  	s0 =	simm.s32 $0xC080  }
0xb2: {  	[tilespmem:s0], [sflag:$0x2] =	stream.indirect_vreg.gather [hbm4b:s1+s3], $0x80, v3, vm0, $0xb8;
	[tilespmem:$0x10080] =	vst v63  }
0xb3: {  	s1 =	simm.s32 $0xC880  }
0xb4: {  	[tilespmem:s1], [sflag:$0x2] =	stream.indirect_vreg.gather [hbm4b:s4+s3], $0x80, v3, vm0, $0xb8;
	[tilespmem:$0x10080] =	vst v63  }
0xb5: {  	s1 =	simm.s32 $0xD080  }
0xb6: {  	[tilespmem:s1], [sflag:$0x2] =	stream.indirect_vreg.gather [hbm4b:s5+s3], $0x80, v3, vm0, $0xb8;
	[tilespmem:$0x10080] =	vst v63  }
0xb7: {  	s1 =	simm.s32 $0xD880  }
0xb8: {  	[tilespmem:s1], [sflag:$0x2] =	stream.indirect_vreg.gather [hbm4b:s6+s3], $0x80, v3, vm0, $0xb8;
	[tilespmem:$0x10080] =	vst v63  }
0xb9: {  	s1 =	simm.s32 $0xE080  }
0xba: {  	[tilespmem:s1], [sflag:$0x2] =	stream.indirect_vreg.gather [hbm4b:s7+s3], $0x80, v3, vm0, $0xb8;
	[tilespmem:$0x10080] =	vst v63  }
0xbb: {  	s1 =	simm.s32 $0xE880  }
0xbc: {  	[tilespmem:s1], [sflag:$0x2] =	stream.indirect_vreg.gather [hbm4b:s8+s3], $0x80, v3, vm0, $0xb8;
	[tilespmem:$0x10080] =	vst v63  }
0xbd: {  	s1 =	simm.s32 $0xF080  }
0xbe: {  	[tilespmem:s1], [sflag:$0x2] =	stream.indirect_vreg.gather [hbm4b:s9+s3], $0x80, v3, vm0, $0xb8;
	[tilespmem:$0x10080] =	vst v63  }
0xbf: {  	s1 =	simm.s32 $0xF880  }
0xc0: {  	[tilespmem:s1], [sflag:$0x2] =	stream.indirect_vreg.gather [hbm4b:s10+s3], $0x80, v3, vm0, $0xb8;
	[tilespmem:$0x10080] =	vst v63  }
0xc1: {  	_ =	swait.ge [sflag:s28], $0x8000  }
0xc2: {  	[sflag:s28] =	ssyncset.done $0x0  }
0xc3: {  	s1 =	rddreg [dreg:$0x7];
	[sflag:s28] =	ssyncadd.s32 $0xFFFF8000  }
0xc4: {  	[hbm4b:s1+s3] =	stream.linear.scatter [tilespmem:s2], [sflag:$0x4], $0x8000, $0x38;
	[tilespmem:$0x10080] =	vst v63  }
0xc5: {  	p0 =	sne.s32 s11, $0x1;
	_ =	swait.ge [sflag:s29], $0x8000  }
.Ltmp0:
0xc6: {  	[sflag:s29] =	ssyncset.done $0x0;
	(pc) =	sbr.rel @p0 .LBB2_1-.Ltmp0, $4  }
0xc7: {  	[sflag:s29] =	ssyncadd.s32 $0xFFFF8000  }
0xc8: {  	_ =	swait.ge [sflag:s31], $0x8000  }
0xc9: {  	[sflag:s31] =	ssyncset.done $0x0  }
0xca: {  	s11 =	sadd.s32 $0xFFFFFFFF, s11;
	[sflag:s31] =	ssyncadd.s32 $0xFFFF8000  }
0xcb: {  	_ =	sfence.sel $0x180000  }
0xcc: {  	[bflag:$0x0] =	sbarrier.arrive $0xFFFF  }
0xcd: {  	_ =	strace $0x90000050  }
0xce: {  	s0 =	stileid.u32;
	[bflag:$0x2] =	sbarrier.arrive $0xFFFF  }
0xcf: {  	p0 =	sne.s32 s0, $0x0;
	s0 =	rddreg [dreg:$0x2]  }
0xd0: {  	s0 =	sadd.s32 @!p0 $0x100000, s0  }
0xd1: {  	[sflag:s0] =	ssyncadd.tile.s32 @!p0 $0x1;
	_ =	shalt  }
.Lfunc_end2:
_tile_overlayer_lowered:
.L_overlay_start_2:
0xd2: {  	(tag) =	ssettag $0x2  }
0xd3: {  	s0 =	rddreg [dreg:$0x0];
	s2 =	stileid.u32  }
0xd4: {  	s1 =	rddreg [dreg:$0x1];
	p0 =	sne.s32 s2, $0x0  }
0xd5: {  	s3 =	rddreg [dreg:$0x2];
	[bflag:$0x3] =	sbarrier.arrive $0xFFFF;
	s2 =	simm.s32 @!p0 $0x1C05  }
0xd6: {  	[timem:s3], [sflag:s2] =	dma.local @!p0 [hbm:s0], s1  }
0xd7: {  	s0 =	simm.s32 @!p0 $0x5  }
0xd8: {  	_ =	swait.ge @!p0 [sflag:s0], s1  }
0xd9: {  	s1 =	ssub.s32 @!p0 $0x0, s1;
	[sflag:s0] =	ssyncset.done @!p0 $0x0  }
0xda: {  	[sflag:s0] =	ssyncadd.s32 @!p0 s1  }
0xdb: {  	[bflag:$0x3] =	sbarrier.arrive $0xFFFF  }
0xdc: {  	_ =	shalt  }

</sc_bundles>
